<compile_context>
chip_gen: v7x
topology: tpu7x:2x2x1
jax: 0.10.2.dev20260603
libtpu: 0.0.44.dev20260713+nightly
codegen_flags: <defaults>
</compile_context>

<pallas_src>
import functools

import jax
import jax.numpy as jnp
from jax import lax
from jax.experimental import pallas as pl
from jax.experimental.pallas import tpu as pltpu
from jax.experimental.pallas import tpu_sc as plsc

N = 10000
E = 320000
D = 128
G = 64

NC = 2
NS = 16
NW = NC * NS
CH = 128
CPT = 80
NPH = 2
CPP = CPT // NPH
E_PAD = NW * CPT * CH
N_PAD = 10240
RPT = N_PAD // NS

BLK = 1024


_MESH = plsc.VectorSubcoreMesh(core_axis_name="c", subcore_axis_name="s")


@functools.partial(
    pl.kernel,
    out_type=jax.ShapeDtypeStruct((NC, N_PAD, D), jnp.float32),
    mesh=_MESH,
    scratch_types=[
        pltpu.VMEM((CPP, CH), jnp.int32),
        pltpu.VMEM((CPP, CH), jnp.int32),
        pltpu.VMEM((CH, D), jnp.float32),
        pltpu.VMEM((CH, D), jnp.float32),
        pltpu.MemorySpace.VMEM_SHARED((N_PAD, D), jnp.float32),
        pltpu.SemaphoreType.DMA,
        pltpu.SemaphoreType.DMA,
    ],
)
def _sc_agg(src_hbm, dst_hbm, h_hbm, zeros_hbm, out_hbm,
            src_v, dst_v, buf0, buf1, agg_sh, sem0, sem1):
    c = lax.axis_index("c")
    s = lax.axis_index("s")
    wid = c * NS + s

    pltpu.sync_copy(zeros_hbm, buf0)
    for i in range(RPT // CH):
        pltpu.sync_copy(buf0, agg_sh.at[pl.ds(s * RPT + i * CH, CH)])
    plsc.subcore_barrier()

    for ph in range(NPH):
        pltpu.sync_copy(src_hbm.at[wid, pl.ds(ph * CPP, CPP)], src_v)
        pltpu.sync_copy(dst_hbm.at[wid, pl.ds(ph * CPP, CPP)], dst_v)
        pltpu.async_copy(h_hbm.at[src_v.at[0]], buf0, sem0)

        def pair(j, carry):
            pltpu.async_copy(h_hbm.at[src_v.at[j + 1]], buf1, sem1)
            pltpu.make_async_copy(h_hbm.at[pl.ds(0, CH)], buf0, sem0).wait()
            pltpu.sync_copy(buf0, agg_sh.at[dst_v.at[j]], add=True)

            @pl.when(j + 2 < CPP)
            def _():
                pltpu.async_copy(h_hbm.at[src_v.at[j + 2]], buf0, sem0)

            pltpu.make_async_copy(h_hbm.at[pl.ds(0, CH)], buf1, sem1).wait()
            pltpu.sync_copy(buf1, agg_sh.at[dst_v.at[j + 1]], add=True)
            return carry

        lax.fori_loop(0, CPP // 2, lambda i, carry: pair(2 * i, carry), 0)

    plsc.subcore_barrier()
    pltpu.sync_copy(agg_sh.at[pl.ds(s * RPT, RPT)],
                    out_hbm.at[c, pl.ds(s * RPT, RPT)])


def _tc_layer_body(h_ref, a_ref, w_ref, b_ref, o_ref):
    z = h_ref[...] + a_ref[0] + a_ref[1]
    y = jnp.dot(z, w_ref[...], preferred_element_type=jnp.float32) + b_ref[...]
    o_ref[...] = jnp.maximum(y, 0.0)


def _tc_layer(h, a, w, b):
    grid = N_PAD // BLK
    return pl.pallas_call(
        _tc_layer_body,
        grid=(grid,),
        in_specs=[
            pl.BlockSpec((BLK, D), lambda i: (i, 0)),
            pl.BlockSpec((NC, BLK, D), lambda i: (0, i, 0)),
            pl.BlockSpec((D, D), lambda i: (0, 0)),
            pl.BlockSpec((1, D), lambda i: (0, 0)),
        ],
        out_specs=pl.BlockSpec((BLK, D), lambda i: (i, 0)),
        out_shape=jax.ShapeDtypeStruct((N_PAD, D), jnp.float32),
    )(h, a, w, b.reshape(1, D))


def _tc_layer3_pool_body(h_ref, a_ref, w_ref, b_ref, batch_ref,
                         wout_ref, bout_ref, o_ref, acc_ref, cnt_ref):
    i = pl.program_id(0)

    @pl.when(i == 0)
    def _():
        acc_ref[...] = jnp.zeros_like(acc_ref)
        cnt_ref[...] = jnp.zeros_like(cnt_ref)

    z = h_ref[...] + a_ref[0] + a_ref[1]
    h3 = jnp.maximum(
        jnp.dot(z, w_ref[...], preferred_element_type=jnp.float32) + b_ref[...],
        0.0)
    bb = batch_ref[0, 0, :]
    m = (lax.broadcasted_iota(jnp.int32, (G, BLK), 0) == bb[None, :]
         ).astype(jnp.float32)
    acc_ref[...] += jnp.dot(m, h3, preferred_element_type=jnp.float32)
    cnt_ref[...] += jnp.sum(m, axis=1, keepdims=True)

    @pl.when(i == pl.num_programs(0) - 1)
    def _():
        pooled = acc_ref[...] / jnp.clip(cnt_ref[...], 1.0, None)
        o_ref[...] = (jnp.dot(pooled, wout_ref[...],
                              preferred_element_type=jnp.float32)
                      + bout_ref[...])


def _tc_layer3_pool(h, a, w, b, batch_r, wout, bout):
    grid = N_PAD // BLK
    return pl.pallas_call(
        _tc_layer3_pool_body,
        grid=(grid,),
        in_specs=[
            pl.BlockSpec((BLK, D), lambda i: (i, 0)),
            pl.BlockSpec((NC, BLK, D), lambda i: (0, i, 0)),
            pl.BlockSpec((D, D), lambda i: (0, 0)),
            pl.BlockSpec((1, D), lambda i: (0, 0)),
            pl.BlockSpec((1, 1, BLK), lambda i: (i, 0, 0)),
            pl.BlockSpec((D, D), lambda i: (0, 0)),
            pl.BlockSpec((1, D), lambda i: (0, 0)),
        ],
        out_specs=pl.BlockSpec((G, D), lambda i: (0, 0)),
        out_shape=jax.ShapeDtypeStruct((G, D), jnp.float32),
        scratch_shapes=[
            pltpu.VMEM((G, D), jnp.float32),
            pltpu.VMEM((G, D), jnp.float32),
        ],
    )(h, a, w, b.reshape(1, D), batch_r, wout, bout.reshape(1, D))


def kernel(x, edge_index, batch, W1, b1, W2, b2, W3, b3, Wout, bout):
    src = edge_index[0]
    dst = edge_index[1]
    pad_e = E_PAD - E
    src_r = jnp.concatenate(
        [src, jnp.full((pad_e,), N, jnp.int32)]).reshape(NW, CPT, CH)
    dst_r = jnp.concatenate(
        [dst, jnp.full((pad_e,), N, jnp.int32)]).reshape(NW, CPT, CH)
    x_pad = jnp.concatenate(
        [x, jnp.zeros((N_PAD - N, D), jnp.float32)], axis=0)
    batch_r = jnp.concatenate(
        [batch, jnp.full((N_PAD - N,), G, jnp.int32)]
    ).reshape(N_PAD // BLK, 1, BLK)
    zeros_chunk = jnp.zeros((CH, D), jnp.float32)

    h = x_pad
    for w, b in ((W1, b1), (W2, b2)):
        a = _sc_agg(src_r, dst_r, h, zeros_chunk)
        h = _tc_layer(h, a, w, b)
    a = _sc_agg(src_r, dst_r, h, zeros_chunk)
    return _tc_layer3_pool(h, a, W3, b3, batch_r, Wout, bout)

# --- scband reference (transcript-rebuilt; emitter-appended) ---
"""Pipeline reference for scband-ginconv-v1-16020228014646 (READ-ONLY COPY).

The authoritative reference and input builder live on the scoring server;
editing this copy changes nothing except your own understanding.
"""

import jax, jax.numpy as jnp
import numpy as np

N_NODES = 10000
N_EDGES = 320000
D_IN = 128
D_HID = 128
D_OUT = 128
N_GRAPHS = 64


def setup_inputs(seed: int = 0) -> dict:
    key = jax.random.key(seed)
    ks = jax.random.split(key, 12)
    x = jax.random.normal(ks[0], (N_NODES, D_IN), dtype=jnp.float32)
    edge_index = jax.random.randint(ks[1], (2, N_EDGES), 0, N_NODES, dtype=jnp.int32)
    batch = jnp.sort(jax.random.randint(ks[2], (N_NODES,), 0, N_GRAPHS, dtype=jnp.int32))
    s_in = 1.0 / np.sqrt(D_IN)
    s_hid = 1.0 / np.sqrt(D_HID)
    W1 = jax.random.uniform(ks[3], (D_IN, D_HID), jnp.float32, -s_in, s_in)
    b1 = jax.random.uniform(ks[4], (D_HID,), jnp.float32, -s_in, s_in)
    W2 = jax.random.uniform(ks[5], (D_HID, D_HID), jnp.float32, -s_hid, s_hid)
    b2 = jax.random.uniform(ks[6], (D_HID,), jnp.float32, -s_hid, s_hid)
    W3 = jax.random.uniform(ks[7], (D_HID, D_HID), jnp.float32, -s_hid, s_hid)
    b3 = jax.random.uniform(ks[8], (D_HID,), jnp.float32, -s_hid, s_hid)
    Wout = jax.random.uniform(ks[9], (D_HID, D_OUT), jnp.float32, -s_hid, s_hid)
    bout = jax.random.uniform(ks[10], (D_OUT,), jnp.float32, -s_hid, s_hid)
    return {"x": x, "edge_index": edge_index, "batch": batch,
            "W1": W1, "b1": b1, "W2": W2, "b2": b2, "W3": W3, "b3": b3,
            "Wout": Wout, "bout": bout}


def _gin_layer(x, edge_index, W, b):
    # GIN aggregation (eps = 0): (1 + eps) * x + sum_{j in N(i)} x_j, then Linear
    src = edge_index[0]
    dst = edge_index[1]
    msgs = jnp.take(x, src, axis=0)                       # gather over edges
    agg = jax.ops.segment_sum(msgs, dst, num_segments=x.shape[0])  # scatter-add
    z = x + agg
    return z @ W + b


def reference(x, edge_index, batch, W1, b1, W2, b2, W3, b3, Wout, bout):
    # layer 1
    h = _gin_layer(x, edge_index, W1, b1)
    h = jax.nn.relu(h)  # act (dropout p=0.0, no norm)
    # layer 2
    h = _gin_layer(h, edge_index, W2, b2)
    h = jax.nn.relu(h)
    # layer 3
    h = _gin_layer(h, edge_index, W3, b3)
    h = jax.nn.relu(h)
    # global_mean_pool over graphs
    sums = jax.ops.segment_sum(h, batch, num_segments=N_GRAPHS)
    counts = jax.ops.segment_sum(jnp.ones((h.shape[0],), jnp.float32), batch, num_segments=N_GRAPHS)
    pooled = sums / jnp.clip(counts, 1.0, None)[:, None]
    # output linear
    out = pooled @ Wout + bout
    return out

if __name__ == "__main__":
    import jax
    _d = setup_inputs()
    print(jax.jit(kernel)(*tuple(_d.values())))

</pallas_src>

<mosaic_0001>
#map = affine_map<(d0, d1) -> (0, 0, 0)>
#map1 = affine_map<(d0, d1) -> (0, 0)>
module attributes {stable_mosaic.version = 14 : i64} {
  func.func @_sc_agg(%arg0: i32, %arg1: i32, %arg2: memref<32x80x128xi32, #tpu.memory_space<hbm>>, %arg3: memref<32x80x128xi32, #tpu.memory_space<hbm>>, %arg4: memref<10240x128xf32, #tpu.memory_space<hbm>>, %arg5: memref<128x128xf32, #tpu.memory_space<hbm>>, %arg6: memref<2x10240x128xf32, #tpu.memory_space<hbm>>, %arg7: memref<40x128xi32, #tpu.memory_space<vmem>>, %arg8: memref<40x128xi32, #tpu.memory_space<vmem>>, %arg9: memref<128x128xf32, #tpu.memory_space<vmem>>, %arg10: memref<128x128xf32, #tpu.memory_space<vmem>>, %arg11: memref<10240x128xf32, #tpu.memory_space<vmem_shared>>, %arg12: memref<!tpu.dma_semaphore, #tpu.memory_space<semaphore_mem>>, %arg13: memref<!tpu.dma_semaphore, #tpu.memory_space<semaphore_mem>>) attributes {dimension_semantics = [#tpu.dimension_semantics<core_parallel>, #tpu.dimension_semantics<subcore_parallel>], iteration_bounds = array<i64: 2, 16>, scalar_prefetch = 0 : i64, scratch_operands = 7 : i64, tpu.core_type = #tpu.core_type<sc_vector_subcore>, window_params = [{transform_indices = #map}, {transform_indices = #map}, {transform_indices = #map1}, {transform_indices = #map1}, {transform_indices = #map}]} {
    %mul3A = arith.constant 16 : i32
    %mul3A_0 = arith.muli %arg0, %mul3A : i32
    %add3A = arith.addi %mul3A_0, %arg1 : i32
    "tpu.region"() ({
      %run_scoped3A = tpu.sem_alloc : memref<!tpu.dma_semaphore, #tpu.memory_space<semaphore_mem>>
      tpu.enqueue_dma source(%arg5 : memref<128x128xf32, #tpu.memory_space<hbm>>) target(%arg9 : memref<128x128xf32, #tpu.memory_space<vmem>>) target_semaphore(%run_scoped3A : memref<!tpu.dma_semaphore, #tpu.memory_space<semaphore_mem>>)
      tpu.wait_dma2 semaphore(%run_scoped3A : memref<!tpu.dma_semaphore, #tpu.memory_space<semaphore_mem>>) src(%arg5 : memref<128x128xf32, #tpu.memory_space<hbm>>) dst(%arg9 : memref<128x128xf32, #tpu.memory_space<vmem>>)
      tpu.yield
    }) : () -> ()
    %mul3A_1 = arith.constant 640 : i32
    %mul3A_2 = arith.muli %arg1, %mul3A_1 : i32
    %add3A_3 = arith.constant 0 : i32
    %add3A_4 = arith.addi %mul3A_2, %add3A_3 : i32
    "tpu.region"() ({
      %run_scoped3A = tpu.sem_alloc : memref<!tpu.dma_semaphore, #tpu.memory_space<semaphore_mem>>
      %dma_start3A_50 = arith.constant 0 : i32
      %dma_start3A_51 = tpu.memref_slice %arg11[%add3A_4, %dma_start3A_50] : memref<10240x128xf32, #tpu.memory_space<vmem_shared>> -> memref<128x128xf32, #tpu.memory_space<vmem_shared>>
      %dma_start3A_52 = arith.constant 0 : i32
      %dma_start3A_53 = tpu.memref_slice %arg11[%add3A_4, %dma_start3A_52] : memref<10240x128xf32, #tpu.memory_space<vmem_shared>> -> memref<128x128xf32, #tpu.memory_space<vmem_shared>>
      tpu.enqueue_dma source(%arg9 : memref<128x128xf32, #tpu.memory_space<vmem>>) target(%dma_start3A_53 : memref<128x128xf32, #tpu.memory_space<vmem_shared>>) target_semaphore(%run_scoped3A : memref<!tpu.dma_semaphore, #tpu.memory_space<semaphore_mem>>)
      %dma_wait3A = arith.constant 0 : i32
      %dma_wait3A_54 = tpu.memref_slice %arg11[%add3A_4, %dma_wait3A] : memref<10240x128xf32, #tpu.memory_space<vmem_shared>> -> memref<128x128xf32, #tpu.memory_space<vmem_shared>>
      %dma_wait3A_55 = arith.constant 0 : i32
      %dma_wait3A_56 = tpu.memref_slice %arg11[%add3A_4, %dma_wait3A_55] : memref<10240x128xf32, #tpu.memory_space<vmem_shared>> -> memref<128x128xf32, #tpu.memory_space<vmem_shared>>
      tpu.wait_dma2 semaphore(%run_scoped3A : memref<!tpu.dma_semaphore, #tpu.memory_space<semaphore_mem>>) src(%arg9 : memref<128x128xf32, #tpu.memory_space<vmem>>) dst(%dma_wait3A_56 : memref<128x128xf32, #tpu.memory_space<vmem_shared>>)
      tpu.yield
    }) : () -> ()
    %mul3A_5 = arith.constant 640 : i32
    %mul3A_6 = arith.muli %arg1, %mul3A_5 : i32
    %add3A_7 = arith.constant 128 : i32
    %add3A_8 = arith.addi %mul3A_6, %add3A_7 : i32
    "tpu.region"() ({
      %run_scoped3A = tpu.sem_alloc : memref<!tpu.dma_semaphore, #tpu.memory_space<semaphore_mem>>
      %dma_start3A_50 = arith.constant 0 : i32
      %dma_start3A_51 = tpu.memref_slice %arg11[%add3A_8, %dma_start3A_50] : memref<10240x128xf32, #tpu.memory_space<vmem_shared>> -> memref<128x128xf32, #tpu.memory_space<vmem_shared>>
      %dma_start3A_52 = arith.constant 0 : i32
      %dma_start3A_53 = tpu.memref_slice %arg11[%add3A_8, %dma_start3A_52] : memref<10240x128xf32, #tpu.memory_space<vmem_shared>> -> memref<128x128xf32, #tpu.memory_space<vmem_shared>>
      tpu.enqueue_dma source(%arg9 : memref<128x128xf32, #tpu.memory_space<vmem>>) target(%dma_start3A_53 : memref<128x128xf32, #tpu.memory_space<vmem_shared>>) target_semaphore(%run_scoped3A : memref<!tpu.dma_semaphore, #tpu.memory_space<semaphore_mem>>)
      %dma_wait3A = arith.constant 0 : i32
      %dma_wait3A_54 = tpu.memref_slice %arg11[%add3A_8, %dma_wait3A] : memref<10240x128xf32, #tpu.memory_space<vmem_shared>> -> memref<128x128xf32, #tpu.memory_space<vmem_shared>>
      %dma_wait3A_55 = arith.constant 0 : i32
      %dma_wait3A_56 = tpu.memref_slice %arg11[%add3A_8, %dma_wait3A_55] : memref<10240x128xf32, #tpu.memory_space<vmem_shared>> -> memref<128x128xf32, #tpu.memory_space<vmem_shared>>
      tpu.wait_dma2 semaphore(%run_scoped3A : memref<!tpu.dma_semaphore, #tpu.memory_space<semaphore_mem>>) src(%arg9 : memref<128x128xf32, #tpu.memory_space<vmem>>) dst(%dma_wait3A_56 : memref<128x128xf32, #tpu.memory_space<vmem_shared>>)
      tpu.yield
    }) : () -> ()
    %mul3A_9 = arith.constant 640 : i32
    %mul3A_10 = arith.muli %arg1, %mul3A_9 : i32
    %add3A_11 = arith.constant 256 : i32
    %add3A_12 = arith.addi %mul3A_10, %add3A_11 : i32
    "tpu.region"() ({
      %run_scoped3A = tpu.sem_alloc : memref<!tpu.dma_semaphore, #tpu.memory_space<semaphore_mem>>
      %dma_start3A_50 = arith.constant 0 : i32
      %dma_start3A_51 = tpu.memref_slice %arg11[%add3A_12, %dma_start3A_50] : memref<10240x128xf32, #tpu.memory_space<vmem_shared>> -> memref<128x128xf32, #tpu.memory_space<vmem_shared>>
      %dma_start3A_52 = arith.constant 0 : i32
      %dma_start3A_53 = tpu.memref_slice %arg11[%add3A_12, %dma_start3A_52] : memref<10240x128xf32, #tpu.memory_space<vmem_shared>> -> memref<128x128xf32, #tpu.memory_space<vmem_shared>>
      tpu.enqueue_dma source(%arg9 : memref<128x128xf32, #tpu.memory_space<vmem>>) target(%dma_start3A_53 : memref<128x128xf32, #tpu.memory_space<vmem_shared>>) target_semaphore(%run_scoped3A : memref<!tpu.dma_semaphore, #tpu.memory_space<semaphore_mem>>)
      %dma_wait3A = arith.constant 0 : i32
      %dma_wait3A_54 = tpu.memref_slice %arg11[%add3A_12, %dma_wait3A] : memref<10240x128xf32, #tpu.memory_space<vmem_shared>> -> memref<128x128xf32, #tpu.memory_space<vmem_shared>>
      %dma_wait3A_55 = arith.constant 0 : i32
      %dma_wait3A_56 = tpu.memref_slice %arg11[%add3A_12, %dma_wait3A_55] : memref<10240x128xf32, #tpu.memory_space<vmem_shared>> -> memref<128x128xf32, #tpu.memory_space<vmem_shared>>
      tpu.wait_dma2 semaphore(%run_scoped3A : memref<!tpu.dma_semaphore, #tpu.memory_space<semaphore_mem>>) src(%arg9 : memref<128x128xf32, #tpu.memory_space<vmem>>) dst(%dma_wait3A_56 : memref<128x128xf32, #tpu.memory_space<vmem_shared>>)
      tpu.yield
    }) : () -> ()
    %mul3A_13 = arith.constant 640 : i32
    %mul3A_14 = arith.muli %arg1, %mul3A_13 : i32
    %add3A_15 = arith.constant 384 : i32
    %add3A_16 = arith.addi %mul3A_14, %add3A_15 : i32
    "tpu.region"() ({
      %run_scoped3A = tpu.sem_alloc : memref<!tpu.dma_semaphore, #tpu.memory_space<semaphore_mem>>
      %dma_start3A_50 = arith.constant 0 : i32
      %dma_start3A_51 = tpu.memref_slice %arg11[%add3A_16, %dma_start3A_50] : memref<10240x128xf32, #tpu.memory_space<vmem_shared>> -> memref<128x128xf32, #tpu.memory_space<vmem_shared>>
      %dma_start3A_52 = arith.constant 0 : i32
      %dma_start3A_53 = tpu.memref_slice %arg11[%add3A_16, %dma_start3A_52] : memref<10240x128xf32, #tpu.memory_space<vmem_shared>> -> memref<128x128xf32, #tpu.memory_space<vmem_shared>>
      tpu.enqueue_dma source(%arg9 : memref<128x128xf32, #tpu.memory_space<vmem>>) target(%dma_start3A_53 : memref<128x128xf32, #tpu.memory_space<vmem_shared>>) target_semaphore(%run_scoped3A : memref<!tpu.dma_semaphore, #tpu.memory_space<semaphore_mem>>)
      %dma_wait3A = arith.constant 0 : i32
      %dma_wait3A_54 = tpu.memref_slice %arg11[%add3A_16, %dma_wait3A] : memref<10240x128xf32, #tpu.memory_space<vmem_shared>> -> memref<128x128xf32, #tpu.memory_space<vmem_shared>>
      %dma_wait3A_55 = arith.constant 0 : i32
      %dma_wait3A_56 = tpu.memref_slice %arg11[%add3A_16, %dma_wait3A_55] : memref<10240x128xf32, #tpu.memory_space<vmem_shared>> -> memref<128x128xf32, #tpu.memory_space<vmem_shared>>
      tpu.wait_dma2 semaphore(%run_scoped3A : memref<!tpu.dma_semaphore, #tpu.memory_space<semaphore_mem>>) src(%arg9 : memref<128x128xf32, #tpu.memory_space<vmem>>) dst(%dma_wait3A_56 : memref<128x128xf32, #tpu.memory_space<vmem_shared>>)
      tpu.yield
    }) : () -> ()
    %mul3A_17 = arith.constant 640 : i32
    %mul3A_18 = arith.muli %arg1, %mul3A_17 : i32
    %add3A_19 = arith.constant 512 : i32
    %add3A_20 = arith.addi %mul3A_18, %add3A_19 : i32
    "tpu.region"() ({
      %run_scoped3A = tpu.sem_alloc : memref<!tpu.dma_semaphore, #tpu.memory_space<semaphore_mem>>
      %dma_start3A_50 = arith.constant 0 : i32
      %dma_start3A_51 = tpu.memref_slice %arg11[%add3A_20, %dma_start3A_50] : memref<10240x128xf32, #tpu.memory_space<vmem_shared>> -> memref<128x128xf32, #tpu.memory_space<vmem_shared>>
      %dma_start3A_52 = arith.constant 0 : i32
      %dma_start3A_53 = tpu.memref_slice %arg11[%add3A_20, %dma_start3A_52] : memref<10240x128xf32, #tpu.memory_space<vmem_shared>> -> memref<128x128xf32, #tpu.memory_space<vmem_shared>>
      tpu.enqueue_dma source(%arg9 : memref<128x128xf32, #tpu.memory_space<vmem>>) target(%dma_start3A_53 : memref<128x128xf32, #tpu.memory_space<vmem_shared>>) target_semaphore(%run_scoped3A : memref<!tpu.dma_semaphore, #tpu.memory_space<semaphore_mem>>)
      %dma_wait3A = arith.constant 0 : i32
      %dma_wait3A_54 = tpu.memref_slice %arg11[%add3A_20, %dma_wait3A] : memref<10240x128xf32, #tpu.memory_space<vmem_shared>> -> memref<128x128xf32, #tpu.memory_space<vmem_shared>>
      %dma_wait3A_55 = arith.constant 0 : i32
      %dma_wait3A_56 = tpu.memref_slice %arg11[%add3A_20, %dma_wait3A_55] : memref<10240x128xf32, #tpu.memory_space<vmem_shared>> -> memref<128x128xf32, #tpu.memory_space<vmem_shared>>
      tpu.wait_dma2 semaphore(%run_scoped3A : memref<!tpu.dma_semaphore, #tpu.memory_space<semaphore_mem>>) src(%arg9 : memref<128x128xf32, #tpu.memory_space<vmem>>) dst(%dma_wait3A_56 : memref<128x128xf32, #tpu.memory_space<vmem_shared>>)
      tpu.yield
    }) : () -> ()
    %barrier3A = arith.constant 0 : index
    tpu.barrier barrier_id(%barrier3A)
    "tpu.region"() ({
      %run_scoped3A = tpu.sem_alloc : memref<!tpu.dma_semaphore, #tpu.memory_space<semaphore_mem>>
      %dma_start3A_50 = arith.constant 0 : i32
      %dma_start3A_51 = arith.constant 0 : i32
      %dma_start3A_52 = tpu.memref_slice %arg2[%add3A, %dma_start3A_50, %dma_start3A_51] : memref<32x80x128xi32, #tpu.memory_space<hbm>> -> memref<1x40x128xi32, #tpu.memory_space<hbm>>
      %dma_start3A_53 = tpu.memref_squeeze %dma_start3A_52 : memref<1x40x128xi32, #tpu.memory_space<hbm>> -> memref<40x128xi32, #tpu.memory_space<hbm>>
      %dma_start3A_54 = arith.constant 0 : i32
      %dma_start3A_55 = arith.constant 0 : i32
      %dma_start3A_56 = tpu.memref_slice %arg2[%add3A, %dma_start3A_54, %dma_start3A_55] : memref<32x80x128xi32, #tpu.memory_space<hbm>> -> memref<1x40x128xi32, #tpu.memory_space<hbm>>
      %dma_start3A_57 = tpu.memref_squeeze %dma_start3A_56 : memref<1x40x128xi32, #tpu.memory_space<hbm>> -> memref<40x128xi32, #tpu.memory_space<hbm>>
      tpu.enqueue_dma source(%dma_start3A_57 : memref<40x128xi32, #tpu.memory_space<hbm>>) target(%arg7 : memref<40x128xi32, #tpu.memory_space<vmem>>) target_semaphore(%run_scoped3A : memref<!tpu.dma_semaphore, #tpu.memory_space<semaphore_mem>>)
      %dma_wait3A = arith.constant 0 : i32
      %dma_wait3A_58 = arith.constant 0 : i32
      %dma_wait3A_59 = tpu.memref_slice %arg2[%add3A, %dma_wait3A, %dma_wait3A_58] : memref<32x80x128xi32, #tpu.memory_space<hbm>> -> memref<1x40x128xi32, #tpu.memory_space<hbm>>
      %dma_wait3A_60 = tpu.memref_squeeze %dma_wait3A_59 : memref<1x40x128xi32, #tpu.memory_space<hbm>> -> memref<40x128xi32, #tpu.memory_space<hbm>>
      %dma_wait3A_61 = arith.constant 0 : i32
      %dma_wait3A_62 = arith.constant 0 : i32
      %dma_wait3A_63 = tpu.memref_slice %arg2[%add3A, %dma_wait3A_61, %dma_wait3A_62] : memref<32x80x128xi32, #tpu.memory_space<hbm>> -> memref<1x40x128xi32, #tpu.memory_space<hbm>>
      %dma_wait3A_64 = tpu.memref_squeeze %dma_wait3A_63 : memref<1x40x128xi32, #tpu.memory_space<hbm>> -> memref<40x128xi32, #tpu.memory_space<hbm>>
      tpu.wait_dma2 semaphore(%run_scoped3A : memref<!tpu.dma_semaphore, #tpu.memory_space<semaphore_mem>>) src(%dma_wait3A_64 : memref<40x128xi32, #tpu.memory_space<hbm>>) dst(%arg7 : memref<40x128xi32, #tpu.memory_space<vmem>>)
      tpu.yield
    }) : () -> ()
    "tpu.region"() ({
      %run_scoped3A = tpu.sem_alloc : memref<!tpu.dma_semaphore, #tpu.memory_space<semaphore_mem>>
      %dma_start3A_50 = arith.constant 0 : i32
      %dma_start3A_51 = arith.constant 0 : i32
      %dma_start3A_52 = tpu.memref_slice %arg3[%add3A, %dma_start3A_50, %dma_start3A_51] : memref<32x80x128xi32, #tpu.memory_space<hbm>> -> memref<1x40x128xi32, #tpu.memory_space<hbm>>
      %dma_start3A_53 = tpu.memref_squeeze %dma_start3A_52 : memref<1x40x128xi32, #tpu.memory_space<hbm>> -> memref<40x128xi32, #tpu.memory_space<hbm>>
      %dma_start3A_54 = arith.constant 0 : i32
      %dma_start3A_55 = arith.constant 0 : i32
      %dma_start3A_56 = tpu.memref_slice %arg3[%add3A, %dma_start3A_54, %dma_start3A_55] : memref<32x80x128xi32, #tpu.memory_space<hbm>> -> memref<1x40x128xi32, #tpu.memory_space<hbm>>
      %dma_start3A_57 = tpu.memref_squeeze %dma_start3A_56 : memref<1x40x128xi32, #tpu.memory_space<hbm>> -> memref<40x128xi32, #tpu.memory_space<hbm>>
      tpu.enqueue_dma source(%dma_start3A_57 : memref<40x128xi32, #tpu.memory_space<hbm>>) target(%arg8 : memref<40x128xi32, #tpu.memory_space<vmem>>) target_semaphore(%run_scoped3A : memref<!tpu.dma_semaphore, #tpu.memory_space<semaphore_mem>>)
      %dma_wait3A = arith.constant 0 : i32
      %dma_wait3A_58 = arith.constant 0 : i32
      %dma_wait3A_59 = tpu.memref_slice %arg3[%add3A, %dma_wait3A, %dma_wait3A_58] : memref<32x80x128xi32, #tpu.memory_space<hbm>> -> memref<1x40x128xi32, #tpu.memory_space<hbm>>
      %dma_wait3A_60 = tpu.memref_squeeze %dma_wait3A_59 : memref<1x40x128xi32, #tpu.memory_space<hbm>> -> memref<40x128xi32, #tpu.memory_space<hbm>>
      %dma_wait3A_61 = arith.constant 0 : i32
      %dma_wait3A_62 = arith.constant 0 : i32
      %dma_wait3A_63 = tpu.memref_slice %arg3[%add3A, %dma_wait3A_61, %dma_wait3A_62] : memref<32x80x128xi32, #tpu.memory_space<hbm>> -> memref<1x40x128xi32, #tpu.memory_space<hbm>>
      %dma_wait3A_64 = tpu.memref_squeeze %dma_wait3A_63 : memref<1x40x128xi32, #tpu.memory_space<hbm>> -> memref<40x128xi32, #tpu.memory_space<hbm>>
      tpu.wait_dma2 semaphore(%run_scoped3A : memref<!tpu.dma_semaphore, #tpu.memory_space<semaphore_mem>>) src(%dma_wait3A_64 : memref<40x128xi32, #tpu.memory_space<hbm>>) dst(%arg8 : memref<40x128xi32, #tpu.memory_space<vmem>>)
      tpu.yield
    }) : () -> ()
    %dma_start3A = arith.constant 0 : i32
    %dma_start3A_21 = arith.constant 0 : i32
    %dma_start3A_22 = tpu.memref_slice %arg7[%dma_start3A, %dma_start3A_21] : memref<40x128xi32, #tpu.memory_space<vmem>> -> memref<1x128xi32, #tpu.memory_space<vmem>>
    %dma_start3A_23 = tpu.memref_squeeze %dma_start3A_22 : memref<1x128xi32, #tpu.memory_space<vmem>> -> memref<128xi32, #tpu.memory_space<vmem>>
    %dma_start3A_24 = arith.constant 0 : i32
    %dma_start3A_25 = arith.constant 0 : i32
    %dma_start3A_26 = tpu.memref_slice %arg4[%dma_start3A_24, %dma_start3A_25] : memref<10240x128xf32, #tpu.memory_space<hbm>> -> memref<10240x128xf32, #tpu.memory_space<hbm>>
    tpu.enqueue_indirect_dma source(%dma_start3A_26 : memref<10240x128xf32, #tpu.memory_space<hbm>>) target(%arg9 : memref<128x128xf32, #tpu.memory_space<vmem>>) offsets(%dma_start3A_23 : memref<128xi32, #tpu.memory_space<vmem>>) semaphore(%arg12 : memref<!tpu.dma_semaphore, #tpu.memory_space<semaphore_mem>>)
    %scan3A = arith.constant 0 : i32
    %scan3A_27 = arith.constant 0 : i32
    %scan3A_28 = arith.constant 20 : i32
    %scan3A_29 = arith.addi %scan3A_27, %scan3A_28 : i32
    %scan3A_30 = arith.constant 1 : i32
    scf.for %scan3A_50 = %scan3A_27 to %scan3A_29 step %scan3A_30  : i32 {
      %mul3A_51 = arith.constant 2 : i32
      %mul3A_52 = arith.muli %mul3A_51, %scan3A_50 : i32
      %add3A_53 = arith.constant 1 : i32
      %add3A_54 = arith.addi %mul3A_52, %add3A_53 : i32
      %dma_start3A_55 = arith.constant 0 : i32
      %dma_start3A_56 = tpu.memref_slice %arg7[%add3A_54, %dma_start3A_55] : memref<40x128xi32, #tpu.memory_space<vmem>> -> memref<1x128xi32, #tpu.memory_space<vmem>>
      %dma_start3A_57 = tpu.memref_squeeze %dma_start3A_56 : memref<1x128xi32, #tpu.memory_space<vmem>> -> memref<128xi32, #tpu.memory_space<vmem>>
      %dma_start3A_58 = arith.constant 0 : i32
      %dma_start3A_59 = arith.constant 0 : i32
      %dma_start3A_60 = tpu.memref_slice %arg4[%dma_start3A_58, %dma_start3A_59] : memref<10240x128xf32, #tpu.memory_space<hbm>> -> memref<10240x128xf32, #tpu.memory_space<hbm>>
      tpu.enqueue_indirect_dma source(%dma_start3A_60 : memref<10240x128xf32, #tpu.memory_space<hbm>>) target(%arg10 : memref<128x128xf32, #tpu.memory_space<vmem>>) offsets(%dma_start3A_57 : memref<128xi32, #tpu.memory_space<vmem>>) semaphore(%arg13 : memref<!tpu.dma_semaphore, #tpu.memory_space<semaphore_mem>>)
      %dma_wait3A = arith.constant 0 : i32
      %dma_wait3A_61 = arith.constant 0 : i32
      %dma_wait3A_62 = tpu.memref_slice %arg4[%dma_wait3A, %dma_wait3A_61] : memref<10240x128xf32, #tpu.memory_space<hbm>> -> memref<128x128xf32, #tpu.memory_space<hbm>>
      %dma_wait3A_63 = arith.constant 0 : i32
      %dma_wait3A_64 = arith.constant 0 : i32
      %dma_wait3A_65 = tpu.memref_slice %arg4[%dma_wait3A_63, %dma_wait3A_64] : memref<10240x128xf32, #tpu.memory_space<hbm>> -> memref<128x128xf32, #tpu.memory_space<hbm>>
      tpu.wait_dma2 semaphore(%arg12 : memref<!tpu.dma_semaphore, #tpu.memory_space<semaphore_mem>>) src(%dma_wait3A_65 : memref<128x128xf32, #tpu.memory_space<hbm>>) dst(%arg9 : memref<128x128xf32, #tpu.memory_space<vmem>>)
      "tpu.region"() ({
        %run_scoped3A = tpu.sem_alloc : memref<!tpu.dma_semaphore, #tpu.memory_space<semaphore_mem>>
        %dma_start3A_78 = arith.constant 0 : i32
        %dma_start3A_79 = tpu.memref_slice %arg8[%mul3A_52, %dma_start3A_78] : memref<40x128xi32, #tpu.memory_space<vmem>> -> memref<1x128xi32, #tpu.memory_space<vmem>>
        %dma_start3A_80 = tpu.memref_squeeze %dma_start3A_79 : memref<1x128xi32, #tpu.memory_space<vmem>> -> memref<128xi32, #tpu.memory_space<vmem>>
        %dma_start3A_81 = arith.constant 0 : i32
        %dma_start3A_82 = arith.constant 0 : i32
        %dma_start3A_83 = tpu.memref_slice %arg11[%dma_start3A_81, %dma_start3A_82] : memref<10240x128xf32, #tpu.memory_space<vmem_shared>> -> memref<10240x128xf32, #tpu.memory_space<vmem_shared>>
        tpu.enqueue_indirect_dma source(%arg9 : memref<128x128xf32, #tpu.memory_space<vmem>>) target(%dma_start3A_83 : memref<10240x128xf32, #tpu.memory_space<vmem_shared>>) offsets(%dma_start3A_80 : memref<128xi32, #tpu.memory_space<vmem>>) semaphore(%run_scoped3A : memref<!tpu.dma_semaphore, #tpu.memory_space<semaphore_mem>>) {add = true}
        %dma_wait3A_84 = arith.constant 0 : i32
        %dma_wait3A_85 = tpu.memref_slice %arg8[%mul3A_52, %dma_wait3A_84] : memref<40x128xi32, #tpu.memory_space<vmem>> -> memref<1x128xi32, #tpu.memory_space<vmem>>
        %dma_wait3A_86 = tpu.memref_squeeze %dma_wait3A_85 : memref<1x128xi32, #tpu.memory_space<vmem>> -> memref<128xi32, #tpu.memory_space<vmem>>
        %dma_wait3A_87 = arith.constant 0 : i32
        %dma_wait3A_88 = arith.constant 0 : i32
        %dma_wait3A_89 = tpu.memref_slice %arg11[%dma_wait3A_87, %dma_wait3A_88] : memref<10240x128xf32, #tpu.memory_space<vmem_shared>> -> memref<10240x128xf32, #tpu.memory_space<vmem_shared>>
        tpu.wait_indirect_dma semaphore(%run_scoped3A : memref<!tpu.dma_semaphore, #tpu.memory_space<semaphore_mem>>) src(%arg9 : memref<128x128xf32, #tpu.memory_space<vmem>>) dst(%dma_wait3A_89 : memref<10240x128xf32, #tpu.memory_space<vmem_shared>>)
        tpu.yield
      }) : () -> ()
      %add3A_66 = arith.constant 2 : i32
      %add3A_67 = arith.addi %mul3A_52, %add3A_66 : i32
      %lt3A = arith.constant 40 : i32
      %lt3A_68 = arith.cmpi slt, %add3A_67, %lt3A : i32
      %convert_element_type3A = arith.extui %lt3A_68 : i1 to i32
      %cond3A = arith.constant 0 : i32
      %cond3A_69 = arith.cmpi ne, %convert_element_type3A, %cond3A : i32
      scf.if %cond3A_69 {
        %add3A_78 = arith.constant 2 : i32
        %add3A_79 = arith.addi %mul3A_52, %add3A_78 : i32
        %dma_start3A_80 = arith.constant 0 : i32
        %dma_start3A_81 = tpu.memref_slice %arg7[%add3A_79, %dma_start3A_80] : memref<40x128xi32, #tpu.memory_space<vmem>> -> memref<1x128xi32, #tpu.memory_space<vmem>>
        %dma_start3A_82 = tpu.memref_squeeze %dma_start3A_81 : memref<1x128xi32, #tpu.memory_space<vmem>> -> memref<128xi32, #tpu.memory_space<vmem>>
        %dma_start3A_83 = arith.constant 0 : i32
        %dma_start3A_84 = arith.constant 0 : i32
        %dma_start3A_85 = tpu.memref_slice %arg4[%dma_start3A_83, %dma_start3A_84] : memref<10240x128xf32, #tpu.memory_space<hbm>> -> memref<10240x128xf32, #tpu.memory_space<hbm>>
        tpu.enqueue_indirect_dma source(%dma_start3A_85 : memref<10240x128xf32, #tpu.memory_space<hbm>>) target(%arg9 : memref<128x128xf32, #tpu.memory_space<vmem>>) offsets(%dma_start3A_82 : memref<128xi32, #tpu.memory_space<vmem>>) semaphore(%arg12 : memref<!tpu.dma_semaphore, #tpu.memory_space<semaphore_mem>>)
      } else {
      }
      %dma_wait3A_70 = arith.constant 0 : i32
      %dma_wait3A_71 = arith.constant 0 : i32
      %dma_wait3A_72 = tpu.memref_slice %arg4[%dma_wait3A_70, %dma_wait3A_71] : memref<10240x128xf32, #tpu.memory_space<hbm>> -> memref<128x128xf32, #tpu.memory_space<hbm>>
      %dma_wait3A_73 = arith.constant 0 : i32
      %dma_wait3A_74 = arith.constant 0 : i32
      %dma_wait3A_75 = tpu.memref_slice %arg4[%dma_wait3A_73, %dma_wait3A_74] : memref<10240x128xf32, #tpu.memory_space<hbm>> -> memref<128x128xf32, #tpu.memory_space<hbm>>
      tpu.wait_dma2 semaphore(%arg13 : memref<!tpu.dma_semaphore, #tpu.memory_space<semaphore_mem>>) src(%dma_wait3A_75 : memref<128x128xf32, #tpu.memory_space<hbm>>) dst(%arg10 : memref<128x128xf32, #tpu.memory_space<vmem>>)
      %add3A_76 = arith.constant 1 : i32
      %add3A_77 = arith.addi %mul3A_52, %add3A_76 : i32
      "tpu.region"() ({
        %run_scoped3A = tpu.sem_alloc : memref<!tpu.dma_semaphore, #tpu.memory_space<semaphore_mem>>
        %dma_start3A_78 = arith.constant 0 : i32
        %dma_start3A_79 = tpu.memref_slice %arg8[%add3A_77, %dma_start3A_78] : memref<40x128xi32, #tpu.memory_space<vmem>> -> memref<1x128xi32, #tpu.memory_space<vmem>>
        %dma_start3A_80 = tpu.memref_squeeze %dma_start3A_79 : memref<1x128xi32, #tpu.memory_space<vmem>> -> memref<128xi32, #tpu.memory_space<vmem>>
        %dma_start3A_81 = arith.constant 0 : i32
        %dma_start3A_82 = arith.constant 0 : i32
        %dma_start3A_83 = tpu.memref_slice %arg11[%dma_start3A_81, %dma_start3A_82] : memref<10240x128xf32, #tpu.memory_space<vmem_shared>> -> memref<10240x128xf32, #tpu.memory_space<vmem_shared>>
        tpu.enqueue_indirect_dma source(%arg10 : memref<128x128xf32, #tpu.memory_space<vmem>>) target(%dma_start3A_83 : memref<10240x128xf32, #tpu.memory_space<vmem_shared>>) offsets(%dma_start3A_80 : memref<128xi32, #tpu.memory_space<vmem>>) semaphore(%run_scoped3A : memref<!tpu.dma_semaphore, #tpu.memory_space<semaphore_mem>>) {add = true}
        %dma_wait3A_84 = arith.constant 0 : i32
        %dma_wait3A_85 = tpu.memref_slice %arg8[%add3A_77, %dma_wait3A_84] : memref<40x128xi32, #tpu.memory_space<vmem>> -> memref<1x128xi32, #tpu.memory_space<vmem>>
        %dma_wait3A_86 = tpu.memref_squeeze %dma_wait3A_85 : memref<1x128xi32, #tpu.memory_space<vmem>> -> memref<128xi32, #tpu.memory_space<vmem>>
        %dma_wait3A_87 = arith.constant 0 : i32
        %dma_wait3A_88 = arith.constant 0 : i32
        %dma_wait3A_89 = tpu.memref_slice %arg11[%dma_wait3A_87, %dma_wait3A_88] : memref<10240x128xf32, #tpu.memory_space<vmem_shared>> -> memref<10240x128xf32, #tpu.memory_space<vmem_shared>>
        tpu.wait_indirect_dma semaphore(%run_scoped3A : memref<!tpu.dma_semaphore, #tpu.memory_space<semaphore_mem>>) src(%arg10 : memref<128x128xf32, #tpu.memory_space<vmem>>) dst(%dma_wait3A_89 : memref<10240x128xf32, #tpu.memory_space<vmem_shared>>)
        tpu.yield
      }) : () -> ()
    }
    %scan3A_31 = arith.constant 20 : i32
    "tpu.region"() ({
      %run_scoped3A = tpu.sem_alloc : memref<!tpu.dma_semaphore, #tpu.memory_space<semaphore_mem>>
      %dma_start3A_50 = arith.constant 40 : i32
      %dma_start3A_51 = arith.constant 0 : i32
      %dma_start3A_52 = tpu.memref_slice %arg2[%add3A, %dma_start3A_50, %dma_start3A_51] : memref<32x80x128xi32, #tpu.memory_space<hbm>> -> memref<1x40x128xi32, #tpu.memory_space<hbm>>
      %dma_start3A_53 = tpu.memref_squeeze %dma_start3A_52 : memref<1x40x128xi32, #tpu.memory_space<hbm>> -> memref<40x128xi32, #tpu.memory_space<hbm>>
      %dma_start3A_54 = arith.constant 40 : i32
      %dma_start3A_55 = arith.constant 0 : i32
      %dma_start3A_56 = tpu.memref_slice %arg2[%add3A, %dma_start3A_54, %dma_start3A_55] : memref<32x80x128xi32, #tpu.memory_space<hbm>> -> memref<1x40x128xi32, #tpu.memory_space<hbm>>
      %dma_start3A_57 = tpu.memref_squeeze %dma_start3A_56 : memref<1x40x128xi32, #tpu.memory_space<hbm>> -> memref<40x128xi32, #tpu.memory_space<hbm>>
      tpu.enqueue_dma source(%dma_start3A_57 : memref<40x128xi32, #tpu.memory_space<hbm>>) target(%arg7 : memref<40x128xi32, #tpu.memory_space<vmem>>) target_semaphore(%run_scoped3A : memref<!tpu.dma_semaphore, #tpu.memory_space<semaphore_mem>>)
      %dma_wait3A = arith.constant 40 : i32
      %dma_wait3A_58 = arith.constant 0 : i32
      %dma_wait3A_59 = tpu.memref_slice %arg2[%add3A, %dma_wait3A, %dma_wait3A_58] : memref<32x80x128xi32, #tpu.memory_space<hbm>> -> memref<1x40x128xi32, #tpu.memory_space<hbm>>
      %dma_wait3A_60 = tpu.memref_squeeze %dma_wait3A_59 : memref<1x40x128xi32, #tpu.memory_space<hbm>> -> memref<40x128xi32, #tpu.memory_space<hbm>>
      %dma_wait3A_61 = arith.constant 40 : i32
      %dma_wait3A_62 = arith.constant 0 : i32
      %dma_wait3A_63 = tpu.memref_slice %arg2[%add3A, %dma_wait3A_61, %dma_wait3A_62] : memref<32x80x128xi32, #tpu.memory_space<hbm>> -> memref<1x40x128xi32, #tpu.memory_space<hbm>>
      %dma_wait3A_64 = tpu.memref_squeeze %dma_wait3A_63 : memref<1x40x128xi32, #tpu.memory_space<hbm>> -> memref<40x128xi32, #tpu.memory_space<hbm>>
      tpu.wait_dma2 semaphore(%run_scoped3A : memref<!tpu.dma_semaphore, #tpu.memory_space<semaphore_mem>>) src(%dma_wait3A_64 : memref<40x128xi32, #tpu.memory_space<hbm>>) dst(%arg7 : memref<40x128xi32, #tpu.memory_space<vmem>>)
      tpu.yield
    }) : () -> ()
    "tpu.region"() ({
      %run_scoped3A = tpu.sem_alloc : memref<!tpu.dma_semaphore, #tpu.memory_space<semaphore_mem>>
      %dma_start3A_50 = arith.constant 40 : i32
      %dma_start3A_51 = arith.constant 0 : i32
      %dma_start3A_52 = tpu.memref_slice %arg3[%add3A, %dma_start3A_50, %dma_start3A_51] : memref<32x80x128xi32, #tpu.memory_space<hbm>> -> memref<1x40x128xi32, #tpu.memory_space<hbm>>
      %dma_start3A_53 = tpu.memref_squeeze %dma_start3A_52 : memref<1x40x128xi32, #tpu.memory_space<hbm>> -> memref<40x128xi32, #tpu.memory_space<hbm>>
      %dma_start3A_54 = arith.constant 40 : i32
      %dma_start3A_55 = arith.constant 0 : i32
      %dma_start3A_56 = tpu.memref_slice %arg3[%add3A, %dma_start3A_54, %dma_start3A_55] : memref<32x80x128xi32, #tpu.memory_space<hbm>> -> memref<1x40x128xi32, #tpu.memory_space<hbm>>
      %dma_start3A_57 = tpu.memref_squeeze %dma_start3A_56 : memref<1x40x128xi32, #tpu.memory_space<hbm>> -> memref<40x128xi32, #tpu.memory_space<hbm>>
      tpu.enqueue_dma source(%dma_start3A_57 : memref<40x128xi32, #tpu.memory_space<hbm>>) target(%arg8 : memref<40x128xi32, #tpu.memory_space<vmem>>) target_semaphore(%run_scoped3A : memref<!tpu.dma_semaphore, #tpu.memory_space<semaphore_mem>>)
      %dma_wait3A = arith.constant 40 : i32
      %dma_wait3A_58 = arith.constant 0 : i32
      %dma_wait3A_59 = tpu.memref_slice %arg3[%add3A, %dma_wait3A, %dma_wait3A_58] : memref<32x80x128xi32, #tpu.memory_space<hbm>> -> memref<1x40x128xi32, #tpu.memory_space<hbm>>
      %dma_wait3A_60 = tpu.memref_squeeze %dma_wait3A_59 : memref<1x40x128xi32, #tpu.memory_space<hbm>> -> memref<40x128xi32, #tpu.memory_space<hbm>>
      %dma_wait3A_61 = arith.constant 40 : i32
      %dma_wait3A_62 = arith.constant 0 : i32
      %dma_wait3A_63 = tpu.memref_slice %arg3[%add3A, %dma_wait3A_61, %dma_wait3A_62] : memref<32x80x128xi32, #tpu.memory_space<hbm>> -> memref<1x40x128xi32, #tpu.memory_space<hbm>>
      %dma_wait3A_64 = tpu.memref_squeeze %dma_wait3A_63 : memref<1x40x128xi32, #tpu.memory_space<hbm>> -> memref<40x128xi32, #tpu.memory_space<hbm>>
      tpu.wait_dma2 semaphore(%run_scoped3A : memref<!tpu.dma_semaphore, #tpu.memory_space<semaphore_mem>>) src(%dma_wait3A_64 : memref<40x128xi32, #tpu.memory_space<hbm>>) dst(%arg8 : memref<40x128xi32, #tpu.memory_space<vmem>>)
      tpu.yield
    }) : () -> ()
    %dma_start3A_32 = arith.constant 0 : i32
    %dma_start3A_33 = arith.constant 0 : i32
    %dma_start3A_34 = tpu.memref_slice %arg7[%dma_start3A_32, %dma_start3A_33] : memref<40x128xi32, #tpu.memory_space<vmem>> -> memref<1x128xi32, #tpu.memory_space<vmem>>
    %dma_start3A_35 = tpu.memref_squeeze %dma_start3A_34 : memref<1x128xi32, #tpu.memory_space<vmem>> -> memref<128xi32, #tpu.memory_space<vmem>>
    %dma_start3A_36 = arith.constant 0 : i32
    %dma_start3A_37 = arith.constant 0 : i32
    %dma_start3A_38 = tpu.memref_slice %arg4[%dma_start3A_36, %dma_start3A_37] : memref<10240x128xf32, #tpu.memory_space<hbm>> -> memref<10240x128xf32, #tpu.memory_space<hbm>>
    tpu.enqueue_indirect_dma source(%dma_start3A_38 : memref<10240x128xf32, #tpu.memory_space<hbm>>) target(%arg9 : memref<128x128xf32, #tpu.memory_space<vmem>>) offsets(%dma_start3A_35 : memref<128xi32, #tpu.memory_space<vmem>>) semaphore(%arg12 : memref<!tpu.dma_semaphore, #tpu.memory_space<semaphore_mem>>)
    %scan3A_39 = arith.constant 0 : i32
    %scan3A_40 = arith.constant 0 : i32
    %scan3A_41 = arith.constant 20 : i32
    %scan3A_42 = arith.addi %scan3A_40, %scan3A_41 : i32
    %scan3A_43 = arith.constant 1 : i32
    scf.for %scan3A_50 = %scan3A_40 to %scan3A_42 step %scan3A_43  : i32 {
      %mul3A_51 = arith.constant 2 : i32
      %mul3A_52 = arith.muli %mul3A_51, %scan3A_50 : i32
      %add3A_53 = arith.constant 1 : i32
      %add3A_54 = arith.addi %mul3A_52, %add3A_53 : i32
      %dma_start3A_55 = arith.constant 0 : i32
      %dma_start3A_56 = tpu.memref_slice %arg7[%add3A_54, %dma_start3A_55] : memref<40x128xi32, #tpu.memory_space<vmem>> -> memref<1x128xi32, #tpu.memory_space<vmem>>
      %dma_start3A_57 = tpu.memref_squeeze %dma_start3A_56 : memref<1x128xi32, #tpu.memory_space<vmem>> -> memref<128xi32, #tpu.memory_space<vmem>>
      %dma_start3A_58 = arith.constant 0 : i32
      %dma_start3A_59 = arith.constant 0 : i32
      %dma_start3A_60 = tpu.memref_slice %arg4[%dma_start3A_58, %dma_start3A_59] : memref<10240x128xf32, #tpu.memory_space<hbm>> -> memref<10240x128xf32, #tpu.memory_space<hbm>>
      tpu.enqueue_indirect_dma source(%dma_start3A_60 : memref<10240x128xf32, #tpu.memory_space<hbm>>) target(%arg10 : memref<128x128xf32, #tpu.memory_space<vmem>>) offsets(%dma_start3A_57 : memref<128xi32, #tpu.memory_space<vmem>>) semaphore(%arg13 : memref<!tpu.dma_semaphore, #tpu.memory_space<semaphore_mem>>)
      %dma_wait3A = arith.constant 0 : i32
      %dma_wait3A_61 = arith.constant 0 : i32
      %dma_wait3A_62 = tpu.memref_slice %arg4[%dma_wait3A, %dma_wait3A_61] : memref<10240x128xf32, #tpu.memory_space<hbm>> -> memref<128x128xf32, #tpu.memory_space<hbm>>
      %dma_wait3A_63 = arith.constant 0 : i32
      %dma_wait3A_64 = arith.constant 0 : i32
      %dma_wait3A_65 = tpu.memref_slice %arg4[%dma_wait3A_63, %dma_wait3A_64] : memref<10240x128xf32, #tpu.memory_space<hbm>> -> memref<128x128xf32, #tpu.memory_space<hbm>>
      tpu.wait_dma2 semaphore(%arg12 : memref<!tpu.dma_semaphore, #tpu.memory_space<semaphore_mem>>) src(%dma_wait3A_65 : memref<128x128xf32, #tpu.memory_space<hbm>>) dst(%arg9 : memref<128x128xf32, #tpu.memory_space<vmem>>)
      "tpu.region"() ({
        %run_scoped3A = tpu.sem_alloc : memref<!tpu.dma_semaphore, #tpu.memory_space<semaphore_mem>>
        %dma_start3A_78 = arith.constant 0 : i32
        %dma_start3A_79 = tpu.memref_slice %arg8[%mul3A_52, %dma_start3A_78] : memref<40x128xi32, #tpu.memory_space<vmem>> -> memref<1x128xi32, #tpu.memory_space<vmem>>
        %dma_start3A_80 = tpu.memref_squeeze %dma_start3A_79 : memref<1x128xi32, #tpu.memory_space<vmem>> -> memref<128xi32, #tpu.memory_space<vmem>>
        %dma_start3A_81 = arith.constant 0 : i32
        %dma_start3A_82 = arith.constant 0 : i32
        %dma_start3A_83 = tpu.memref_slice %arg11[%dma_start3A_81, %dma_start3A_82] : memref<10240x128xf32, #tpu.memory_space<vmem_shared>> -> memref<10240x128xf32, #tpu.memory_space<vmem_shared>>
        tpu.enqueue_indirect_dma source(%arg9 : memref<128x128xf32, #tpu.memory_space<vmem>>) target(%dma_start3A_83 : memref<10240x128xf32, #tpu.memory_space<vmem_shared>>) offsets(%dma_start3A_80 : memref<128xi32, #tpu.memory_space<vmem>>) semaphore(%run_scoped3A : memref<!tpu.dma_semaphore, #tpu.memory_space<semaphore_mem>>) {add = true}
        %dma_wait3A_84 = arith.constant 0 : i32
        %dma_wait3A_85 = tpu.memref_slice %arg8[%mul3A_52, %dma_wait3A_84] : memref<40x128xi32, #tpu.memory_space<vmem>> -> memref<1x128xi32, #tpu.memory_space<vmem>>
        %dma_wait3A_86 = tpu.memref_squeeze %dma_wait3A_85 : memref<1x128xi32, #tpu.memory_space<vmem>> -> memref<128xi32, #tpu.memory_space<vmem>>
        %dma_wait3A_87 = arith.constant 0 : i32
        %dma_wait3A_88 = arith.constant 0 : i32
        %dma_wait3A_89 = tpu.memref_slice %arg11[%dma_wait3A_87, %dma_wait3A_88] : memref<10240x128xf32, #tpu.memory_space<vmem_shared>> -> memref<10240x128xf32, #tpu.memory_space<vmem_shared>>
        tpu.wait_indirect_dma semaphore(%run_scoped3A : memref<!tpu.dma_semaphore, #tpu.memory_space<semaphore_mem>>) src(%arg9 : memref<128x128xf32, #tpu.memory_space<vmem>>) dst(%dma_wait3A_89 : memref<10240x128xf32, #tpu.memory_space<vmem_shared>>)
        tpu.yield
      }) : () -> ()
      %add3A_66 = arith.constant 2 : i32
      %add3A_67 = arith.addi %mul3A_52, %add3A_66 : i32
      %lt3A = arith.constant 40 : i32
      %lt3A_68 = arith.cmpi slt, %add3A_67, %lt3A : i32
      %convert_element_type3A = arith.extui %lt3A_68 : i1 to i32
      %cond3A = arith.constant 0 : i32
      %cond3A_69 = arith.cmpi ne, %convert_element_type3A, %cond3A : i32
      scf.if %cond3A_69 {
        %add3A_78 = arith.constant 2 : i32
        %add3A_79 = arith.addi %mul3A_52, %add3A_78 : i32
        %dma_start3A_80 = arith.constant 0 : i32
        %dma_start3A_81 = tpu.memref_slice %arg7[%add3A_79, %dma_start3A_80] : memref<40x128xi32, #tpu.memory_space<vmem>> -> memref<1x128xi32, #tpu.memory_space<vmem>>
        %dma_start3A_82 = tpu.memref_squeeze %dma_start3A_81 : memref<1x128xi32, #tpu.memory_space<vmem>> -> memref<128xi32, #tpu.memory_space<vmem>>
        %dma_start3A_83 = arith.constant 0 : i32
        %dma_start3A_84 = arith.constant 0 : i32
        %dma_start3A_85 = tpu.memref_slice %arg4[%dma_start3A_83, %dma_start3A_84] : memref<10240x128xf32, #tpu.memory_space<hbm>> -> memref<10240x128xf32, #tpu.memory_space<hbm>>
        tpu.enqueue_indirect_dma source(%dma_start3A_85 : memref<10240x128xf32, #tpu.memory_space<hbm>>) target(%arg9 : memref<128x128xf32, #tpu.memory_space<vmem>>) offsets(%dma_start3A_82 : memref<128xi32, #tpu.memory_space<vmem>>) semaphore(%arg12 : memref<!tpu.dma_semaphore, #tpu.memory_space<semaphore_mem>>)
      } else {
      }
      %dma_wait3A_70 = arith.constant 0 : i32
      %dma_wait3A_71 = arith.constant 0 : i32
      %dma_wait3A_72 = tpu.memref_slice %arg4[%dma_wait3A_70, %dma_wait3A_71] : memref<10240x128xf32, #tpu.memory_space<hbm>> -> memref<128x128xf32, #tpu.memory_space<hbm>>
      %dma_wait3A_73 = arith.constant 0 : i32
      %dma_wait3A_74 = arith.constant 0 : i32
      %dma_wait3A_75 = tpu.memref_slice %arg4[%dma_wait3A_73, %dma_wait3A_74] : memref<10240x128xf32, #tpu.memory_space<hbm>> -> memref<128x128xf32, #tpu.memory_space<hbm>>
      tpu.wait_dma2 semaphore(%arg13 : memref<!tpu.dma_semaphore, #tpu.memory_space<semaphore_mem>>) src(%dma_wait3A_75 : memref<128x128xf32, #tpu.memory_space<hbm>>) dst(%arg10 : memref<128x128xf32, #tpu.memory_space<vmem>>)
      %add3A_76 = arith.constant 1 : i32
      %add3A_77 = arith.addi %mul3A_52, %add3A_76 : i32
      "tpu.region"() ({
        %run_scoped3A = tpu.sem_alloc : memref<!tpu.dma_semaphore, #tpu.memory_space<semaphore_mem>>
        %dma_start3A_78 = arith.constant 0 : i32
        %dma_start3A_79 = tpu.memref_slice %arg8[%add3A_77, %dma_start3A_78] : memref<40x128xi32, #tpu.memory_space<vmem>> -> memref<1x128xi32, #tpu.memory_space<vmem>>
        %dma_start3A_80 = tpu.memref_squeeze %dma_start3A_79 : memref<1x128xi32, #tpu.memory_space<vmem>> -> memref<128xi32, #tpu.memory_space<vmem>>
        %dma_start3A_81 = arith.constant 0 : i32
        %dma_start3A_82 = arith.constant 0 : i32
        %dma_start3A_83 = tpu.memref_slice %arg11[%dma_start3A_81, %dma_start3A_82] : memref<10240x128xf32, #tpu.memory_space<vmem_shared>> -> memref<10240x128xf32, #tpu.memory_space<vmem_shared>>
        tpu.enqueue_indirect_dma source(%arg10 : memref<128x128xf32, #tpu.memory_space<vmem>>) target(%dma_start3A_83 : memref<10240x128xf32, #tpu.memory_space<vmem_shared>>) offsets(%dma_start3A_80 : memref<128xi32, #tpu.memory_space<vmem>>) semaphore(%run_scoped3A : memref<!tpu.dma_semaphore, #tpu.memory_space<semaphore_mem>>) {add = true}
        %dma_wait3A_84 = arith.constant 0 : i32
        %dma_wait3A_85 = tpu.memref_slice %arg8[%add3A_77, %dma_wait3A_84] : memref<40x128xi32, #tpu.memory_space<vmem>> -> memref<1x128xi32, #tpu.memory_space<vmem>>
        %dma_wait3A_86 = tpu.memref_squeeze %dma_wait3A_85 : memref<1x128xi32, #tpu.memory_space<vmem>> -> memref<128xi32, #tpu.memory_space<vmem>>
        %dma_wait3A_87 = arith.constant 0 : i32
        %dma_wait3A_88 = arith.constant 0 : i32
        %dma_wait3A_89 = tpu.memref_slice %arg11[%dma_wait3A_87, %dma_wait3A_88] : memref<10240x128xf32, #tpu.memory_space<vmem_shared>> -> memref<10240x128xf32, #tpu.memory_space<vmem_shared>>
        tpu.wait_indirect_dma semaphore(%run_scoped3A : memref<!tpu.dma_semaphore, #tpu.memory_space<semaphore_mem>>) src(%arg10 : memref<128x128xf32, #tpu.memory_space<vmem>>) dst(%dma_wait3A_89 : memref<10240x128xf32, #tpu.memory_space<vmem_shared>>)
        tpu.yield
      }) : () -> ()
    }
    %scan3A_44 = arith.constant 20 : i32
    %barrier3A_45 = arith.constant 0 : index
    tpu.barrier barrier_id(%barrier3A_45)
    %mul3A_46 = arith.constant 640 : i32
    %mul3A_47 = arith.muli %arg1, %mul3A_46 : i32
    %mul3A_48 = arith.constant 640 : i32
    %mul3A_49 = arith.muli %arg1, %mul3A_48 : i32
    "tpu.region"() ({
      %run_scoped3A = tpu.sem_alloc : memref<!tpu.dma_semaphore, #tpu.memory_space<semaphore_mem>>
      %dma_start3A_50 = arith.constant 0 : i32
      %dma_start3A_51 = tpu.memref_slice %arg6[%arg0, %mul3A_49, %dma_start3A_50] : memref<2x10240x128xf32, #tpu.memory_space<hbm>> -> memref<1x640x128xf32, #tpu.memory_space<hbm>>
      %dma_start3A_52 = tpu.memref_squeeze %dma_start3A_51 : memref<1x640x128xf32, #tpu.memory_space<hbm>> -> memref<640x128xf32, #tpu.memory_space<hbm>>
      %dma_start3A_53 = arith.constant 0 : i32
      %dma_start3A_54 = tpu.memref_slice %arg11[%mul3A_47, %dma_start3A_53] : memref<10240x128xf32, #tpu.memory_space<vmem_shared>> -> memref<640x128xf32, #tpu.memory_space<vmem_shared>>
      tpu.enqueue_dma source(%dma_start3A_54 : memref<640x128xf32, #tpu.memory_space<vmem_shared>>) target(%dma_start3A_52 : memref<640x128xf32, #tpu.memory_space<hbm>>) target_semaphore(%run_scoped3A : memref<!tpu.dma_semaphore, #tpu.memory_space<semaphore_mem>>)
      %dma_wait3A = arith.constant 0 : i32
      %dma_wait3A_55 = tpu.memref_slice %arg6[%arg0, %mul3A_49, %dma_wait3A] : memref<2x10240x128xf32, #tpu.memory_space<hbm>> -> memref<1x640x128xf32, #tpu.memory_space<hbm>>
      %dma_wait3A_56 = tpu.memref_squeeze %dma_wait3A_55 : memref<1x640x128xf32, #tpu.memory_space<hbm>> -> memref<640x128xf32, #tpu.memory_space<hbm>>
      %dma_wait3A_57 = arith.constant 0 : i32
      %dma_wait3A_58 = tpu.memref_slice %arg11[%mul3A_47, %dma_wait3A_57] : memref<10240x128xf32, #tpu.memory_space<vmem_shared>> -> memref<640x128xf32, #tpu.memory_space<vmem_shared>>
      tpu.wait_dma2 semaphore(%run_scoped3A : memref<!tpu.dma_semaphore, #tpu.memory_space<semaphore_mem>>) src(%dma_wait3A_58 : memref<640x128xf32, #tpu.memory_space<vmem_shared>>) dst(%dma_wait3A_56 : memref<640x128xf32, #tpu.memory_space<hbm>>)
      tpu.yield
    }) : () -> ()
    return
  }
}

#map = affine_map<(d0, d1) -> (0, 0, 0)>
#map1 = affine_map<(d0, d1) -> (0, 0)>
module attributes {stable_mosaic.version = 14 : i64} {
  func.func @_sc_agg(%arg0: i32, %arg1: i32, %arg2: memref<32x80x128xi32, #tpu.memory_space<hbm>>, %arg3: memref<32x80x128xi32, #tpu.memory_space<hbm>>, %arg4: memref<10240x128xf32, #tpu.memory_space<hbm>>, %arg5: memref<128x128xf32, #tpu.memory_space<hbm>>, %arg6: memref<2x10240x128xf32, #tpu.memory_space<hbm>>, %arg7: memref<40x128xi32, #tpu.memory_space<vmem>>, %arg8: memref<40x128xi32, #tpu.memory_space<vmem>>, %arg9: memref<128x128xf32, #tpu.memory_space<vmem>>, %arg10: memref<128x128xf32, #tpu.memory_space<vmem>>, %arg11: memref<10240x128xf32, #tpu.memory_space<vmem_shared>>, %arg12: memref<!tpu.dma_semaphore, #tpu.memory_space<semaphore_mem>>, %arg13: memref<!tpu.dma_semaphore, #tpu.memory_space<semaphore_mem>>) attributes {dimension_semantics = [#tpu.dimension_semantics<core_parallel>, #tpu.dimension_semantics<subcore_parallel>], iteration_bounds = array<i64: 2, 16>, scalar_prefetch = 0 : i64, scratch_operands = 7 : i64, tpu.core_type = #tpu.core_type<sc_vector_subcore>, window_params = [{transform_indices = #map}, {transform_indices = #map}, {transform_indices = #map1}, {transform_indices = #map1}, {transform_indices = #map}]} {
    %mul3A = arith.constant 16 : i32
    %mul3A_0 = arith.muli %arg0, %mul3A : i32
    %add3A = arith.addi %mul3A_0, %arg1 : i32
    "tpu.region"() ({
      %run_scoped3A = tpu.sem_alloc : memref<!tpu.dma_semaphore, #tpu.memory_space<semaphore_mem>>
      tpu.enqueue_dma source(%arg5 : memref<128x128xf32, #tpu.memory_space<hbm>>) target(%arg9 : memref<128x128xf32, #tpu.memory_space<vmem>>) target_semaphore(%run_scoped3A : memref<!tpu.dma_semaphore, #tpu.memory_space<semaphore_mem>>)
      tpu.wait_dma2 semaphore(%run_scoped3A : memref<!tpu.dma_semaphore, #tpu.memory_space<semaphore_mem>>) src(%arg5 : memref<128x128xf32, #tpu.memory_space<hbm>>) dst(%arg9 : memref<128x128xf32, #tpu.memory_space<vmem>>)
      tpu.yield
    }) : () -> ()
    %mul3A_1 = arith.constant 640 : i32
    %mul3A_2 = arith.muli %arg1, %mul3A_1 : i32
    %add3A_3 = arith.constant 0 : i32
    %add3A_4 = arith.addi %mul3A_2, %add3A_3 : i32
    "tpu.region"() ({
      %run_scoped3A = tpu.sem_alloc : memref<!tpu.dma_semaphore, #tpu.memory_space<semaphore_mem>>
      %dma_start3A_50 = arith.constant 0 : i32
      %dma_start3A_51 = tpu.memref_slice %arg11[%add3A_4, %dma_start3A_50] : memref<10240x128xf32, #tpu.memory_space<vmem_shared>> -> memref<128x128xf32, #tpu.memory_space<vmem_shared>>
      %dma_start3A_52 = arith.constant 0 : i32
      %dma_start3A_53 = tpu.memref_slice %arg11[%add3A_4, %dma_start3A_52] : memref<10240x128xf32, #tpu.memory_space<vmem_shared>> -> memref<128x128xf32, #tpu.memory_space<vmem_shared>>
      tpu.enqueue_dma source(%arg9 : memref<128x128xf32, #tpu.memory_space<vmem>>) target(%dma_start3A_53 : memref<128x128xf32, #tpu.memory_space<vmem_shared>>) target_semaphore(%run_scoped3A : memref<!tpu.dma_semaphore, #tpu.memory_space<semaphore_mem>>)
      %dma_wait3A = arith.constant 0 : i32
      %dma_wait3A_54 = tpu.memref_slice %arg11[%add3A_4, %dma_wait3A] : memref<10240x128xf32, #tpu.memory_space<vmem_shared>> -> memref<128x128xf32, #tpu.memory_space<vmem_shared>>
      %dma_wait3A_55 = arith.constant 0 : i32
      %dma_wait3A_56 = tpu.memref_slice %arg11[%add3A_4, %dma_wait3A_55] : memref<10240x128xf32, #tpu.memory_space<vmem_shared>> -> memref<128x128xf32, #tpu.memory_space<vmem_shared>>
      tpu.wait_dma2 semaphore(%run_scoped3A : memref<!tpu.dma_semaphore, #tpu.memory_space<semaphore_mem>>) src(%arg9 : memref<128x128xf32, #tpu.memory_space<vmem>>) dst(%dma_wait3A_56 : memref<128x128xf32, #tpu.memory_space<vmem_shared>>)
      tpu.yield
    }) : () -> ()
    %mul3A_5 = arith.constant 640 : i32
    %mul3A_6 = arith.muli %arg1, %mul3A_5 : i32
    %add3A_7 = arith.constant 128 : i32
    %add3A_8 = arith.addi %mul3A_6, %add3A_7 : i32
    "tpu.region"() ({
      %run_scoped3A = tpu.sem_alloc : memref<!tpu.dma_semaphore, #tpu.memory_space<semaphore_mem>>
      %dma_start3A_50 = arith.constant 0 : i32
      %dma_start3A_51 = tpu.memref_slice %arg11[%add3A_8, %dma_start3A_50] : memref<10240x128xf32, #tpu.memory_space<vmem_shared>> -> memref<128x128xf32, #tpu.memory_space<vmem_shared>>
      %dma_start3A_52 = arith.constant 0 : i32
      %dma_start3A_53 = tpu.memref_slice %arg11[%add3A_8, %dma_start3A_52] : memref<10240x128xf32, #tpu.memory_space<vmem_shared>> -> memref<128x128xf32, #tpu.memory_space<vmem_shared>>
      tpu.enqueue_dma source(%arg9 : memref<128x128xf32, #tpu.memory_space<vmem>>) target(%dma_start3A_53 : memref<128x128xf32, #tpu.memory_space<vmem_shared>>) target_semaphore(%run_scoped3A : memref<!tpu.dma_semaphore, #tpu.memory_space<semaphore_mem>>)
      %dma_wait3A = arith.constant 0 : i32
      %dma_wait3A_54 = tpu.memref_slice %arg11[%add3A_8, %dma_wait3A] : memref<10240x128xf32, #tpu.memory_space<vmem_shared>> -> memref<128x128xf32, #tpu.memory_space<vmem_shared>>
      %dma_wait3A_55 = arith.constant 0 : i32
      %dma_wait3A_56 = tpu.memref_slice %arg11[%add3A_8, %dma_wait3A_55] : memref<10240x128xf32, #tpu.memory_space<vmem_shared>> -> memref<128x128xf32, #tpu.memory_space<vmem_shared>>
      tpu.wait_dma2 semaphore(%run_scoped3A : memref<!tpu.dma_semaphore, #tpu.memory_space<semaphore_mem>>) src(%arg9 : memref<128x128xf32, #tpu.memory_space<vmem>>) dst(%dma_wait3A_56 : memref<128x128xf32, #tpu.memory_space<vmem_shared>>)
      tpu.yield
    }) : () -> ()
    %mul3A_9 = arith.constant 640 : i32
    %mul3A_10 = arith.muli %arg1, %mul3A_9 : i32
    %add3A_11 = arith.constant 256 : i32
    %add3A_12 = arith.addi %mul3A_10, %add3A_11 : i32
    "tpu.region"() ({
      %run_scoped3A = tpu.sem_alloc : memref<!tpu.dma_semaphore, #tpu.memory_space<semaphore_mem>>
      %dma_start3A_50 = arith.constant 0 : i32
      %dma_start3A_51 = tpu.memref_slice %arg11[%add3A_12, %dma_start3A_50] : memref<10240x128xf32, #tpu.memory_space<vmem_shared>> -> memref<128x128xf32, #tpu.memory_space<vmem_shared>>
      %dma_start3A_52 = arith.constant 0 : i32
      %dma_start3A_53 = tpu.memref_slice %arg11[%add3A_12, %dma_start3A_52] : memref<10240x128xf32, #tpu.memory_space<vmem_shared>> -> memref<128x128xf32, #tpu.memory_space<vmem_shared>>
      tpu.enqueue_dma source(%arg9 : memref<128x128xf32, #tpu.memory_space<vmem>>) target(%dma_start3A_53 : memref<128x128xf32, #tpu.memory_space<vmem_shared>>) target_semaphore(%run_scoped3A : memref<!tpu.dma_semaphore, #tpu.memory_space<semaphore_mem>>)
      %dma_wait3A = arith.constant 0 : i32
      %dma_wait3A_54 = tpu.memref_slice %arg11[%add3A_12, %dma_wait3A] : memref<10240x128xf32, #tpu.memory_space<vmem_shared>> -> memref<128x128xf32, #tpu.memory_space<vmem_shared>>
      %dma_wait3A_55 = arith.constant 0 : i32
      %dma_wait3A_56 = tpu.memref_slice %arg11[%add3A_12, %dma_wait3A_55] : memref<10240x128xf32, #tpu.memory_space<vmem_shared>> -> memref<128x128xf32, #tpu.memory_space<vmem_shared>>
      tpu.wait_dma2 semaphore(%run_scoped3A : memref<!tpu.dma_semaphore, #tpu.memory_space<semaphore_mem>>) src(%arg9 : memref<128x128xf32, #tpu.memory_space<vmem>>) dst(%dma_wait3A_56 : memref<128x128xf32, #tpu.memory_space<vmem_shared>>)
      tpu.yield
    }) : () -> ()
    %mul3A_13 = arith.constant 640 : i32
    %mul3A_14 = arith.muli %arg1, %mul3A_13 : i32
    %add3A_15 = arith.constant 384 : i32
    %add3A_16 = arith.addi %mul3A_14, %add3A_15 : i32
    "tpu.region"() ({
      %run_scoped3A = tpu.sem_alloc : memref<!tpu.dma_semaphore, #tpu.memory_space<semaphore_mem>>
      %dma_start3A_50 = arith.constant 0 : i32
      %dma_start3A_51 = tpu.memref_slice %arg11[%add3A_16, %dma_start3A_50] : memref<10240x128xf32, #tpu.memory_space<vmem_shared>> -> memref<128x128xf32, #tpu.memory_space<vmem_shared>>
      %dma_start3A_52 = arith.constant 0 : i32
      %dma_start3A_53 = tpu.memref_slice %arg11[%add3A_16, %dma_start3A_52] : memref<10240x128xf32, #tpu.memory_space<vmem_shared>> -> memref<128x128xf32, #tpu.memory_space<vmem_shared>>
      tpu.enqueue_dma source(%arg9 : memref<128x128xf32, #tpu.memory_space<vmem>>) target(%dma_start3A_53 : memref<128x128xf32, #tpu.memory_space<vmem_shared>>) target_semaphore(%run_scoped3A : memref<!tpu.dma_semaphore, #tpu.memory_space<semaphore_mem>>)
      %dma_wait3A = arith.constant 0 : i32
      %dma_wait3A_54 = tpu.memref_slice %arg11[%add3A_16, %dma_wait3A] : memref<10240x128xf32, #tpu.memory_space<vmem_shared>> -> memref<128x128xf32, #tpu.memory_space<vmem_shared>>
      %dma_wait3A_55 = arith.constant 0 : i32
      %dma_wait3A_56 = tpu.memref_slice %arg11[%add3A_16, %dma_wait3A_55] : memref<10240x128xf32, #tpu.memory_space<vmem_shared>> -> memref<128x128xf32, #tpu.memory_space<vmem_shared>>
      tpu.wait_dma2 semaphore(%run_scoped3A : memref<!tpu.dma_semaphore, #tpu.memory_space<semaphore_mem>>) src(%arg9 : memref<128x128xf32, #tpu.memory_space<vmem>>) dst(%dma_wait3A_56 : memref<128x128xf32, #tpu.memory_space<vmem_shared>>)
      tpu.yield
    }) : () -> ()
    %mul3A_17 = arith.constant 640 : i32
    %mul3A_18 = arith.muli %arg1, %mul3A_17 : i32
    %add3A_19 = arith.constant 512 : i32
    %add3A_20 = arith.addi %mul3A_18, %add3A_19 : i32
    "tpu.region"() ({
      %run_scoped3A = tpu.sem_alloc : memref<!tpu.dma_semaphore, #tpu.memory_space<semaphore_mem>>
      %dma_start3A_50 = arith.constant 0 : i32
      %dma_start3A_51 = tpu.memref_slice %arg11[%add3A_20, %dma_start3A_50] : memref<10240x128xf32, #tpu.memory_space<vmem_shared>> -> memref<128x128xf32, #tpu.memory_space<vmem_shared>>
      %dma_start3A_52 = arith.constant 0 : i32
      %dma_start3A_53 = tpu.memref_slice %arg11[%add3A_20, %dma_start3A_52] : memref<10240x128xf32, #tpu.memory_space<vmem_shared>> -> memref<128x128xf32, #tpu.memory_space<vmem_shared>>
      tpu.enqueue_dma source(%arg9 : memref<128x128xf32, #tpu.memory_space<vmem>>) target(%dma_start3A_53 : memref<128x128xf32, #tpu.memory_space<vmem_shared>>) target_semaphore(%run_scoped3A : memref<!tpu.dma_semaphore, #tpu.memory_space<semaphore_mem>>)
      %dma_wait3A = arith.constant 0 : i32
      %dma_wait3A_54 = tpu.memref_slice %arg11[%add3A_20, %dma_wait3A] : memref<10240x128xf32, #tpu.memory_space<vmem_shared>> -> memref<128x128xf32, #tpu.memory_space<vmem_shared>>
      %dma_wait3A_55 = arith.constant 0 : i32
      %dma_wait3A_56 = tpu.memref_slice %arg11[%add3A_20, %dma_wait3A_55] : memref<10240x128xf32, #tpu.memory_space<vmem_shared>> -> memref<128x128xf32, #tpu.memory_space<vmem_shared>>
      tpu.wait_dma2 semaphore(%run_scoped3A : memref<!tpu.dma_semaphore, #tpu.memory_space<semaphore_mem>>) src(%arg9 : memref<128x128xf32, #tpu.memory_space<vmem>>) dst(%dma_wait3A_56 : memref<128x128xf32, #tpu.memory_space<vmem_shared>>)
      tpu.yield
    }) : () -> ()
    %barrier3A = arith.constant 0 : index
    tpu.barrier barrier_id(%barrier3A)
    "tpu.region"() ({
      %run_scoped3A = tpu.sem_alloc : memref<!tpu.dma_semaphore, #tpu.memory_space<semaphore_mem>>
      %dma_start3A_50 = arith.constant 0 : i32
      %dma_start3A_51 = arith.constant 0 : i32
      %dma_start3A_52 = tpu.memref_slice %arg2[%add3A, %dma_start3A_50, %dma_start3A_51] : memref<32x80x128xi32, #tpu.memory_space<hbm>> -> memref<1x40x128xi32, #tpu.memory_space<hbm>>
      %dma_start3A_53 = tpu.memref_squeeze %dma_start3A_52 : memref<1x40x128xi32, #tpu.memory_space<hbm>> -> memref<40x128xi32, #tpu.memory_space<hbm>>
      %dma_start3A_54 = arith.constant 0 : i32
      %dma_start3A_55 = arith.constant 0 : i32
      %dma_start3A_56 = tpu.memref_slice %arg2[%add3A, %dma_start3A_54, %dma_start3A_55] : memref<32x80x128xi32, #tpu.memory_space<hbm>> -> memref<1x40x128xi32, #tpu.memory_space<hbm>>
      %dma_start3A_57 = tpu.memref_squeeze %dma_start3A_56 : memref<1x40x128xi32, #tpu.memory_space<hbm>> -> memref<40x128xi32, #tpu.memory_space<hbm>>
      tpu.enqueue_dma source(%dma_start3A_57 : memref<40x128xi32, #tpu.memory_space<hbm>>) target(%arg7 : memref<40x128xi32, #tpu.memory_space<vmem>>) target_semaphore(%run_scoped3A : memref<!tpu.dma_semaphore, #tpu.memory_space<semaphore_mem>>)
      %dma_wait3A = arith.constant 0 : i32
      %dma_wait3A_58 = arith.constant 0 : i32
      %dma_wait3A_59 = tpu.memref_slice %arg2[%add3A, %dma_wait3A, %dma_wait3A_58] : memref<32x80x128xi32, #tpu.memory_space<hbm>> -> memref<1x40x128xi32, #tpu.memory_space<hbm>>
      %dma_wait3A_60 = tpu.memref_squeeze %dma_wait3A_59 : memref<1x40x128xi32, #tpu.memory_space<hbm>> -> memref<40x128xi32, #tpu.memory_space<hbm>>
      %dma_wait3A_61 = arith.constant 0 : i32
      %dma_wait3A_62 = arith.constant 0 : i32
      %dma_wait3A_63 = tpu.memref_slice %arg2[%add3A, %dma_wait3A_61, %dma_wait3A_62] : memref<32x80x128xi32, #tpu.memory_space<hbm>> -> memref<1x40x128xi32, #tpu.memory_space<hbm>>
      %dma_wait3A_64 = tpu.memref_squeeze %dma_wait3A_63 : memref<1x40x128xi32, #tpu.memory_space<hbm>> -> memref<40x128xi32, #tpu.memory_space<hbm>>
      tpu.wait_dma2 semaphore(%run_scoped3A : memref<!tpu.dma_semaphore, #tpu.memory_space<semaphore_mem>>) src(%dma_wait3A_64 : memref<40x128xi32, #tpu.memory_space<hbm>>) dst(%arg7 : memref<40x128xi32, #tpu.memory_space<vmem>>)
      tpu.yield
    }) : () -> ()
    "tpu.region"() ({
      %run_scoped3A = tpu.sem_alloc : memref<!tpu.dma_semaphore, #tpu.memory_space<semaphore_mem>>
      %dma_start3A_50 = arith.constant 0 : i32
      %dma_start3A_51 = arith.constant 0 : i32
      %dma_start3A_52 = tpu.memref_slice %arg3[%add3A, %dma_start3A_50, %dma_start3A_51] : memref<32x80x128xi32, #tpu.memory_space<hbm>> -> memref<1x40x128xi32, #tpu.memory_space<hbm>>
      %dma_start3A_53 = tpu.memref_squeeze %dma_start3A_52 : memref<1x40x128xi32, #tpu.memory_space<hbm>> -> memref<40x128xi32, #tpu.memory_space<hbm>>
      %dma_start3A_54 = arith.constant 0 : i32
      %dma_start3A_55 = arith.constant 0 : i32
      %dma_start3A_56 = tpu.memref_slice %arg3[%add3A, %dma_start3A_54, %dma_start3A_55] : memref<32x80x128xi32, #tpu.memory_space<hbm>> -> memref<1x40x128xi32, #tpu.memory_space<hbm>>
      %dma_start3A_57 = tpu.memref_squeeze %dma_start3A_56 : memref<1x40x128xi32, #tpu.memory_space<hbm>> -> memref<40x128xi32, #tpu.memory_space<hbm>>
      tpu.enqueue_dma source(%dma_start3A_57 : memref<40x128xi32, #tpu.memory_space<hbm>>) target(%arg8 : memref<40x128xi32, #tpu.memory_space<vmem>>) target_semaphore(%run_scoped3A : memref<!tpu.dma_semaphore, #tpu.memory_space<semaphore_mem>>)
      %dma_wait3A = arith.constant 0 : i32
      %dma_wait3A_58 = arith.constant 0 : i32
      %dma_wait3A_59 = tpu.memref_slice %arg3[%add3A, %dma_wait3A, %dma_wait3A_58] : memref<32x80x128xi32, #tpu.memory_space<hbm>> -> memref<1x40x128xi32, #tpu.memory_space<hbm>>
      %dma_wait3A_60 = tpu.memref_squeeze %dma_wait3A_59 : memref<1x40x128xi32, #tpu.memory_space<hbm>> -> memref<40x128xi32, #tpu.memory_space<hbm>>
      %dma_wait3A_61 = arith.constant 0 : i32
      %dma_wait3A_62 = arith.constant 0 : i32
      %dma_wait3A_63 = tpu.memref_slice %arg3[%add3A, %dma_wait3A_61, %dma_wait3A_62] : memref<32x80x128xi32, #tpu.memory_space<hbm>> -> memref<1x40x128xi32, #tpu.memory_space<hbm>>
      %dma_wait3A_64 = tpu.memref_squeeze %dma_wait3A_63 : memref<1x40x128xi32, #tpu.memory_space<hbm>> -> memref<40x128xi32, #tpu.memory_space<hbm>>
      tpu.wait_dma2 semaphore(%run_scoped3A : memref<!tpu.dma_semaphore, #tpu.memory_space<semaphore_mem>>) src(%dma_wait3A_64 : memref<40x128xi32, #tpu.memory_space<hbm>>) dst(%arg8 : memref<40x128xi32, #tpu.memory_space<vmem>>)
      tpu.yield
    }) : () -> ()
    %dma_start3A = arith.constant 0 : i32
    %dma_start3A_21 = arith.constant 0 : i32
    %dma_start3A_22 = tpu.memref_slice %arg7[%dma_start3A, %dma_start3A_21] : memref<40x128xi32, #tpu.memory_space<vmem>> -> memref<1x128xi32, #tpu.memory_space<vmem>>
    %dma_start3A_23 = tpu.memref_squeeze %dma_start3A_22 : memref<1x128xi32, #tpu.memory_space<vmem>> -> memref<128xi32, #tpu.memory_space<vmem>>
    %dma_start3A_24 = arith.constant 0 : i32
    %dma_start3A_25 = arith.constant 0 : i32
    %dma_start3A_26 = tpu.memref_slice %arg4[%dma_start3A_24, %dma_start3A_25] : memref<10240x128xf32, #tpu.memory_space<hbm>> -> memref<10240x128xf32, #tpu.memory_space<hbm>>
    tpu.enqueue_indirect_dma source(%dma_start3A_26 : memref<10240x128xf32, #tpu.memory_space<hbm>>) target(%arg9 : memref<128x128xf32, #tpu.memory_space<vmem>>) offsets(%dma_start3A_23 : memref<128xi32, #tpu.memory_space<vmem>>) semaphore(%arg12 : memref<!tpu.dma_semaphore, #tpu.memory_space<semaphore_mem>>)
    %scan3A = arith.constant 0 : i32
    %scan3A_27 = arith.constant 0 : i32
    %scan3A_28 = arith.constant 20 : i32
    %scan3A_29 = arith.addi %scan3A_27, %scan3A_28 : i32
    %scan3A_30 = arith.constant 1 : i32
    scf.for %scan3A_50 = %scan3A_27 to %scan3A_29 step %scan3A_30  : i32 {
      %mul3A_51 = arith.constant 2 : i32
      %mul3A_52 = arith.muli %mul3A_51, %scan3A_50 : i32
      %add3A_53 = arith.constant 1 : i32
      %add3A_54 = arith.addi %mul3A_52, %add3A_53 : i32
      %dma_start3A_55 = arith.constant 0 : i32
      %dma_start3A_56 = tpu.memref_slice %arg7[%add3A_54, %dma_start3A_55] : memref<40x128xi32, #tpu.memory_space<vmem>> -> memref<1x128xi32, #tpu.memory_space<vmem>>
      %dma_start3A_57 = tpu.memref_squeeze %dma_start3A_56 : memref<1x128xi32, #tpu.memory_space<vmem>> -> memref<128xi32, #tpu.memory_space<vmem>>
      %dma_start3A_58 = arith.constant 0 : i32
      %dma_start3A_59 = arith.constant 0 : i32
      %dma_start3A_60 = tpu.memref_slice %arg4[%dma_start3A_58, %dma_start3A_59] : memref<10240x128xf32, #tpu.memory_space<hbm>> -> memref<10240x128xf32, #tpu.memory_space<hbm>>
      tpu.enqueue_indirect_dma source(%dma_start3A_60 : memref<10240x128xf32, #tpu.memory_space<hbm>>) target(%arg10 : memref<128x128xf32, #tpu.memory_space<vmem>>) offsets(%dma_start3A_57 : memref<128xi32, #tpu.memory_space<vmem>>) semaphore(%arg13 : memref<!tpu.dma_semaphore, #tpu.memory_space<semaphore_mem>>)
      %dma_wait3A = arith.constant 0 : i32
      %dma_wait3A_61 = arith.constant 0 : i32
      %dma_wait3A_62 = tpu.memref_slice %arg4[%dma_wait3A, %dma_wait3A_61] : memref<10240x128xf32, #tpu.memory_space<hbm>> -> memref<128x128xf32, #tpu.memory_space<hbm>>
      %dma_wait3A_63 = arith.constant 0 : i32
      %dma_wait3A_64 = arith.constant 0 : i32
      %dma_wait3A_65 = tpu.memref_slice %arg4[%dma_wait3A_63, %dma_wait3A_64] : memref<10240x128xf32, #tpu.memory_space<hbm>> -> memref<128x128xf32, #tpu.memory_space<hbm>>
      tpu.wait_dma2 semaphore(%arg12 : memref<!tpu.dma_semaphore, #tpu.memory_space<semaphore_mem>>) src(%dma_wait3A_65 : memref<128x128xf32, #tpu.memory_space<hbm>>) dst(%arg9 : memref<128x128xf32, #tpu.memory_space<vmem>>)
      "tpu.region"() ({
        %run_scoped3A = tpu.sem_alloc : memref<!tpu.dma_semaphore, #tpu.memory_space<semaphore_mem>>
        %dma_start3A_78 = arith.constant 0 : i32
        %dma_start3A_79 = tpu.memref_slice %arg8[%mul3A_52, %dma_start3A_78] : memref<40x128xi32, #tpu.memory_space<vmem>> -> memref<1x128xi32, #tpu.memory_space<vmem>>
        %dma_start3A_80 = tpu.memref_squeeze %dma_start3A_79 : memref<1x128xi32, #tpu.memory_space<vmem>> -> memref<128xi32, #tpu.memory_space<vmem>>
        %dma_start3A_81 = arith.constant 0 : i32
        %dma_start3A_82 = arith.constant 0 : i32
        %dma_start3A_83 = tpu.memref_slice %arg11[%dma_start3A_81, %dma_start3A_82] : memref<10240x128xf32, #tpu.memory_space<vmem_shared>> -> memref<10240x128xf32, #tpu.memory_space<vmem_shared>>
        tpu.enqueue_indirect_dma source(%arg9 : memref<128x128xf32, #tpu.memory_space<vmem>>) target(%dma_start3A_83 : memref<10240x128xf32, #tpu.memory_space<vmem_shared>>) offsets(%dma_start3A_80 : memref<128xi32, #tpu.memory_space<vmem>>) semaphore(%run_scoped3A : memref<!tpu.dma_semaphore, #tpu.memory_space<semaphore_mem>>) {add = true}
        %dma_wait3A_84 = arith.constant 0 : i32
        %dma_wait3A_85 = tpu.memref_slice %arg8[%mul3A_52, %dma_wait3A_84] : memref<40x128xi32, #tpu.memory_space<vmem>> -> memref<1x128xi32, #tpu.memory_space<vmem>>
        %dma_wait3A_86 = tpu.memref_squeeze %dma_wait3A_85 : memref<1x128xi32, #tpu.memory_space<vmem>> -> memref<128xi32, #tpu.memory_space<vmem>>
        %dma_wait3A_87 = arith.constant 0 : i32
        %dma_wait3A_88 = arith.constant 0 : i32
        %dma_wait3A_89 = tpu.memref_slice %arg11[%dma_wait3A_87, %dma_wait3A_88] : memref<10240x128xf32, #tpu.memory_space<vmem_shared>> -> memref<10240x128xf32, #tpu.memory_space<vmem_shared>>
        tpu.wait_indirect_dma semaphore(%run_scoped3A : memref<!tpu.dma_semaphore, #tpu.memory_space<semaphore_mem>>) src(%arg9 : memref<128x128xf32, #tpu.memory_space<vmem>>) dst(%dma_wait3A_89 : memref<10240x128xf32, #tpu.memory_space<vmem_shared>>)
        tpu.yield
      }) : () -> ()
      %add3A_66 = arith.constant 2 : i32
      %add3A_67 = arith.addi %mul3A_52, %add3A_66 : i32
      %lt3A = arith.constant 40 : i32
      %lt3A_68 = arith.cmpi slt, %add3A_67, %lt3A : i32
      %convert_element_type3A = arith.extui %lt3A_68 : i1 to i32
      %cond3A = arith.constant 0 : i32
      %cond3A_69 = arith.cmpi ne, %convert_element_type3A, %cond3A : i32
      scf.if %cond3A_69 {
        %add3A_78 = arith.constant 2 : i32
        %add3A_79 = arith.addi %mul3A_52, %add3A_78 : i32
        %dma_start3A_80 = arith.constant 0 : i32
        %dma_start3A_81 = tpu.memref_slice %arg7[%add3A_79, %dma_start3A_80] : memref<40x128xi32, #tpu.memory_space<vmem>> -> memref<1x128xi32, #tpu.memory_space<vmem>>
        %dma_start3A_82 = tpu.memref_squeeze %dma_start3A_81 : memref<1x128xi32, #tpu.memory_space<vmem>> -> memref<128xi32, #tpu.memory_space<vmem>>
        %dma_start3A_83 = arith.constant 0 : i32
        %dma_start3A_84 = arith.constant 0 : i32
        %dma_start3A_85 = tpu.memref_slice %arg4[%dma_start3A_83, %dma_start3A_84] : memref<10240x128xf32, #tpu.memory_space<hbm>> -> memref<10240x128xf32, #tpu.memory_space<hbm>>
        tpu.enqueue_indirect_dma source(%dma_start3A_85 : memref<10240x128xf32, #tpu.memory_space<hbm>>) target(%arg9 : memref<128x128xf32, #tpu.memory_space<vmem>>) offsets(%dma_start3A_82 : memref<128xi32, #tpu.memory_space<vmem>>) semaphore(%arg12 : memref<!tpu.dma_semaphore, #tpu.memory_space<semaphore_mem>>)
      } else {
      }
      %dma_wait3A_70 = arith.constant 0 : i32
      %dma_wait3A_71 = arith.constant 0 : i32
      %dma_wait3A_72 = tpu.memref_slice %arg4[%dma_wait3A_70, %dma_wait3A_71] : memref<10240x128xf32, #tpu.memory_space<hbm>> -> memref<128x128xf32, #tpu.memory_space<hbm>>
      %dma_wait3A_73 = arith.constant 0 : i32
      %dma_wait3A_74 = arith.constant 0 : i32
      %dma_wait3A_75 = tpu.memref_slice %arg4[%dma_wait3A_73, %dma_wait3A_74] : memref<10240x128xf32, #tpu.memory_space<hbm>> -> memref<128x128xf32, #tpu.memory_space<hbm>>
      tpu.wait_dma2 semaphore(%arg13 : memref<!tpu.dma_semaphore, #tpu.memory_space<semaphore_mem>>) src(%dma_wait3A_75 : memref<128x128xf32, #tpu.memory_space<hbm>>) dst(%arg10 : memref<128x128xf32, #tpu.memory_space<vmem>>)
      %add3A_76 = arith.constant 1 : i32
      %add3A_77 = arith.addi %mul3A_52, %add3A_76 : i32
      "tpu.region"() ({
        %run_scoped3A = tpu.sem_alloc : memref<!tpu.dma_semaphore, #tpu.memory_space<semaphore_mem>>
        %dma_start3A_78 = arith.constant 0 : i32
        %dma_start3A_79 = tpu.memref_slice %arg8[%add3A_77, %dma_start3A_78] : memref<40x128xi32, #tpu.memory_space<vmem>> -> memref<1x128xi32, #tpu.memory_space<vmem>>
        %dma_start3A_80 = tpu.memref_squeeze %dma_start3A_79 : memref<1x128xi32, #tpu.memory_space<vmem>> -> memref<128xi32, #tpu.memory_space<vmem>>
        %dma_start3A_81 = arith.constant 0 : i32
        %dma_start3A_82 = arith.constant 0 : i32
        %dma_start3A_83 = tpu.memref_slice %arg11[%dma_start3A_81, %dma_start3A_82] : memref<10240x128xf32, #tpu.memory_space<vmem_shared>> -> memref<10240x128xf32, #tpu.memory_space<vmem_shared>>
        tpu.enqueue_indirect_dma source(%arg10 : memref<128x128xf32, #tpu.memory_space<vmem>>) target(%dma_start3A_83 : memref<10240x128xf32, #tpu.memory_space<vmem_shared>>) offsets(%dma_start3A_80 : memref<128xi32, #tpu.memory_space<vmem>>) semaphore(%run_scoped3A : memref<!tpu.dma_semaphore, #tpu.memory_space<semaphore_mem>>) {add = true}
        %dma_wait3A_84 = arith.constant 0 : i32
        %dma_wait3A_85 = tpu.memref_slice %arg8[%add3A_77, %dma_wait3A_84] : memref<40x128xi32, #tpu.memory_space<vmem>> -> memref<1x128xi32, #tpu.memory_space<vmem>>
        %dma_wait3A_86 = tpu.memref_squeeze %dma_wait3A_85 : memref<1x128xi32, #tpu.memory_space<vmem>> -> memref<128xi32, #tpu.memory_space<vmem>>
        %dma_wait3A_87 = arith.constant 0 : i32
        %dma_wait3A_88 = arith.constant 0 : i32
        %dma_wait3A_89 = tpu.memref_slice %arg11[%dma_wait3A_87, %dma_wait3A_88] : memref<10240x128xf32, #tpu.memory_space<vmem_shared>> -> memref<10240x128xf32, #tpu.memory_space<vmem_shared>>
        tpu.wait_indirect_dma semaphore(%run_scoped3A : memref<!tpu.dma_semaphore, #tpu.memory_space<semaphore_mem>>) src(%arg10 : memref<128x128xf32, #tpu.memory_space<vmem>>) dst(%dma_wait3A_89 : memref<10240x128xf32, #tpu.memory_space<vmem_shared>>)
        tpu.yield
      }) : () -> ()
    }
    %scan3A_31 = arith.constant 20 : i32
    "tpu.region"() ({
      %run_scoped3A = tpu.sem_alloc : memref<!tpu.dma_semaphore, #tpu.memory_space<semaphore_mem>>
      %dma_start3A_50 = arith.constant 40 : i32
      %dma_start3A_51 = arith.constant 0 : i32
      %dma_start3A_52 = tpu.memref_slice %arg2[%add3A, %dma_start3A_50, %dma_start3A_51] : memref<32x80x128xi32, #tpu.memory_space<hbm>> -> memref<1x40x128xi32, #tpu.memory_space<hbm>>
      %dma_start3A_53 = tpu.memref_squeeze %dma_start3A_52 : memref<1x40x128xi32, #tpu.memory_space<hbm>> -> memref<40x128xi32, #tpu.memory_space<hbm>>
      %dma_start3A_54 = arith.constant 40 : i32
      %dma_start3A_55 = arith.constant 0 : i32
      %dma_start3A_56 = tpu.memref_slice %arg2[%add3A, %dma_start3A_54, %dma_start3A_55] : memref<32x80x128xi32, #tpu.memory_space<hbm>> -> memref<1x40x128xi32, #tpu.memory_space<hbm>>
      %dma_start3A_57 = tpu.memref_squeeze %dma_start3A_56 : memref<1x40x128xi32, #tpu.memory_space<hbm>> -> memref<40x128xi32, #tpu.memory_space<hbm>>
      tpu.enqueue_dma source(%dma_start3A_57 : memref<40x128xi32, #tpu.memory_space<hbm>>) target(%arg7 : memref<40x128xi32, #tpu.memory_space<vmem>>) target_semaphore(%run_scoped3A : memref<!tpu.dma_semaphore, #tpu.memory_space<semaphore_mem>>)
      %dma_wait3A = arith.constant 40 : i32
      %dma_wait3A_58 = arith.constant 0 : i32
      %dma_wait3A_59 = tpu.memref_slice %arg2[%add3A, %dma_wait3A, %dma_wait3A_58] : memref<32x80x128xi32, #tpu.memory_space<hbm>> -> memref<1x40x128xi32, #tpu.memory_space<hbm>>
      %dma_wait3A_60 = tpu.memref_squeeze %dma_wait3A_59 : memref<1x40x128xi32, #tpu.memory_space<hbm>> -> memref<40x128xi32, #tpu.memory_space<hbm>>
      %dma_wait3A_61 = arith.constant 40 : i32
      %dma_wait3A_62 = arith.constant 0 : i32
      %dma_wait3A_63 = tpu.memref_slice %arg2[%add3A, %dma_wait3A_61, %dma_wait3A_62] : memref<32x80x128xi32, #tpu.memory_space<hbm>> -> memref<1x40x128xi32, #tpu.memory_space<hbm>>
      %dma_wait3A_64 = tpu.memref_squeeze %dma_wait3A_63 : memref<1x40x128xi32, #tpu.memory_space<hbm>> -> memref<40x128xi32, #tpu.memory_space<hbm>>
      tpu.wait_dma2 semaphore(%run_scoped3A : memref<!tpu.dma_semaphore, #tpu.memory_space<semaphore_mem>>) src(%dma_wait3A_64 : memref<40x128xi32, #tpu.memory_space<hbm>>) dst(%arg7 : memref<40x128xi32, #tpu.memory_space<vmem>>)
      tpu.yield
    }) : () -> ()
    "tpu.region"() ({
      %run_scoped3A = tpu.sem_alloc : memref<!tpu.dma_semaphore, #tpu.memory_space<semaphore_mem>>
      %dma_start3A_50 = arith.constant 40 : i32
      %dma_start3A_51 = arith.constant 0 : i32
      %dma_start3A_52 = tpu.memref_slice %arg3[%add3A, %dma_start3A_50, %dma_start3A_51] : memref<32x80x128xi32, #tpu.memory_space<hbm>> -> memref<1x40x128xi32, #tpu.memory_space<hbm>>
      %dma_start3A_53 = tpu.memref_squeeze %dma_start3A_52 : memref<1x40x128xi32, #tpu.memory_space<hbm>> -> memref<40x128xi32, #tpu.memory_space<hbm>>
      %dma_start3A_54 = arith.constant 40 : i32
      %dma_start3A_55 = arith.constant 0 : i32
      %dma_start3A_56 = tpu.memref_slice %arg3[%add3A, %dma_start3A_54, %dma_start3A_55] : memref<32x80x128xi32, #tpu.memory_space<hbm>> -> memref<1x40x128xi32, #tpu.memory_space<hbm>>
      %dma_start3A_57 = tpu.memref_squeeze %dma_start3A_56 : memref<1x40x128xi32, #tpu.memory_space<hbm>> -> memref<40x128xi32, #tpu.memory_space<hbm>>
      tpu.enqueue_dma source(%dma_start3A_57 : memref<40x128xi32, #tpu.memory_space<hbm>>) target(%arg8 : memref<40x128xi32, #tpu.memory_space<vmem>>) target_semaphore(%run_scoped3A : memref<!tpu.dma_semaphore, #tpu.memory_space<semaphore_mem>>)
      %dma_wait3A = arith.constant 40 : i32
      %dma_wait3A_58 = arith.constant 0 : i32
      %dma_wait3A_59 = tpu.memref_slice %arg3[%add3A, %dma_wait3A, %dma_wait3A_58] : memref<32x80x128xi32, #tpu.memory_space<hbm>> -> memref<1x40x128xi32, #tpu.memory_space<hbm>>
      %dma_wait3A_60 = tpu.memref_squeeze %dma_wait3A_59 : memref<1x40x128xi32, #tpu.memory_space<hbm>> -> memref<40x128xi32, #tpu.memory_space<hbm>>
      %dma_wait3A_61 = arith.constant 40 : i32
      %dma_wait3A_62 = arith.constant 0 : i32
      %dma_wait3A_63 = tpu.memref_slice %arg3[%add3A, %dma_wait3A_61, %dma_wait3A_62] : memref<32x80x128xi32, #tpu.memory_space<hbm>> -> memref<1x40x128xi32, #tpu.memory_space<hbm>>
      %dma_wait3A_64 = tpu.memref_squeeze %dma_wait3A_63 : memref<1x40x128xi32, #tpu.memory_space<hbm>> -> memref<40x128xi32, #tpu.memory_space<hbm>>
      tpu.wait_dma2 semaphore(%run_scoped3A : memref<!tpu.dma_semaphore, #tpu.memory_space<semaphore_mem>>) src(%dma_wait3A_64 : memref<40x128xi32, #tpu.memory_space<hbm>>) dst(%arg8 : memref<40x128xi32, #tpu.memory_space<vmem>>)
      tpu.yield
    }) : () -> ()
    %dma_start3A_32 = arith.constant 0 : i32
    %dma_start3A_33 = arith.constant 0 : i32
    %dma_start3A_34 = tpu.memref_slice %arg7[%dma_start3A_32, %dma_start3A_33] : memref<40x128xi32, #tpu.memory_space<vmem>> -> memref<1x128xi32, #tpu.memory_space<vmem>>
    %dma_start3A_35 = tpu.memref_squeeze %dma_start3A_34 : memref<1x128xi32, #tpu.memory_space<vmem>> -> memref<128xi32, #tpu.memory_space<vmem>>
    %dma_start3A_36 = arith.constant 0 : i32
    %dma_start3A_37 = arith.constant 0 : i32
    %dma_start3A_38 = tpu.memref_slice %arg4[%dma_start3A_36, %dma_start3A_37] : memref<10240x128xf32, #tpu.memory_space<hbm>> -> memref<10240x128xf32, #tpu.memory_space<hbm>>
    tpu.enqueue_indirect_dma source(%dma_start3A_38 : memref<10240x128xf32, #tpu.memory_space<hbm>>) target(%arg9 : memref<128x128xf32, #tpu.memory_space<vmem>>) offsets(%dma_start3A_35 : memref<128xi32, #tpu.memory_space<vmem>>) semaphore(%arg12 : memref<!tpu.dma_semaphore, #tpu.memory_space<semaphore_mem>>)
    %scan3A_39 = arith.constant 0 : i32
    %scan3A_40 = arith.constant 0 : i32
    %scan3A_41 = arith.constant 20 : i32
    %scan3A_42 = arith.addi %scan3A_40, %scan3A_41 : i32
    %scan3A_43 = arith.constant 1 : i32
    scf.for %scan3A_50 = %scan3A_40 to %scan3A_42 step %scan3A_43  : i32 {
      %mul3A_51 = arith.constant 2 : i32
      %mul3A_52 = arith.muli %mul3A_51, %scan3A_50 : i32
      %add3A_53 = arith.constant 1 : i32
      %add3A_54 = arith.addi %mul3A_52, %add3A_53 : i32
      %dma_start3A_55 = arith.constant 0 : i32
      %dma_start3A_56 = tpu.memref_slice %arg7[%add3A_54, %dma_start3A_55] : memref<40x128xi32, #tpu.memory_space<vmem>> -> memref<1x128xi32, #tpu.memory_space<vmem>>
      %dma_start3A_57 = tpu.memref_squeeze %dma_start3A_56 : memref<1x128xi32, #tpu.memory_space<vmem>> -> memref<128xi32, #tpu.memory_space<vmem>>
      %dma_start3A_58 = arith.constant 0 : i32
      %dma_start3A_59 = arith.constant 0 : i32
      %dma_start3A_60 = tpu.memref_slice %arg4[%dma_start3A_58, %dma_start3A_59] : memref<10240x128xf32, #tpu.memory_space<hbm>> -> memref<10240x128xf32, #tpu.memory_space<hbm>>
      tpu.enqueue_indirect_dma source(%dma_start3A_60 : memref<10240x128xf32, #tpu.memory_space<hbm>>) target(%arg10 : memref<128x128xf32, #tpu.memory_space<vmem>>) offsets(%dma_start3A_57 : memref<128xi32, #tpu.memory_space<vmem>>) semaphore(%arg13 : memref<!tpu.dma_semaphore, #tpu.memory_space<semaphore_mem>>)
      %dma_wait3A = arith.constant 0 : i32
      %dma_wait3A_61 = arith.constant 0 : i32
      %dma_wait3A_62 = tpu.memref_slice %arg4[%dma_wait3A, %dma_wait3A_61] : memref<10240x128xf32, #tpu.memory_space<hbm>> -> memref<128x128xf32, #tpu.memory_space<hbm>>
      %dma_wait3A_63 = arith.constant 0 : i32
      %dma_wait3A_64 = arith.constant 0 : i32
      %dma_wait3A_65 = tpu.memref_slice %arg4[%dma_wait3A_63, %dma_wait3A_64] : memref<10240x128xf32, #tpu.memory_space<hbm>> -> memref<128x128xf32, #tpu.memory_space<hbm>>
      tpu.wait_dma2 semaphore(%arg12 : memref<!tpu.dma_semaphore, #tpu.memory_space<semaphore_mem>>) src(%dma_wait3A_65 : memref<128x128xf32, #tpu.memory_space<hbm>>) dst(%arg9 : memref<128x128xf32, #tpu.memory_space<vmem>>)
      "tpu.region"() ({
        %run_scoped3A = tpu.sem_alloc : memref<!tpu.dma_semaphore, #tpu.memory_space<semaphore_mem>>
        %dma_start3A_78 = arith.constant 0 : i32
        %dma_start3A_79 = tpu.memref_slice %arg8[%mul3A_52, %dma_start3A_78] : memref<40x128xi32, #tpu.memory_space<vmem>> -> memref<1x128xi32, #tpu.memory_space<vmem>>
        %dma_start3A_80 = tpu.memref_squeeze %dma_start3A_79 : memref<1x128xi32, #tpu.memory_space<vmem>> -> memref<128xi32, #tpu.memory_space<vmem>>
        %dma_start3A_81 = arith.constant 0 : i32
        %dma_start3A_82 = arith.constant 0 : i32
        %dma_start3A_83 = tpu.memref_slice %arg11[%dma_start3A_81, %dma_start3A_82] : memref<10240x128xf32, #tpu.memory_space<vmem_shared>> -> memref<10240x128xf32, #tpu.memory_space<vmem_shared>>
        tpu.enqueue_indirect_dma source(%arg9 : memref<128x128xf32, #tpu.memory_space<vmem>>) target(%dma_start3A_83 : memref<10240x128xf32, #tpu.memory_space<vmem_shared>>) offsets(%dma_start3A_80 : memref<128xi32, #tpu.memory_space<vmem>>) semaphore(%run_scoped3A : memref<!tpu.dma_semaphore, #tpu.memory_space<semaphore_mem>>) {add = true}
        %dma_wait3A_84 = arith.constant 0 : i32
        %dma_wait3A_85 = tpu.memref_slice %arg8[%mul3A_52, %dma_wait3A_84] : memref<40x128xi32, #tpu.memory_space<vmem>> -> memref<1x128xi32, #tpu.memory_space<vmem>>
        %dma_wait3A_86 = tpu.memref_squeeze %dma_wait3A_85 : memref<1x128xi32, #tpu.memory_space<vmem>> -> memref<128xi32, #tpu.memory_space<vmem>>
        %dma_wait3A_87 = arith.constant 0 : i32
        %dma_wait3A_88 = arith.constant 0 : i32
        %dma_wait3A_89 = tpu.memref_slice %arg11[%dma_wait3A_87, %dma_wait3A_88] : memref<10240x128xf32, #tpu.memory_space<vmem_shared>> -> memref<10240x128xf32, #tpu.memory_space<vmem_shared>>
        tpu.wait_indirect_dma semaphore(%run_scoped3A : memref<!tpu.dma_semaphore, #tpu.memory_space<semaphore_mem>>) src(%arg9 : memref<128x128xf32, #tpu.memory_space<vmem>>) dst(%dma_wait3A_89 : memref<10240x128xf32, #tpu.memory_space<vmem_shared>>)
        tpu.yield
      }) : () -> ()
      %add3A_66 = arith.constant 2 : i32
      %add3A_67 = arith.addi %mul3A_52, %add3A_66 : i32
      %lt3A = arith.constant 40 : i32
      %lt3A_68 = arith.cmpi slt, %add3A_67, %lt3A : i32
      %convert_element_type3A = arith.extui %lt3A_68 : i1 to i32
      %cond3A = arith.constant 0 : i32
      %cond3A_69 = arith.cmpi ne, %convert_element_type3A, %cond3A : i32
      scf.if %cond3A_69 {
        %add3A_78 = arith.constant 2 : i32
        %add3A_79 = arith.addi %mul3A_52, %add3A_78 : i32
        %dma_start3A_80 = arith.constant 0 : i32
        %dma_start3A_81 = tpu.memref_slice %arg7[%add3A_79, %dma_start3A_80] : memref<40x128xi32, #tpu.memory_space<vmem>> -> memref<1x128xi32, #tpu.memory_space<vmem>>
        %dma_start3A_82 = tpu.memref_squeeze %dma_start3A_81 : memref<1x128xi32, #tpu.memory_space<vmem>> -> memref<128xi32, #tpu.memory_space<vmem>>
        %dma_start3A_83 = arith.constant 0 : i32
        %dma_start3A_84 = arith.constant 0 : i32
        %dma_start3A_85 = tpu.memref_slice %arg4[%dma_start3A_83, %dma_start3A_84] : memref<10240x128xf32, #tpu.memory_space<hbm>> -> memref<10240x128xf32, #tpu.memory_space<hbm>>
        tpu.enqueue_indirect_dma source(%dma_start3A_85 : memref<10240x128xf32, #tpu.memory_space<hbm>>) target(%arg9 : memref<128x128xf32, #tpu.memory_space<vmem>>) offsets(%dma_start3A_82 : memref<128xi32, #tpu.memory_space<vmem>>) semaphore(%arg12 : memref<!tpu.dma_semaphore, #tpu.memory_space<semaphore_mem>>)
      } else {
      }
      %dma_wait3A_70 = arith.constant 0 : i32
      %dma_wait3A_71 = arith.constant 0 : i32
      %dma_wait3A_72 = tpu.memref_slice %arg4[%dma_wait3A_70, %dma_wait3A_71] : memref<10240x128xf32, #tpu.memory_space<hbm>> -> memref<128x128xf32, #tpu.memory_space<hbm>>
      %dma_wait3A_73 = arith.constant 0 : i32
      %dma_wait3A_74 = arith.constant 0 : i32
      %dma_wait3A_75 = tpu.memref_slice %arg4[%dma_wait3A_73, %dma_wait3A_74] : memref<10240x128xf32, #tpu.memory_space<hbm>> -> memref<128x128xf32, #tpu.memory_space<hbm>>
      tpu.wait_dma2 semaphore(%arg13 : memref<!tpu.dma_semaphore, #tpu.memory_space<semaphore_mem>>) src(%dma_wait3A_75 : memref<128x128xf32, #tpu.memory_space<hbm>>) dst(%arg10 : memref<128x128xf32, #tpu.memory_space<vmem>>)
      %add3A_76 = arith.constant 1 : i32
      %add3A_77 = arith.addi %mul3A_52, %add3A_76 : i32
      "tpu.region"() ({
        %run_scoped3A = tpu.sem_alloc : memref<!tpu.dma_semaphore, #tpu.memory_space<semaphore_mem>>
        %dma_start3A_78 = arith.constant 0 : i32
        %dma_start3A_79 = tpu.memref_slice %arg8[%add3A_77, %dma_start3A_78] : memref<40x128xi32, #tpu.memory_space<vmem>> -> memref<1x128xi32, #tpu.memory_space<vmem>>
        %dma_start3A_80 = tpu.memref_squeeze %dma_start3A_79 : memref<1x128xi32, #tpu.memory_space<vmem>> -> memref<128xi32, #tpu.memory_space<vmem>>
        %dma_start3A_81 = arith.constant 0 : i32
        %dma_start3A_82 = arith.constant 0 : i32
        %dma_start3A_83 = tpu.memref_slice %arg11[%dma_start3A_81, %dma_start3A_82] : memref<10240x128xf32, #tpu.memory_space<vmem_shared>> -> memref<10240x128xf32, #tpu.memory_space<vmem_shared>>
        tpu.enqueue_indirect_dma source(%arg10 : memref<128x128xf32, #tpu.memory_space<vmem>>) target(%dma_start3A_83 : memref<10240x128xf32, #tpu.memory_space<vmem_shared>>) offsets(%dma_start3A_80 : memref<128xi32, #tpu.memory_space<vmem>>) semaphore(%run_scoped3A : memref<!tpu.dma_semaphore, #tpu.memory_space<semaphore_mem>>) {add = true}
        %dma_wait3A_84 = arith.constant 0 : i32
        %dma_wait3A_85 = tpu.memref_slice %arg8[%add3A_77, %dma_wait3A_84] : memref<40x128xi32, #tpu.memory_space<vmem>> -> memref<1x128xi32, #tpu.memory_space<vmem>>
        %dma_wait3A_86 = tpu.memref_squeeze %dma_wait3A_85 : memref<1x128xi32, #tpu.memory_space<vmem>> -> memref<128xi32, #tpu.memory_space<vmem>>
        %dma_wait3A_87 = arith.constant 0 : i32
        %dma_wait3A_88 = arith.constant 0 : i32
        %dma_wait3A_89 = tpu.memref_slice %arg11[%dma_wait3A_87, %dma_wait3A_88] : memref<10240x128xf32, #tpu.memory_space<vmem_shared>> -> memref<10240x128xf32, #tpu.memory_space<vmem_shared>>
        tpu.wait_indirect_dma semaphore(%run_scoped3A : memref<!tpu.dma_semaphore, #tpu.memory_space<semaphore_mem>>) src(%arg10 : memref<128x128xf32, #tpu.memory_space<vmem>>) dst(%dma_wait3A_89 : memref<10240x128xf32, #tpu.memory_space<vmem_shared>>)
        tpu.yield
      }) : () -> ()
    }
    %scan3A_44 = arith.constant 20 : i32
    %barrier3A_45 = arith.constant 0 : index
    tpu.barrier barrier_id(%barrier3A_45)
    %mul3A_46 = arith.constant 640 : i32
    %mul3A_47 = arith.muli %arg1, %mul3A_46 : i32
    %mul3A_48 = arith.constant 640 : i32
    %mul3A_49 = arith.muli %arg1, %mul3A_48 : i32
    "tpu.region"() ({
      %run_scoped3A = tpu.sem_alloc : memref<!tpu.dma_semaphore, #tpu.memory_space<semaphore_mem>>
      %dma_start3A_50 = arith.constant 0 : i32
      %dma_start3A_51 = tpu.memref_slice %arg6[%arg0, %mul3A_49, %dma_start3A_50] : memref<2x10240x128xf32, #tpu.memory_space<hbm>> -> memref<1x640x128xf32, #tpu.memory_space<hbm>>
      %dma_start3A_52 = tpu.memref_squeeze %dma_start3A_51 : memref<1x640x128xf32, #tpu.memory_space<hbm>> -> memref<640x128xf32, #tpu.memory_space<hbm>>
      %dma_start3A_53 = arith.constant 0 : i32
      %dma_start3A_54 = tpu.memref_slice %arg11[%mul3A_47, %dma_start3A_53] : memref<10240x128xf32, #tpu.memory_space<vmem_shared>> -> memref<640x128xf32, #tpu.memory_space<vmem_shared>>
      tpu.enqueue_dma source(%dma_start3A_54 : memref<640x128xf32, #tpu.memory_space<vmem_shared>>) target(%dma_start3A_52 : memref<640x128xf32, #tpu.memory_space<hbm>>) target_semaphore(%run_scoped3A : memref<!tpu.dma_semaphore, #tpu.memory_space<semaphore_mem>>)
      %dma_wait3A = arith.constant 0 : i32
      %dma_wait3A_55 = tpu.memref_slice %arg6[%arg0, %mul3A_49, %dma_wait3A] : memref<2x10240x128xf32, #tpu.memory_space<hbm>> -> memref<1x640x128xf32, #tpu.memory_space<hbm>>
      %dma_wait3A_56 = tpu.memref_squeeze %dma_wait3A_55 : memref<1x640x128xf32, #tpu.memory_space<hbm>> -> memref<640x128xf32, #tpu.memory_space<hbm>>
      %dma_wait3A_57 = arith.constant 0 : i32
      %dma_wait3A_58 = tpu.memref_slice %arg11[%mul3A_47, %dma_wait3A_57] : memref<10240x128xf32, #tpu.memory_space<vmem_shared>> -> memref<640x128xf32, #tpu.memory_space<vmem_shared>>
      tpu.wait_dma2 semaphore(%run_scoped3A : memref<!tpu.dma_semaphore, #tpu.memory_space<semaphore_mem>>) src(%dma_wait3A_58 : memref<640x128xf32, #tpu.memory_space<vmem_shared>>) dst(%dma_wait3A_56 : memref<640x128xf32, #tpu.memory_space<hbm>>)
      tpu.yield
    }) : () -> ()
    return
  }
}

#map = affine_map<(d0, d1) -> (0, 0, 0)>
#map1 = affine_map<(d0, d1) -> (0, 0)>
module attributes {stable_mosaic.version = 14 : i64} {
  func.func @_sc_agg(%arg0: i32, %arg1: i32, %arg2: memref<32x80x128xi32, #tpu.memory_space<hbm>>, %arg3: memref<32x80x128xi32, #tpu.memory_space<hbm>>, %arg4: memref<10240x128xf32, #tpu.memory_space<hbm>>, %arg5: memref<128x128xf32, #tpu.memory_space<hbm>>, %arg6: memref<2x10240x128xf32, #tpu.memory_space<hbm>>, %arg7: memref<40x128xi32, #tpu.memory_space<vmem>>, %arg8: memref<40x128xi32, #tpu.memory_space<vmem>>, %arg9: memref<128x128xf32, #tpu.memory_space<vmem>>, %arg10: memref<128x128xf32, #tpu.memory_space<vmem>>, %arg11: memref<10240x128xf32, #tpu.memory_space<vmem_shared>>, %arg12: memref<!tpu.dma_semaphore, #tpu.memory_space<semaphore_mem>>, %arg13: memref<!tpu.dma_semaphore, #tpu.memory_space<semaphore_mem>>) attributes {dimension_semantics = [#tpu.dimension_semantics<core_parallel>, #tpu.dimension_semantics<subcore_parallel>], iteration_bounds = array<i64: 2, 16>, scalar_prefetch = 0 : i64, scratch_operands = 7 : i64, tpu.core_type = #tpu.core_type<sc_vector_subcore>, window_params = [{transform_indices = #map}, {transform_indices = #map}, {transform_indices = #map1}, {transform_indices = #map1}, {transform_indices = #map}]} {
    %mul3A = arith.constant 16 : i32
    %mul3A_0 = arith.muli %arg0, %mul3A : i32
    %add3A = arith.addi %mul3A_0, %arg1 : i32
    "tpu.region"() ({
      %run_scoped3A = tpu.sem_alloc : memref<!tpu.dma_semaphore, #tpu.memory_space<semaphore_mem>>
      tpu.enqueue_dma source(%arg5 : memref<128x128xf32, #tpu.memory_space<hbm>>) target(%arg9 : memref<128x128xf32, #tpu.memory_space<vmem>>) target_semaphore(%run_scoped3A : memref<!tpu.dma_semaphore, #tpu.memory_space<semaphore_mem>>)
      tpu.wait_dma2 semaphore(%run_scoped3A : memref<!tpu.dma_semaphore, #tpu.memory_space<semaphore_mem>>) src(%arg5 : memref<128x128xf32, #tpu.memory_space<hbm>>) dst(%arg9 : memref<128x128xf32, #tpu.memory_space<vmem>>)
      tpu.yield
    }) : () -> ()
    %mul3A_1 = arith.constant 640 : i32
    %mul3A_2 = arith.muli %arg1, %mul3A_1 : i32
    %add3A_3 = arith.constant 0 : i32
    %add3A_4 = arith.addi %mul3A_2, %add3A_3 : i32
    "tpu.region"() ({
      %run_scoped3A = tpu.sem_alloc : memref<!tpu.dma_semaphore, #tpu.memory_space<semaphore_mem>>
      %dma_start3A_50 = arith.constant 0 : i32
      %dma_start3A_51 = tpu.memref_slice %arg11[%add3A_4, %dma_start3A_50] : memref<10240x128xf32, #tpu.memory_space<vmem_shared>> -> memref<128x128xf32, #tpu.memory_space<vmem_shared>>
      %dma_start3A_52 = arith.constant 0 : i32
      %dma_start3A_53 = tpu.memref_slice %arg11[%add3A_4, %dma_start3A_52] : memref<10240x128xf32, #tpu.memory_space<vmem_shared>> -> memref<128x128xf32, #tpu.memory_space<vmem_shared>>
      tpu.enqueue_dma source(%arg9 : memref<128x128xf32, #tpu.memory_space<vmem>>) target(%dma_start3A_53 : memref<128x128xf32, #tpu.memory_space<vmem_shared>>) target_semaphore(%run_scoped3A : memref<!tpu.dma_semaphore, #tpu.memory_space<semaphore_mem>>)
      %dma_wait3A = arith.constant 0 : i32
      %dma_wait3A_54 = tpu.memref_slice %arg11[%add3A_4, %dma_wait3A] : memref<10240x128xf32, #tpu.memory_space<vmem_shared>> -> memref<128x128xf32, #tpu.memory_space<vmem_shared>>
      %dma_wait3A_55 = arith.constant 0 : i32
      %dma_wait3A_56 = tpu.memref_slice %arg11[%add3A_4, %dma_wait3A_55] : memref<10240x128xf32, #tpu.memory_space<vmem_shared>> -> memref<128x128xf32, #tpu.memory_space<vmem_shared>>
      tpu.wait_dma2 semaphore(%run_scoped3A : memref<!tpu.dma_semaphore, #tpu.memory_space<semaphore_mem>>) src(%arg9 : memref<128x128xf32, #tpu.memory_space<vmem>>) dst(%dma_wait3A_56 : memref<128x128xf32, #tpu.memory_space<vmem_shared>>)
      tpu.yield
    }) : () -> ()
    %mul3A_5 = arith.constant 640 : i32
    %mul3A_6 = arith.muli %arg1, %mul3A_5 : i32
    %add3A_7 = arith.constant 128 : i32
    %add3A_8 = arith.addi %mul3A_6, %add3A_7 : i32
    "tpu.region"() ({
      %run_scoped3A = tpu.sem_alloc : memref<!tpu.dma_semaphore, #tpu.memory_space<semaphore_mem>>
      %dma_start3A_50 = arith.constant 0 : i32
      %dma_start3A_51 = tpu.memref_slice %arg11[%add3A_8, %dma_start3A_50] : memref<10240x128xf32, #tpu.memory_space<vmem_shared>> -> memref<128x128xf32, #tpu.memory_space<vmem_shared>>
      %dma_start3A_52 = arith.constant 0 : i32
      %dma_start3A_53 = tpu.memref_slice %arg11[%add3A_8, %dma_start3A_52] : memref<10240x128xf32, #tpu.memory_space<vmem_shared>> -> memref<128x128xf32, #tpu.memory_space<vmem_shared>>
      tpu.enqueue_dma source(%arg9 : memref<128x128xf32, #tpu.memory_space<vmem>>) target(%dma_start3A_53 : memref<128x128xf32, #tpu.memory_space<vmem_shared>>) target_semaphore(%run_scoped3A : memref<!tpu.dma_semaphore, #tpu.memory_space<semaphore_mem>>)
      %dma_wait3A = arith.constant 0 : i32
      %dma_wait3A_54 = tpu.memref_slice %arg11[%add3A_8, %dma_wait3A] : memref<10240x128xf32, #tpu.memory_space<vmem_shared>> -> memref<128x128xf32, #tpu.memory_space<vmem_shared>>
      %dma_wait3A_55 = arith.constant 0 : i32
      %dma_wait3A_56 = tpu.memref_slice %arg11[%add3A_8, %dma_wait3A_55] : memref<10240x128xf32, #tpu.memory_space<vmem_shared>> -> memref<128x128xf32, #tpu.memory_space<vmem_shared>>
      tpu.wait_dma2 semaphore(%run_scoped3A : memref<!tpu.dma_semaphore, #tpu.memory_space<semaphore_mem>>) src(%arg9 : memref<128x128xf32, #tpu.memory_space<vmem>>) dst(%dma_wait3A_56 : memref<128x128xf32, #tpu.memory_space<vmem_shared>>)
      tpu.yield
    }) : () -> ()
    %mul3A_9 = arith.constant 640 : i32
    %mul3A_10 = arith.muli %arg1, %mul3A_9 : i32
    %add3A_11 = arith.constant 256 : i32
    %add3A_12 = arith.addi %mul3A_10, %add3A_11 : i32
    "tpu.region"() ({
      %run_scoped3A = tpu.sem_alloc : memref<!tpu.dma_semaphore, #tpu.memory_space<semaphore_mem>>
      %dma_start3A_50 = arith.constant 0 : i32
      %dma_start3A_51 = tpu.memref_slice %arg11[%add3A_12, %dma_start3A_50] : memref<10240x128xf32, #tpu.memory_space<vmem_shared>> -> memref<128x128xf32, #tpu.memory_space<vmem_shared>>
      %dma_start3A_52 = arith.constant 0 : i32
      %dma_start3A_53 = tpu.memref_slice %arg11[%add3A_12, %dma_start3A_52] : memref<10240x128xf32, #tpu.memory_space<vmem_shared>> -> memref<128x128xf32, #tpu.memory_space<vmem_shared>>
      tpu.enqueue_dma source(%arg9 : memref<128x128xf32, #tpu.memory_space<vmem>>) target(%dma_start3A_53 : memref<128x128xf32, #tpu.memory_space<vmem_shared>>) target_semaphore(%run_scoped3A : memref<!tpu.dma_semaphore, #tpu.memory_space<semaphore_mem>>)
      %dma_wait3A = arith.constant 0 : i32
      %dma_wait3A_54 = tpu.memref_slice %arg11[%add3A_12, %dma_wait3A] : memref<10240x128xf32, #tpu.memory_space<vmem_shared>> -> memref<128x128xf32, #tpu.memory_space<vmem_shared>>
      %dma_wait3A_55 = arith.constant 0 : i32
      %dma_wait3A_56 = tpu.memref_slice %arg11[%add3A_12, %dma_wait3A_55] : memref<10240x128xf32, #tpu.memory_space<vmem_shared>> -> memref<128x128xf32, #tpu.memory_space<vmem_shared>>
      tpu.wait_dma2 semaphore(%run_scoped3A : memref<!tpu.dma_semaphore, #tpu.memory_space<semaphore_mem>>) src(%arg9 : memref<128x128xf32, #tpu.memory_space<vmem>>) dst(%dma_wait3A_56 : memref<128x128xf32, #tpu.memory_space<vmem_shared>>)
      tpu.yield
    }) : () -> ()
    %mul3A_13 = arith.constant 640 : i32
    %mul3A_14 = arith.muli %arg1, %mul3A_13 : i32
    %add3A_15 = arith.constant 384 : i32
    %add3A_16 = arith.addi %mul3A_14, %add3A_15 : i32
    "tpu.region"() ({
      %run_scoped3A = tpu.sem_alloc : memref<!tpu.dma_semaphore, #tpu.memory_space<semaphore_mem>>
      %dma_start3A_50 = arith.constant 0 : i32
      %dma_start3A_51 = tpu.memref_slice %arg11[%add3A_16, %dma_start3A_50] : memref<10240x128xf32, #tpu.memory_space<vmem_shared>> -> memref<128x128xf32, #tpu.memory_space<vmem_shared>>
      %dma_start3A_52 = arith.constant 0 : i32
      %dma_start3A_53 = tpu.memref_slice %arg11[%add3A_16, %dma_start3A_52] : memref<10240x128xf32, #tpu.memory_space<vmem_shared>> -> memref<128x128xf32, #tpu.memory_space<vmem_shared>>
      tpu.enqueue_dma source(%arg9 : memref<128x128xf32, #tpu.memory_space<vmem>>) target(%dma_start3A_53 : memref<128x128xf32, #tpu.memory_space<vmem_shared>>) target_semaphore(%run_scoped3A : memref<!tpu.dma_semaphore, #tpu.memory_space<semaphore_mem>>)
      %dma_wait3A = arith.constant 0 : i32
      %dma_wait3A_54 = tpu.memref_slice %arg11[%add3A_16, %dma_wait3A] : memref<10240x128xf32, #tpu.memory_space<vmem_shared>> -> memref<128x128xf32, #tpu.memory_space<vmem_shared>>
      %dma_wait3A_55 = arith.constant 0 : i32
      %dma_wait3A_56 = tpu.memref_slice %arg11[%add3A_16, %dma_wait3A_55] : memref<10240x128xf32, #tpu.memory_space<vmem_shared>> -> memref<128x128xf32, #tpu.memory_space<vmem_shared>>
      tpu.wait_dma2 semaphore(%run_scoped3A : memref<!tpu.dma_semaphore, #tpu.memory_space<semaphore_mem>>) src(%arg9 : memref<128x128xf32, #tpu.memory_space<vmem>>) dst(%dma_wait3A_56 : memref<128x128xf32, #tpu.memory_space<vmem_shared>>)
      tpu.yield
    }) : () -> ()
    %mul3A_17 = arith.constant 640 : i32
    %mul3A_18 = arith.muli %arg1, %mul3A_17 : i32
    %add3A_19 = arith.constant 512 : i32
    %add3A_20 = arith.addi %mul3A_18, %add3A_19 : i32
    "tpu.region"() ({
      %run_scoped3A = tpu.sem_alloc : memref<!tpu.dma_semaphore, #tpu.memory_space<semaphore_mem>>
      %dma_start3A_50 = arith.constant 0 : i32
      %dma_start3A_51 = tpu.memref_slice %arg11[%add3A_20, %dma_start3A_50] : memref<10240x128xf32, #tpu.memory_space<vmem_shared>> -> memref<128x128xf32, #tpu.memory_space<vmem_shared>>
      %dma_start3A_52 = arith.constant 0 : i32
      %dma_start3A_53 = tpu.memref_slice %arg11[%add3A_20, %dma_start3A_52] : memref<10240x128xf32, #tpu.memory_space<vmem_shared>> -> memref<128x128xf32, #tpu.memory_space<vmem_shared>>
      tpu.enqueue_dma source(%arg9 : memref<128x128xf32, #tpu.memory_space<vmem>>) target(%dma_start3A_53 : memref<128x128xf32, #tpu.memory_space<vmem_shared>>) target_semaphore(%run_scoped3A : memref<!tpu.dma_semaphore, #tpu.memory_space<semaphore_mem>>)
      %dma_wait3A = arith.constant 0 : i32
      %dma_wait3A_54 = tpu.memref_slice %arg11[%add3A_20, %dma_wait3A] : memref<10240x128xf32, #tpu.memory_space<vmem_shared>> -> memref<128x128xf32, #tpu.memory_space<vmem_shared>>
      %dma_wait3A_55 = arith.constant 0 : i32
      %dma_wait3A_56 = tpu.memref_slice %arg11[%add3A_20, %dma_wait3A_55] : memref<10240x128xf32, #tpu.memory_space<vmem_shared>> -> memref<128x128xf32, #tpu.memory_space<vmem_shared>>
      tpu.wait_dma2 semaphore(%run_scoped3A : memref<!tpu.dma_semaphore, #tpu.memory_space<semaphore_mem>>) src(%arg9 : memref<128x128xf32, #tpu.memory_space<vmem>>) dst(%dma_wait3A_56 : memref<128x128xf32, #tpu.memory_space<vmem_shared>>)
      tpu.yield
    }) : () -> ()
    %barrier3A = arith.constant 0 : index
    tpu.barrier barrier_id(%barrier3A)
    "tpu.region"() ({
      %run_scoped3A = tpu.sem_alloc : memref<!tpu.dma_semaphore, #tpu.memory_space<semaphore_mem>>
      %dma_start3A_50 = arith.constant 0 : i32
      %dma_start3A_51 = arith.constant 0 : i32
      %dma_start3A_52 = tpu.memref_slice %arg2[%add3A, %dma_start3A_50, %dma_start3A_51] : memref<32x80x128xi32, #tpu.memory_space<hbm>> -> memref<1x40x128xi32, #tpu.memory_space<hbm>>
      %dma_start3A_53 = tpu.memref_squeeze %dma_start3A_52 : memref<1x40x128xi32, #tpu.memory_space<hbm>> -> memref<40x128xi32, #tpu.memory_space<hbm>>
      %dma_start3A_54 = arith.constant 0 : i32
      %dma_start3A_55 = arith.constant 0 : i32
      %dma_start3A_56 = tpu.memref_slice %arg2[%add3A, %dma_start3A_54, %dma_start3A_55] : memref<32x80x128xi32, #tpu.memory_space<hbm>> -> memref<1x40x128xi32, #tpu.memory_space<hbm>>
      %dma_start3A_57 = tpu.memref_squeeze %dma_start3A_56 : memref<1x40x128xi32, #tpu.memory_space<hbm>> -> memref<40x128xi32, #tpu.memory_space<hbm>>
      tpu.enqueue_dma source(%dma_start3A_57 : memref<40x128xi32, #tpu.memory_space<hbm>>) target(%arg7 : memref<40x128xi32, #tpu.memory_space<vmem>>) target_semaphore(%run_scoped3A : memref<!tpu.dma_semaphore, #tpu.memory_space<semaphore_mem>>)
      %dma_wait3A = arith.constant 0 : i32
      %dma_wait3A_58 = arith.constant 0 : i32
      %dma_wait3A_59 = tpu.memref_slice %arg2[%add3A, %dma_wait3A, %dma_wait3A_58] : memref<32x80x128xi32, #tpu.memory_space<hbm>> -> memref<1x40x128xi32, #tpu.memory_space<hbm>>
      %dma_wait3A_60 = tpu.memref_squeeze %dma_wait3A_59 : memref<1x40x128xi32, #tpu.memory_space<hbm>> -> memref<40x128xi32, #tpu.memory_space<hbm>>
      %dma_wait3A_61 = arith.constant 0 : i32
      %dma_wait3A_62 = arith.constant 0 : i32
      %dma_wait3A_63 = tpu.memref_slice %arg2[%add3A, %dma_wait3A_61, %dma_wait3A_62] : memref<32x80x128xi32, #tpu.memory_space<hbm>> -> memref<1x40x128xi32, #tpu.memory_space<hbm>>
      %dma_wait3A_64 = tpu.memref_squeeze %dma_wait3A_63 : memref<1x40x128xi32, #tpu.memory_space<hbm>> -> memref<40x128xi32, #tpu.memory_space<hbm>>
      tpu.wait_dma2 semaphore(%run_scoped3A : memref<!tpu.dma_semaphore, #tpu.memory_space<semaphore_mem>>) src(%dma_wait3A_64 : memref<40x128xi32, #tpu.memory_space<hbm>>) dst(%arg7 : memref<40x128xi32, #tpu.memory_space<vmem>>)
      tpu.yield
    }) : () -> ()
    "tpu.region"() ({
      %run_scoped3A = tpu.sem_alloc : memref<!tpu.dma_semaphore, #tpu.memory_space<semaphore_mem>>
      %dma_start3A_50 = arith.constant 0 : i32
      %dma_start3A_51 = arith.constant 0 : i32
      %dma_start3A_52 = tpu.memref_slice %arg3[%add3A, %dma_start3A_50, %dma_start3A_51] : memref<32x80x128xi32, #tpu.memory_space<hbm>> -> memref<1x40x128xi32, #tpu.memory_space<hbm>>
      %dma_start3A_53 = tpu.memref_squeeze %dma_start3A_52 : memref<1x40x128xi32, #tpu.memory_space<hbm>> -> memref<40x128xi32, #tpu.memory_space<hbm>>
      %dma_start3A_54 = arith.constant 0 : i32
      %dma_start3A_55 = arith.constant 0 : i32
      %dma_start3A_56 = tpu.memref_slice %arg3[%add3A, %dma_start3A_54, %dma_start3A_55] : memref<32x80x128xi32, #tpu.memory_space<hbm>> -> memref<1x40x128xi32, #tpu.memory_space<hbm>>
      %dma_start3A_57 = tpu.memref_squeeze %dma_start3A_56 : memref<1x40x128xi32, #tpu.memory_space<hbm>> -> memref<40x128xi32, #tpu.memory_space<hbm>>
      tpu.enqueue_dma source(%dma_start3A_57 : memref<40x128xi32, #tpu.memory_space<hbm>>) target(%arg8 : memref<40x128xi32, #tpu.memory_space<vmem>>) target_semaphore(%run_scoped3A : memref<!tpu.dma_semaphore, #tpu.memory_space<semaphore_mem>>)
      %dma_wait3A = arith.constant 0 : i32
      %dma_wait3A_58 = arith.constant 0 : i32
      %dma_wait3A_59 = tpu.memref_slice %arg3[%add3A, %dma_wait3A, %dma_wait3A_58] : memref<32x80x128xi32, #tpu.memory_space<hbm>> -> memref<1x40x128xi32, #tpu.memory_space<hbm>>
      %dma_wait3A_60 = tpu.memref_squeeze %dma_wait3A_59 : memref<1x40x128xi32, #tpu.memory_space<hbm>> -> memref<40x128xi32, #tpu.memory_space<hbm>>
      %dma_wait3A_61 = arith.constant 0 : i32
      %dma_wait3A_62 = arith.constant 0 : i32
      %dma_wait3A_63 = tpu.memref_slice %arg3[%add3A, %dma_wait3A_61, %dma_wait3A_62] : memref<32x80x128xi32, #tpu.memory_space<hbm>> -> memref<1x40x128xi32, #tpu.memory_space<hbm>>
      %dma_wait3A_64 = tpu.memref_squeeze %dma_wait3A_63 : memref<1x40x128xi32, #tpu.memory_space<hbm>> -> memref<40x128xi32, #tpu.memory_space<hbm>>
      tpu.wait_dma2 semaphore(%run_scoped3A : memref<!tpu.dma_semaphore, #tpu.memory_space<semaphore_mem>>) src(%dma_wait3A_64 : memref<40x128xi32, #tpu.memory_space<hbm>>) dst(%arg8 : memref<40x128xi32, #tpu.memory_space<vmem>>)
      tpu.yield
    }) : () -> ()
    %dma_start3A = arith.constant 0 : i32
    %dma_start3A_21 = arith.constant 0 : i32
    %dma_start3A_22 = tpu.memref_slice %arg7[%dma_start3A, %dma_start3A_21] : memref<40x128xi32, #tpu.memory_space<vmem>> -> memref<1x128xi32, #tpu.memory_space<vmem>>
    %dma_start3A_23 = tpu.memref_squeeze %dma_start3A_22 : memref<1x128xi32, #tpu.memory_space<vmem>> -> memref<128xi32, #tpu.memory_space<vmem>>
    %dma_start3A_24 = arith.constant 0 : i32
    %dma_start3A_25 = arith.constant 0 : i32
    %dma_start3A_26 = tpu.memref_slice %arg4[%dma_start3A_24, %dma_start3A_25] : memref<10240x128xf32, #tpu.memory_space<hbm>> -> memref<10240x128xf32, #tpu.memory_space<hbm>>
    tpu.enqueue_indirect_dma source(%dma_start3A_26 : memref<10240x128xf32, #tpu.memory_space<hbm>>) target(%arg9 : memref<128x128xf32, #tpu.memory_space<vmem>>) offsets(%dma_start3A_23 : memref<128xi32, #tpu.memory_space<vmem>>) semaphore(%arg12 : memref<!tpu.dma_semaphore, #tpu.memory_space<semaphore_mem>>)
    %scan3A = arith.constant 0 : i32
    %scan3A_27 = arith.constant 0 : i32
    %scan3A_28 = arith.constant 20 : i32
    %scan3A_29 = arith.addi %scan3A_27, %scan3A_28 : i32
    %scan3A_30 = arith.constant 1 : i32
    scf.for %scan3A_50 = %scan3A_27 to %scan3A_29 step %scan3A_30  : i32 {
      %mul3A_51 = arith.constant 2 : i32
      %mul3A_52 = arith.muli %mul3A_51, %scan3A_50 : i32
      %add3A_53 = arith.constant 1 : i32
      %add3A_54 = arith.addi %mul3A_52, %add3A_53 : i32
      %dma_start3A_55 = arith.constant 0 : i32
      %dma_start3A_56 = tpu.memref_slice %arg7[%add3A_54, %dma_start3A_55] : memref<40x128xi32, #tpu.memory_space<vmem>> -> memref<1x128xi32, #tpu.memory_space<vmem>>
      %dma_start3A_57 = tpu.memref_squeeze %dma_start3A_56 : memref<1x128xi32, #tpu.memory_space<vmem>> -> memref<128xi32, #tpu.memory_space<vmem>>
      %dma_start3A_58 = arith.constant 0 : i32
      %dma_start3A_59 = arith.constant 0 : i32
      %dma_start3A_60 = tpu.memref_slice %arg4[%dma_start3A_58, %dma_start3A_59] : memref<10240x128xf32, #tpu.memory_space<hbm>> -> memref<10240x128xf32, #tpu.memory_space<hbm>>
      tpu.enqueue_indirect_dma source(%dma_start3A_60 : memref<10240x128xf32, #tpu.memory_space<hbm>>) target(%arg10 : memref<128x128xf32, #tpu.memory_space<vmem>>) offsets(%dma_start3A_57 : memref<128xi32, #tpu.memory_space<vmem>>) semaphore(%arg13 : memref<!tpu.dma_semaphore, #tpu.memory_space<semaphore_mem>>)
      %dma_wait3A = arith.constant 0 : i32
      %dma_wait3A_61 = arith.constant 0 : i32
      %dma_wait3A_62 = tpu.memref_slice %arg4[%dma_wait3A, %dma_wait3A_61] : memref<10240x128xf32, #tpu.memory_space<hbm>> -> memref<128x128xf32, #tpu.memory_space<hbm>>
      %dma_wait3A_63 = arith.constant 0 : i32
      %dma_wait3A_64 = arith.constant 0 : i32
      %dma_wait3A_65 = tpu.memref_slice %arg4[%dma_wait3A_63, %dma_wait3A_64] : memref<10240x128xf32, #tpu.memory_space<hbm>> -> memref<128x128xf32, #tpu.memory_space<hbm>>
      tpu.wait_dma2 semaphore(%arg12 : memref<!tpu.dma_semaphore, #tpu.memory_space<semaphore_mem>>) src(%dma_wait3A_65 : memref<128x128xf32, #tpu.memory_space<hbm>>) dst(%arg9 : memref<128x128xf32, #tpu.memory_space<vmem>>)
      "tpu.region"() ({
        %run_scoped3A = tpu.sem_alloc : memref<!tpu.dma_semaphore, #tpu.memory_space<semaphore_mem>>
        %dma_start3A_78 = arith.constant 0 : i32
        %dma_start3A_79 = tpu.memref_slice %arg8[%mul3A_52, %dma_start3A_78] : memref<40x128xi32, #tpu.memory_space<vmem>> -> memref<1x128xi32, #tpu.memory_space<vmem>>
        %dma_start3A_80 = tpu.memref_squeeze %dma_start3A_79 : memref<1x128xi32, #tpu.memory_space<vmem>> -> memref<128xi32, #tpu.memory_space<vmem>>
        %dma_start3A_81 = arith.constant 0 : i32
        %dma_start3A_82 = arith.constant 0 : i32
        %dma_start3A_83 = tpu.memref_slice %arg11[%dma_start3A_81, %dma_start3A_82] : memref<10240x128xf32, #tpu.memory_space<vmem_shared>> -> memref<10240x128xf32, #tpu.memory_space<vmem_shared>>
        tpu.enqueue_indirect_dma source(%arg9 : memref<128x128xf32, #tpu.memory_space<vmem>>) target(%dma_start3A_83 : memref<10240x128xf32, #tpu.memory_space<vmem_shared>>) offsets(%dma_start3A_80 : memref<128xi32, #tpu.memory_space<vmem>>) semaphore(%run_scoped3A : memref<!tpu.dma_semaphore, #tpu.memory_space<semaphore_mem>>) {add = true}
        %dma_wait3A_84 = arith.constant 0 : i32
        %dma_wait3A_85 = tpu.memref_slice %arg8[%mul3A_52, %dma_wait3A_84] : memref<40x128xi32, #tpu.memory_space<vmem>> -> memref<1x128xi32, #tpu.memory_space<vmem>>
        %dma_wait3A_86 = tpu.memref_squeeze %dma_wait3A_85 : memref<1x128xi32, #tpu.memory_space<vmem>> -> memref<128xi32, #tpu.memory_space<vmem>>
        %dma_wait3A_87 = arith.constant 0 : i32
        %dma_wait3A_88 = arith.constant 0 : i32
        %dma_wait3A_89 = tpu.memref_slice %arg11[%dma_wait3A_87, %dma_wait3A_88] : memref<10240x128xf32, #tpu.memory_space<vmem_shared>> -> memref<10240x128xf32, #tpu.memory_space<vmem_shared>>
        tpu.wait_indirect_dma semaphore(%run_scoped3A : memref<!tpu.dma_semaphore, #tpu.memory_space<semaphore_mem>>) src(%arg9 : memref<128x128xf32, #tpu.memory_space<vmem>>) dst(%dma_wait3A_89 : memref<10240x128xf32, #tpu.memory_space<vmem_shared>>)
        tpu.yield
      }) : () -> ()
      %add3A_66 = arith.constant 2 : i32
      %add3A_67 = arith.addi %mul3A_52, %add3A_66 : i32
      %lt3A = arith.constant 40 : i32
      %lt3A_68 = arith.cmpi slt, %add3A_67, %lt3A : i32
      %convert_element_type3A = arith.extui %lt3A_68 : i1 to i32
      %cond3A = arith.constant 0 : i32
      %cond3A_69 = arith.cmpi ne, %convert_element_type3A, %cond3A : i32
      scf.if %cond3A_69 {
        %add3A_78 = arith.constant 2 : i32
        %add3A_79 = arith.addi %mul3A_52, %add3A_78 : i32
        %dma_start3A_80 = arith.constant 0 : i32
        %dma_start3A_81 = tpu.memref_slice %arg7[%add3A_79, %dma_start3A_80] : memref<40x128xi32, #tpu.memory_space<vmem>> -> memref<1x128xi32, #tpu.memory_space<vmem>>
        %dma_start3A_82 = tpu.memref_squeeze %dma_start3A_81 : memref<1x128xi32, #tpu.memory_space<vmem>> -> memref<128xi32, #tpu.memory_space<vmem>>
        %dma_start3A_83 = arith.constant 0 : i32
        %dma_start3A_84 = arith.constant 0 : i32
        %dma_start3A_85 = tpu.memref_slice %arg4[%dma_start3A_83, %dma_start3A_84] : memref<10240x128xf32, #tpu.memory_space<hbm>> -> memref<10240x128xf32, #tpu.memory_space<hbm>>
        tpu.enqueue_indirect_dma source(%dma_start3A_85 : memref<10240x128xf32, #tpu.memory_space<hbm>>) target(%arg9 : memref<128x128xf32, #tpu.memory_space<vmem>>) offsets(%dma_start3A_82 : memref<128xi32, #tpu.memory_space<vmem>>) semaphore(%arg12 : memref<!tpu.dma_semaphore, #tpu.memory_space<semaphore_mem>>)
      } else {
      }
      %dma_wait3A_70 = arith.constant 0 : i32
      %dma_wait3A_71 = arith.constant 0 : i32
      %dma_wait3A_72 = tpu.memref_slice %arg4[%dma_wait3A_70, %dma_wait3A_71] : memref<10240x128xf32, #tpu.memory_space<hbm>> -> memref<128x128xf32, #tpu.memory_space<hbm>>
      %dma_wait3A_73 = arith.constant 0 : i32
      %dma_wait3A_74 = arith.constant 0 : i32
      %dma_wait3A_75 = tpu.memref_slice %arg4[%dma_wait3A_73, %dma_wait3A_74] : memref<10240x128xf32, #tpu.memory_space<hbm>> -> memref<128x128xf32, #tpu.memory_space<hbm>>
      tpu.wait_dma2 semaphore(%arg13 : memref<!tpu.dma_semaphore, #tpu.memory_space<semaphore_mem>>) src(%dma_wait3A_75 : memref<128x128xf32, #tpu.memory_space<hbm>>) dst(%arg10 : memref<128x128xf32, #tpu.memory_space<vmem>>)
      %add3A_76 = arith.constant 1 : i32
      %add3A_77 = arith.addi %mul3A_52, %add3A_76 : i32
      "tpu.region"() ({
        %run_scoped3A = tpu.sem_alloc : memref<!tpu.dma_semaphore, #tpu.memory_space<semaphore_mem>>
        %dma_start3A_78 = arith.constant 0 : i32
        %dma_start3A_79 = tpu.memref_slice %arg8[%add3A_77, %dma_start3A_78] : memref<40x128xi32, #tpu.memory_space<vmem>> -> memref<1x128xi32, #tpu.memory_space<vmem>>
        %dma_start3A_80 = tpu.memref_squeeze %dma_start3A_79 : memref<1x128xi32, #tpu.memory_space<vmem>> -> memref<128xi32, #tpu.memory_space<vmem>>
        %dma_start3A_81 = arith.constant 0 : i32
        %dma_start3A_82 = arith.constant 0 : i32
        %dma_start3A_83 = tpu.memref_slice %arg11[%dma_start3A_81, %dma_start3A_82] : memref<10240x128xf32, #tpu.memory_space<vmem_shared>> -> memref<10240x128xf32, #tpu.memory_space<vmem_shared>>
        tpu.enqueue_indirect_dma source(%arg10 : memref<128x128xf32, #tpu.memory_space<vmem>>) target(%dma_start3A_83 : memref<10240x128xf32, #tpu.memory_space<vmem_shared>>) offsets(%dma_start3A_80 : memref<128xi32, #tpu.memory_space<vmem>>) semaphore(%run_scoped3A : memref<!tpu.dma_semaphore, #tpu.memory_space<semaphore_mem>>) {add = true}
        %dma_wait3A_84 = arith.constant 0 : i32
        %dma_wait3A_85 = tpu.memref_slice %arg8[%add3A_77, %dma_wait3A_84] : memref<40x128xi32, #tpu.memory_space<vmem>> -> memref<1x128xi32, #tpu.memory_space<vmem>>
        %dma_wait3A_86 = tpu.memref_squeeze %dma_wait3A_85 : memref<1x128xi32, #tpu.memory_space<vmem>> -> memref<128xi32, #tpu.memory_space<vmem>>
        %dma_wait3A_87 = arith.constant 0 : i32
        %dma_wait3A_88 = arith.constant 0 : i32
        %dma_wait3A_89 = tpu.memref_slice %arg11[%dma_wait3A_87, %dma_wait3A_88] : memref<10240x128xf32, #tpu.memory_space<vmem_shared>> -> memref<10240x128xf32, #tpu.memory_space<vmem_shared>>
        tpu.wait_indirect_dma semaphore(%run_scoped3A : memref<!tpu.dma_semaphore, #tpu.memory_space<semaphore_mem>>) src(%arg10 : memref<128x128xf32, #tpu.memory_space<vmem>>) dst(%dma_wait3A_89 : memref<10240x128xf32, #tpu.memory_space<vmem_shared>>)
        tpu.yield
      }) : () -> ()
    }
    %scan3A_31 = arith.constant 20 : i32
    "tpu.region"() ({
      %run_scoped3A = tpu.sem_alloc : memref<!tpu.dma_semaphore, #tpu.memory_space<semaphore_mem>>
      %dma_start3A_50 = arith.constant 40 : i32
      %dma_start3A_51 = arith.constant 0 : i32
      %dma_start3A_52 = tpu.memref_slice %arg2[%add3A, %dma_start3A_50, %dma_start3A_51] : memref<32x80x128xi32, #tpu.memory_space<hbm>> -> memref<1x40x128xi32, #tpu.memory_space<hbm>>
      %dma_start3A_53 = tpu.memref_squeeze %dma_start3A_52 : memref<1x40x128xi32, #tpu.memory_space<hbm>> -> memref<40x128xi32, #tpu.memory_space<hbm>>
      %dma_start3A_54 = arith.constant 40 : i32
      %dma_start3A_55 = arith.constant 0 : i32
      %dma_start3A_56 = tpu.memref_slice %arg2[%add3A, %dma_start3A_54, %dma_start3A_55] : memref<32x80x128xi32, #tpu.memory_space<hbm>> -> memref<1x40x128xi32, #tpu.memory_space<hbm>>
      %dma_start3A_57 = tpu.memref_squeeze %dma_start3A_56 : memref<1x40x128xi32, #tpu.memory_space<hbm>> -> memref<40x128xi32, #tpu.memory_space<hbm>>
      tpu.enqueue_dma source(%dma_start3A_57 : memref<40x128xi32, #tpu.memory_space<hbm>>) target(%arg7 : memref<40x128xi32, #tpu.memory_space<vmem>>) target_semaphore(%run_scoped3A : memref<!tpu.dma_semaphore, #tpu.memory_space<semaphore_mem>>)
      %dma_wait3A = arith.constant 40 : i32
      %dma_wait3A_58 = arith.constant 0 : i32
      %dma_wait3A_59 = tpu.memref_slice %arg2[%add3A, %dma_wait3A, %dma_wait3A_58] : memref<32x80x128xi32, #tpu.memory_space<hbm>> -> memref<1x40x128xi32, #tpu.memory_space<hbm>>
      %dma_wait3A_60 = tpu.memref_squeeze %dma_wait3A_59 : memref<1x40x128xi32, #tpu.memory_space<hbm>> -> memref<40x128xi32, #tpu.memory_space<hbm>>
      %dma_wait3A_61 = arith.constant 40 : i32
      %dma_wait3A_62 = arith.constant 0 : i32
      %dma_wait3A_63 = tpu.memref_slice %arg2[%add3A, %dma_wait3A_61, %dma_wait3A_62] : memref<32x80x128xi32, #tpu.memory_space<hbm>> -> memref<1x40x128xi32, #tpu.memory_space<hbm>>
      %dma_wait3A_64 = tpu.memref_squeeze %dma_wait3A_63 : memref<1x40x128xi32, #tpu.memory_space<hbm>> -> memref<40x128xi32, #tpu.memory_space<hbm>>
      tpu.wait_dma2 semaphore(%run_scoped3A : memref<!tpu.dma_semaphore, #tpu.memory_space<semaphore_mem>>) src(%dma_wait3A_64 : memref<40x128xi32, #tpu.memory_space<hbm>>) dst(%arg7 : memref<40x128xi32, #tpu.memory_space<vmem>>)
      tpu.yield
    }) : () -> ()
    "tpu.region"() ({
      %run_scoped3A = tpu.sem_alloc : memref<!tpu.dma_semaphore, #tpu.memory_space<semaphore_mem>>
      %dma_start3A_50 = arith.constant 40 : i32
      %dma_start3A_51 = arith.constant 0 : i32
      %dma_start3A_52 = tpu.memref_slice %arg3[%add3A, %dma_start3A_50, %dma_start3A_51] : memref<32x80x128xi32, #tpu.memory_space<hbm>> -> memref<1x40x128xi32, #tpu.memory_space<hbm>>
      %dma_start3A_53 = tpu.memref_squeeze %dma_start3A_52 : memref<1x40x128xi32, #tpu.memory_space<hbm>> -> memref<40x128xi32, #tpu.memory_space<hbm>>
      %dma_start3A_54 = arith.constant 40 : i32
      %dma_start3A_55 = arith.constant 0 : i32
      %dma_start3A_56 = tpu.memref_slice %arg3[%add3A, %dma_start3A_54, %dma_start3A_55] : memref<32x80x128xi32, #tpu.memory_space<hbm>> -> memref<1x40x128xi32, #tpu.memory_space<hbm>>
      %dma_start3A_57 = tpu.memref_squeeze %dma_start3A_56 : memref<1x40x128xi32, #tpu.memory_space<hbm>> -> memref<40x128xi32, #tpu.memory_space<hbm>>
      tpu.enqueue_dma source(%dma_start3A_57 : memref<40x128xi32, #tpu.memory_space<hbm>>) target(%arg8 : memref<40x128xi32, #tpu.memory_space<vmem>>) target_semaphore(%run_scoped3A : memref<!tpu.dma_semaphore, #tpu.memory_space<semaphore_mem>>)
      %dma_wait3A = arith.constant 40 : i32
      %dma_wait3A_58 = arith.constant 0 : i32
      %dma_wait3A_59 = tpu.memref_slice %arg3[%add3A, %dma_wait3A, %dma_wait3A_58] : memref<32x80x128xi32, #tpu.memory_space<hbm>> -> memref<1x40x128xi32, #tpu.memory_space<hbm>>
      %dma_wait3A_60 = tpu.memref_squeeze %dma_wait3A_59 : memref<1x40x128xi32, #tpu.memory_space<hbm>> -> memref<40x128xi32, #tpu.memory_space<hbm>>
      %dma_wait3A_61 = arith.constant 40 : i32
      %dma_wait3A_62 = arith.constant 0 : i32
      %dma_wait3A_63 = tpu.memref_slice %arg3[%add3A, %dma_wait3A_61, %dma_wait3A_62] : memref<32x80x128xi32, #tpu.memory_space<hbm>> -> memref<1x40x128xi32, #tpu.memory_space<hbm>>
      %dma_wait3A_64 = tpu.memref_squeeze %dma_wait3A_63 : memref<1x40x128xi32, #tpu.memory_space<hbm>> -> memref<40x128xi32, #tpu.memory_space<hbm>>
      tpu.wait_dma2 semaphore(%run_scoped3A : memref<!tpu.dma_semaphore, #tpu.memory_space<semaphore_mem>>) src(%dma_wait3A_64 : memref<40x128xi32, #tpu.memory_space<hbm>>) dst(%arg8 : memref<40x128xi32, #tpu.memory_space<vmem>>)
      tpu.yield
    }) : () -> ()
    %dma_start3A_32 = arith.constant 0 : i32
    %dma_start3A_33 = arith.constant 0 : i32
    %dma_start3A_34 = tpu.memref_slice %arg7[%dma_start3A_32, %dma_start3A_33] : memref<40x128xi32, #tpu.memory_space<vmem>> -> memref<1x128xi32, #tpu.memory_space<vmem>>
    %dma_start3A_35 = tpu.memref_squeeze %dma_start3A_34 : memref<1x128xi32, #tpu.memory_space<vmem>> -> memref<128xi32, #tpu.memory_space<vmem>>
    %dma_start3A_36 = arith.constant 0 : i32
    %dma_start3A_37 = arith.constant 0 : i32
    %dma_start3A_38 = tpu.memref_slice %arg4[%dma_start3A_36, %dma_start3A_37] : memref<10240x128xf32, #tpu.memory_space<hbm>> -> memref<10240x128xf32, #tpu.memory_space<hbm>>
    tpu.enqueue_indirect_dma source(%dma_start3A_38 : memref<10240x128xf32, #tpu.memory_space<hbm>>) target(%arg9 : memref<128x128xf32, #tpu.memory_space<vmem>>) offsets(%dma_start3A_35 : memref<128xi32, #tpu.memory_space<vmem>>) semaphore(%arg12 : memref<!tpu.dma_semaphore, #tpu.memory_space<semaphore_mem>>)
    %scan3A_39 = arith.constant 0 : i32
    %scan3A_40 = arith.constant 0 : i32
    %scan3A_41 = arith.constant 20 : i32
    %scan3A_42 = arith.addi %scan3A_40, %scan3A_41 : i32
    %scan3A_43 = arith.constant 1 : i32
    scf.for %scan3A_50 = %scan3A_40 to %scan3A_42 step %scan3A_43  : i32 {
      %mul3A_51 = arith.constant 2 : i32
      %mul3A_52 = arith.muli %mul3A_51, %scan3A_50 : i32
      %add3A_53 = arith.constant 1 : i32
      %add3A_54 = arith.addi %mul3A_52, %add3A_53 : i32
      %dma_start3A_55 = arith.constant 0 : i32
      %dma_start3A_56 = tpu.memref_slice %arg7[%add3A_54, %dma_start3A_55] : memref<40x128xi32, #tpu.memory_space<vmem>> -> memref<1x128xi32, #tpu.memory_space<vmem>>
      %dma_start3A_57 = tpu.memref_squeeze %dma_start3A_56 : memref<1x128xi32, #tpu.memory_space<vmem>> -> memref<128xi32, #tpu.memory_space<vmem>>
      %dma_start3A_58 = arith.constant 0 : i32
      %dma_start3A_59 = arith.constant 0 : i32
      %dma_start3A_60 = tpu.memref_slice %arg4[%dma_start3A_58, %dma_start3A_59] : memref<10240x128xf32, #tpu.memory_space<hbm>> -> memref<10240x128xf32, #tpu.memory_space<hbm>>
      tpu.enqueue_indirect_dma source(%dma_start3A_60 : memref<10240x128xf32, #tpu.memory_space<hbm>>) target(%arg10 : memref<128x128xf32, #tpu.memory_space<vmem>>) offsets(%dma_start3A_57 : memref<128xi32, #tpu.memory_space<vmem>>) semaphore(%arg13 : memref<!tpu.dma_semaphore, #tpu.memory_space<semaphore_mem>>)
      %dma_wait3A = arith.constant 0 : i32
      %dma_wait3A_61 = arith.constant 0 : i32
      %dma_wait3A_62 = tpu.memref_slice %arg4[%dma_wait3A, %dma_wait3A_61] : memref<10240x128xf32, #tpu.memory_space<hbm>> -> memref<128x128xf32, #tpu.memory_space<hbm>>
      %dma_wait3A_63 = arith.constant 0 : i32
      %dma_wait3A_64 = arith.constant 0 : i32
      %dma_wait3A_65 = tpu.memref_slice %arg4[%dma_wait3A_63, %dma_wait3A_64] : memref<10240x128xf32, #tpu.memory_space<hbm>> -> memref<128x128xf32, #tpu.memory_space<hbm>>
      tpu.wait_dma2 semaphore(%arg12 : memref<!tpu.dma_semaphore, #tpu.memory_space<semaphore_mem>>) src(%dma_wait3A_65 : memref<128x128xf32, #tpu.memory_space<hbm>>) dst(%arg9 : memref<128x128xf32, #tpu.memory_space<vmem>>)
      "tpu.region"() ({
        %run_scoped3A = tpu.sem_alloc : memref<!tpu.dma_semaphore, #tpu.memory_space<semaphore_mem>>
        %dma_start3A_78 = arith.constant 0 : i32
        %dma_start3A_79 = tpu.memref_slice %arg8[%mul3A_52, %dma_start3A_78] : memref<40x128xi32, #tpu.memory_space<vmem>> -> memref<1x128xi32, #tpu.memory_space<vmem>>
        %dma_start3A_80 = tpu.memref_squeeze %dma_start3A_79 : memref<1x128xi32, #tpu.memory_space<vmem>> -> memref<128xi32, #tpu.memory_space<vmem>>
        %dma_start3A_81 = arith.constant 0 : i32
        %dma_start3A_82 = arith.constant 0 : i32
        %dma_start3A_83 = tpu.memref_slice %arg11[%dma_start3A_81, %dma_start3A_82] : memref<10240x128xf32, #tpu.memory_space<vmem_shared>> -> memref<10240x128xf32, #tpu.memory_space<vmem_shared>>
        tpu.enqueue_indirect_dma source(%arg9 : memref<128x128xf32, #tpu.memory_space<vmem>>) target(%dma_start3A_83 : memref<10240x128xf32, #tpu.memory_space<vmem_shared>>) offsets(%dma_start3A_80 : memref<128xi32, #tpu.memory_space<vmem>>) semaphore(%run_scoped3A : memref<!tpu.dma_semaphore, #tpu.memory_space<semaphore_mem>>) {add = true}
        %dma_wait3A_84 = arith.constant 0 : i32
        %dma_wait3A_85 = tpu.memref_slice %arg8[%mul3A_52, %dma_wait3A_84] : memref<40x128xi32, #tpu.memory_space<vmem>> -> memref<1x128xi32, #tpu.memory_space<vmem>>
        %dma_wait3A_86 = tpu.memref_squeeze %dma_wait3A_85 : memref<1x128xi32, #tpu.memory_space<vmem>> -> memref<128xi32, #tpu.memory_space<vmem>>
        %dma_wait3A_87 = arith.constant 0 : i32
        %dma_wait3A_88 = arith.constant 0 : i32
        %dma_wait3A_89 = tpu.memref_slice %arg11[%dma_wait3A_87, %dma_wait3A_88] : memref<10240x128xf32, #tpu.memory_space<vmem_shared>> -> memref<10240x128xf32, #tpu.memory_space<vmem_shared>>
        tpu.wait_indirect_dma semaphore(%run_scoped3A : memref<!tpu.dma_semaphore, #tpu.memory_space<semaphore_mem>>) src(%arg9 : memref<128x128xf32, #tpu.memory_space<vmem>>) dst(%dma_wait3A_89 : memref<10240x128xf32, #tpu.memory_space<vmem_shared>>)
        tpu.yield
      }) : () -> ()
      %add3A_66 = arith.constant 2 : i32
      %add3A_67 = arith.addi %mul3A_52, %add3A_66 : i32
      %lt3A = arith.constant 40 : i32
      %lt3A_68 = arith.cmpi slt, %add3A_67, %lt3A : i32
      %convert_element_type3A = arith.extui %lt3A_68 : i1 to i32
      %cond3A = arith.constant 0 : i32
      %cond3A_69 = arith.cmpi ne, %convert_element_type3A, %cond3A : i32
      scf.if %cond3A_69 {
        %add3A_78 = arith.constant 2 : i32
        %add3A_79 = arith.addi %mul3A_52, %add3A_78 : i32
        %dma_start3A_80 = arith.constant 0 : i32
        %dma_start3A_81 = tpu.memref_slice %arg7[%add3A_79, %dma_start3A_80] : memref<40x128xi32, #tpu.memory_space<vmem>> -> memref<1x128xi32, #tpu.memory_space<vmem>>
        %dma_start3A_82 = tpu.memref_squeeze %dma_start3A_81 : memref<1x128xi32, #tpu.memory_space<vmem>> -> memref<128xi32, #tpu.memory_space<vmem>>
        %dma_start3A_83 = arith.constant 0 : i32
        %dma_start3A_84 = arith.constant 0 : i32
        %dma_start3A_85 = tpu.memref_slice %arg4[%dma_start3A_83, %dma_start3A_84] : memref<10240x128xf32, #tpu.memory_space<hbm>> -> memref<10240x128xf32, #tpu.memory_space<hbm>>
        tpu.enqueue_indirect_dma source(%dma_start3A_85 : memref<10240x128xf32, #tpu.memory_space<hbm>>) target(%arg9 : memref<128x128xf32, #tpu.memory_space<vmem>>) offsets(%dma_start3A_82 : memref<128xi32, #tpu.memory_space<vmem>>) semaphore(%arg12 : memref<!tpu.dma_semaphore, #tpu.memory_space<semaphore_mem>>)
      } else {
      }
      %dma_wait3A_70 = arith.constant 0 : i32
      %dma_wait3A_71 = arith.constant 0 : i32
      %dma_wait3A_72 = tpu.memref_slice %arg4[%dma_wait3A_70, %dma_wait3A_71] : memref<10240x128xf32, #tpu.memory_space<hbm>> -> memref<128x128xf32, #tpu.memory_space<hbm>>
      %dma_wait3A_73 = arith.constant 0 : i32
      %dma_wait3A_74 = arith.constant 0 : i32
      %dma_wait3A_75 = tpu.memref_slice %arg4[%dma_wait3A_73, %dma_wait3A_74] : memref<10240x128xf32, #tpu.memory_space<hbm>> -> memref<128x128xf32, #tpu.memory_space<hbm>>
      tpu.wait_dma2 semaphore(%arg13 : memref<!tpu.dma_semaphore, #tpu.memory_space<semaphore_mem>>) src(%dma_wait3A_75 : memref<128x128xf32, #tpu.memory_space<hbm>>) dst(%arg10 : memref<128x128xf32, #tpu.memory_space<vmem>>)
      %add3A_76 = arith.constant 1 : i32
      %add3A_77 = arith.addi %mul3A_52, %add3A_76 : i32
      "tpu.region"() ({
        %run_scoped3A = tpu.sem_alloc : memref<!tpu.dma_semaphore, #tpu.memory_space<semaphore_mem>>
        %dma_start3A_78 = arith.constant 0 : i32
        %dma_start3A_79 = tpu.memref_slice %arg8[%add3A_77, %dma_start3A_78] : memref<40x128xi32, #tpu.memory_space<vmem>> -> memref<1x128xi32, #tpu.memory_space<vmem>>
        %dma_start3A_80 = tpu.memref_squeeze %dma_start3A_79 : memref<1x128xi32, #tpu.memory_space<vmem>> -> memref<128xi32, #tpu.memory_space<vmem>>
        %dma_start3A_81 = arith.constant 0 : i32
        %dma_start3A_82 = arith.constant 0 : i32
        %dma_start3A_83 = tpu.memref_slice %arg11[%dma_start3A_81, %dma_start3A_82] : memref<10240x128xf32, #tpu.memory_space<vmem_shared>> -> memref<10240x128xf32, #tpu.memory_space<vmem_shared>>
        tpu.enqueue_indirect_dma source(%arg10 : memref<128x128xf32, #tpu.memory_space<vmem>>) target(%dma_start3A_83 : memref<10240x128xf32, #tpu.memory_space<vmem_shared>>) offsets(%dma_start3A_80 : memref<128xi32, #tpu.memory_space<vmem>>) semaphore(%run_scoped3A : memref<!tpu.dma_semaphore, #tpu.memory_space<semaphore_mem>>) {add = true}
        %dma_wait3A_84 = arith.constant 0 : i32
        %dma_wait3A_85 = tpu.memref_slice %arg8[%add3A_77, %dma_wait3A_84] : memref<40x128xi32, #tpu.memory_space<vmem>> -> memref<1x128xi32, #tpu.memory_space<vmem>>
        %dma_wait3A_86 = tpu.memref_squeeze %dma_wait3A_85 : memref<1x128xi32, #tpu.memory_space<vmem>> -> memref<128xi32, #tpu.memory_space<vmem>>
        %dma_wait3A_87 = arith.constant 0 : i32
        %dma_wait3A_88 = arith.constant 0 : i32
        %dma_wait3A_89 = tpu.memref_slice %arg11[%dma_wait3A_87, %dma_wait3A_88] : memref<10240x128xf32, #tpu.memory_space<vmem_shared>> -> memref<10240x128xf32, #tpu.memory_space<vmem_shared>>
        tpu.wait_indirect_dma semaphore(%run_scoped3A : memref<!tpu.dma_semaphore, #tpu.memory_space<semaphore_mem>>) src(%arg10 : memref<128x128xf32, #tpu.memory_space<vmem>>) dst(%dma_wait3A_89 : memref<10240x128xf32, #tpu.memory_space<vmem_shared>>)
        tpu.yield
      }) : () -> ()
    }
    %scan3A_44 = arith.constant 20 : i32
    %barrier3A_45 = arith.constant 0 : index
    tpu.barrier barrier_id(%barrier3A_45)
    %mul3A_46 = arith.constant 640 : i32
    %mul3A_47 = arith.muli %arg1, %mul3A_46 : i32
    %mul3A_48 = arith.constant 640 : i32
    %mul3A_49 = arith.muli %arg1, %mul3A_48 : i32
    "tpu.region"() ({
      %run_scoped3A = tpu.sem_alloc : memref<!tpu.dma_semaphore, #tpu.memory_space<semaphore_mem>>
      %dma_start3A_50 = arith.constant 0 : i32
      %dma_start3A_51 = tpu.memref_slice %arg6[%arg0, %mul3A_49, %dma_start3A_50] : memref<2x10240x128xf32, #tpu.memory_space<hbm>> -> memref<1x640x128xf32, #tpu.memory_space<hbm>>
      %dma_start3A_52 = tpu.memref_squeeze %dma_start3A_51 : memref<1x640x128xf32, #tpu.memory_space<hbm>> -> memref<640x128xf32, #tpu.memory_space<hbm>>
      %dma_start3A_53 = arith.constant 0 : i32
      %dma_start3A_54 = tpu.memref_slice %arg11[%mul3A_47, %dma_start3A_53] : memref<10240x128xf32, #tpu.memory_space<vmem_shared>> -> memref<640x128xf32, #tpu.memory_space<vmem_shared>>
      tpu.enqueue_dma source(%dma_start3A_54 : memref<640x128xf32, #tpu.memory_space<vmem_shared>>) target(%dma_start3A_52 : memref<640x128xf32, #tpu.memory_space<hbm>>) target_semaphore(%run_scoped3A : memref<!tpu.dma_semaphore, #tpu.memory_space<semaphore_mem>>)
      %dma_wait3A = arith.constant 0 : i32
      %dma_wait3A_55 = tpu.memref_slice %arg6[%arg0, %mul3A_49, %dma_wait3A] : memref<2x10240x128xf32, #tpu.memory_space<hbm>> -> memref<1x640x128xf32, #tpu.memory_space<hbm>>
      %dma_wait3A_56 = tpu.memref_squeeze %dma_wait3A_55 : memref<1x640x128xf32, #tpu.memory_space<hbm>> -> memref<640x128xf32, #tpu.memory_space<hbm>>
      %dma_wait3A_57 = arith.constant 0 : i32
      %dma_wait3A_58 = tpu.memref_slice %arg11[%mul3A_47, %dma_wait3A_57] : memref<10240x128xf32, #tpu.memory_space<vmem_shared>> -> memref<640x128xf32, #tpu.memory_space<vmem_shared>>
      tpu.wait_dma2 semaphore(%run_scoped3A : memref<!tpu.dma_semaphore, #tpu.memory_space<semaphore_mem>>) src(%dma_wait3A_58 : memref<640x128xf32, #tpu.memory_space<vmem_shared>>) dst(%dma_wait3A_56 : memref<640x128xf32, #tpu.memory_space<hbm>>)
      tpu.yield
    }) : () -> ()
    return
  }
}

module attributes {stable_mosaic.version = 14 : i64} {
  func.func @_tc_layer3_pool_body(%arg0: i32, %arg1: memref<1024x128xf32, #tpu.memory_space<vmem>>, %arg2: memref<2x1024x128xf32, #tpu.memory_space<vmem>>, %arg3: memref<128x128xf32, #tpu.memory_space<vmem>>, %arg4: memref<1x128xf32, #tpu.memory_space<vmem>>, %arg5: memref<1x1x1024xi32, #tpu.memory_space<vmem>>, %arg6: memref<128x128xf32, #tpu.memory_space<vmem>>, %arg7: memref<1x128xf32, #tpu.memory_space<vmem>>, %arg8: memref<64x128xf32, #tpu.memory_space<vmem>>, %arg9: memref<64x128xf32, #tpu.memory_space<vmem>>, %arg10: memref<64x128xf32, #tpu.memory_space<vmem>>) attributes {dimension_semantics = [#tpu.dimension_semantics<arbitrary>], iteration_bounds = array<i64: 10>, scalar_prefetch = 0 : i64, scratch_operands = 2 : i64, tpu.core_type = #tpu.core_type<tc>, window_params = [{transform_indices = @transform_0, window_bounds = array<i64: 1024, 128>}, {transform_indices = @transform_1, window_bounds = array<i64: 2, 1024, 128>}, {pipeline_mode = #tpu.pipeline_mode<synchronous>, transform_indices = @transform_2, window_bounds = array<i64: 128, 128>}, {pipeline_mode = #tpu.pipeline_mode<synchronous>, transform_indices = @transform_3, window_bounds = array<i64: 1, 128>}, {transform_indices = @transform_4, window_bounds = array<i64: 1, 1, 1024>}, {pipeline_mode = #tpu.pipeline_mode<synchronous>, transform_indices = @transform_5, window_bounds = array<i64: 128, 128>}, {pipeline_mode = #tpu.pipeline_mode<synchronous>, transform_indices = @transform_6, window_bounds = array<i64: 1, 128>}, {pipeline_mode = #tpu.pipeline_mode<synchronous>, transform_indices = @transform_7, window_bounds = array<i64: 64, 128>}]} {
    %eq3A = arith.constant 0 : i32
    %eq3A_0 = arith.cmpi eq, %arg0, %eq3A : i32
    %convert_element_type3A = arith.extui %eq3A_0 : i1 to i32
    %cond3A = arith.constant 0 : i32
    %cond3A_1 = arith.cmpi ne, %convert_element_type3A, %cond3A : i32
    scf.if %cond3A_1 {
      %broadcast_in_dim3A_58 = arith.constant 0.000000e+00 : f32
      %broadcast_in_dim3A_59 = vector.broadcast %broadcast_in_dim3A_58 : f32 to vector<64x128xf32>
      %swap3A_60 = arith.constant 0 : index
      %swap3A_61 = arith.constant 0 : index
      %swap3A_62 = vector.load %arg9[%swap3A_60, %swap3A_61] : memref<64x128xf32, #tpu.memory_space<vmem>>, vector<64x128xf32>
      tpu.vector_store %arg9[%swap3A_60, %swap3A_61], %broadcast_in_dim3A_59 {strides = array<i32>} : memref<64x128xf32, #tpu.memory_space<vmem>>, vector<64x128xf32>,
      %broadcast_in_dim3A_63 = arith.constant 0.000000e+00 : f32
      %broadcast_in_dim3A_64 = vector.broadcast %broadcast_in_dim3A_63 : f32 to vector<64x128xf32>
      %swap3A_65 = arith.constant 0 : index
      %swap3A_66 = arith.constant 0 : index
      %swap3A_67 = vector.load %arg10[%swap3A_65, %swap3A_66] : memref<64x128xf32, #tpu.memory_space<vmem>>, vector<64x128xf32>
      tpu.vector_store %arg10[%swap3A_65, %swap3A_66], %broadcast_in_dim3A_64 {strides = array<i32>} : memref<64x128xf32, #tpu.memory_space<vmem>>, vector<64x128xf32>,
    } else {
    }
    %get3A = arith.constant 0 : index
    %get3A_2 = arith.constant 0 : index
    %get3A_3 = vector.load %arg1[%get3A, %get3A_2] : memref<1024x128xf32, #tpu.memory_space<vmem>>, vector<1024x128xf32>
    %get3A_4 = arith.constant 0 : index
    %get3A_5 = arith.constant 0 : index
    %get3A_6 = arith.constant 0 : index
    %get3A_7 = vector.load %arg2[%get3A_4, %get3A_5, %get3A_6] : memref<2x1024x128xf32, #tpu.memory_space<vmem>>, vector<1x1024x128xf32>
    %get3A_8 = vector.shape_cast %get3A_7 : vector<1x1024x128xf32> to vector<1024x128xf32>
    %add3A = arith.addf %get3A_3, %get3A_8 : vector<1024x128xf32>
    %get3A_9 = arith.constant 1 : index
    %get3A_10 = arith.constant 0 : index
    %get3A_11 = arith.constant 0 : index
    %get3A_12 = vector.load %arg2[%get3A_9, %get3A_10, %get3A_11] : memref<2x1024x128xf32, #tpu.memory_space<vmem>>, vector<1x1024x128xf32>
    %get3A_13 = vector.shape_cast %get3A_12 : vector<1x1024x128xf32> to vector<1024x128xf32>
    %add3A_14 = arith.addf %add3A, %get3A_13 : vector<1024x128xf32>
    %get3A_15 = arith.constant 0 : index
    %get3A_16 = arith.constant 0 : index
    %get3A_17 = vector.load %arg3[%get3A_15, %get3A_16] : memref<128x128xf32, #tpu.memory_space<vmem>>, vector<128x128xf32>
    %dot_general3A = arith.constant dense<0.000000e+00> : vector<1024x128xf32>
    %dot_general3A_18 = tpu.matmul %add3A_14, %get3A_17, %dot_general3A {dimension_numbers = #tpu.dot_dimension_numbers<[1], [0], [0], [1], [0, 0, 1, 1], [], []>, transpose_lhs_hint = false} : vector<1024x128xf32>, vector<128x128xf32>, vector<1024x128xf32> -> vector<1024x128xf32>
    %get3A_19 = arith.constant 0 : index
    %get3A_20 = arith.constant 0 : index
    %get3A_21 = vector.load %arg4[%get3A_19, %get3A_20] : memref<1x128xf32, #tpu.memory_space<vmem>>, vector<1x128xf32>
    %add3A_22 = vector.broadcast %get3A_21 : vector<1x128xf32> to vector<1024x128xf32>
    %add3A_23 = arith.addf %dot_general3A_18, %add3A_22 : vector<1024x128xf32>
    %max3A = arith.constant 0.000000e+00 : f32
    %max3A_24 = vector.broadcast %max3A : f32 to vector<1024x128xf32>
    %max3A_25 = arith.maximumf %add3A_23, %max3A_24 : vector<1024x128xf32>
    %get3A_26 = arith.constant 0 : index
    %get3A_27 = arith.constant 0 : index
    %get3A_28 = arith.constant 0 : index
    %get3A_29 = vector.load %arg5[%get3A_26, %get3A_27, %get3A_28] : memref<1x1x1024xi32, #tpu.memory_space<vmem>>, vector<1x1x1024xi32>
    %get3A_30 = vector.shape_cast %get3A_29 : vector<1x1x1024xi32> to vector<1024xi32>
    %iota3A = tpu.iota {dimensions = array<i32: 0>} : vector<64x1024xi32>
    %broadcast_in_dim3A = vector.shape_cast %get3A_30 : vector<1024xi32> to vector<1x1024xi32>
    %eq3A_31 = vector.broadcast %broadcast_in_dim3A : vector<1x1024xi32> to vector<64x1024xi32>
    %eq3A_32 = arith.cmpi eq, %iota3A, %eq3A_31 : vector<64x1024xi32>
    %convert_element_type3A_33 = arith.extui %eq3A_32 : vector<64x1024xi1> to vector<64x1024xi32>
    %convert_element_type3A_34 = arith.sitofp %convert_element_type3A_33 : vector<64x1024xi32> to vector<64x1024xf32>
    %get3A_35 = arith.constant 0 : index
    %get3A_36 = arith.constant 0 : index
    %get3A_37 = vector.load %arg9[%get3A_35, %get3A_36] : memref<64x128xf32, #tpu.memory_space<vmem>>, vector<64x128xf32>
    %dot_general3A_38 = arith.constant dense<0.000000e+00> : vector<64x128xf32>
    %dot_general3A_39 = tpu.matmul %convert_element_type3A_34, %max3A_25, %dot_general3A_38 {dimension_numbers = #tpu.dot_dimension_numbers<[1], [0], [0], [1], [0, 0, 1, 1], [], []>, transpose_lhs_hint = false} : vector<64x1024xf32>, vector<1024x128xf32>, vector<64x128xf32> -> vector<64x128xf32>
    %add3A_40 = arith.addf %get3A_37, %dot_general3A_39 : vector<64x128xf32>
    %swap3A = arith.constant 0 : index
    %swap3A_41 = arith.constant 0 : index
    %swap3A_42 = vector.load %arg9[%swap3A, %swap3A_41] : memref<64x128xf32, #tpu.memory_space<vmem>>, vector<64x128xf32>
    tpu.vector_store %arg9[%swap3A, %swap3A_41], %add3A_40 {strides = array<i32>} : memref<64x128xf32, #tpu.memory_space<vmem>>, vector<64x128xf32>,
    %get3A_43 = arith.constant 0 : index
    %get3A_44 = arith.constant 0 : index
    %get3A_45 = vector.load %arg10[%get3A_43, %get3A_44] : memref<64x128xf32, #tpu.memory_space<vmem>>, vector<64x128xf32>
    %reduce_sum3A = arith.constant dense<0.000000e+00> : vector<64xf32>
    %reduce_sum3A_46 = vector.multi_reduction <add>, %convert_element_type3A_34, %reduce_sum3A [1] : vector<64x1024xf32> to vector<64xf32>
    %broadcast_in_dim3A_47 = vector.shape_cast %reduce_sum3A_46 : vector<64xf32> to vector<64x1xf32>
    %add3A_48 = vector.broadcast %broadcast_in_dim3A_47 : vector<64x1xf32> to vector<64x128xf32>
    %add3A_49 = arith.addf %get3A_45, %add3A_48 : vector<64x128xf32>
    %swap3A_50 = arith.constant 0 : index
    %swap3A_51 = arith.constant 0 : index
    %swap3A_52 = vector.load %arg10[%swap3A_50, %swap3A_51] : memref<64x128xf32, #tpu.memory_space<vmem>>, vector<64x128xf32>
    tpu.vector_store %arg10[%swap3A_50, %swap3A_51], %add3A_49 {strides = array<i32>} : memref<64x128xf32, #tpu.memory_space<vmem>>, vector<64x128xf32>,
    %eq3A_53 = arith.constant 9 : i32
    %eq3A_54 = arith.cmpi eq, %arg0, %eq3A_53 : i32
    %convert_element_type3A_55 = arith.extui %eq3A_54 : i1 to i32
    %cond3A_56 = arith.constant 0 : i32
    %cond3A_57 = arith.cmpi ne, %convert_element_type3A_55, %cond3A_56 : i32
    scf.if %cond3A_57 {
      %get3A_58 = arith.constant 0 : index
      %get3A_59 = arith.constant 0 : index
      %get3A_60 = vector.load %arg9[%get3A_58, %get3A_59] : memref<64x128xf32, #tpu.memory_space<vmem>>, vector<64x128xf32>
      %get3A_61 = arith.constant 0 : index
      %get3A_62 = arith.constant 0 : index
      %get3A_63 = vector.load %arg10[%get3A_61, %get3A_62] : memref<64x128xf32, #tpu.memory_space<vmem>>, vector<64x128xf32>
      %jit3A = arith.constant 1.000000e+00 : f32
      %max3A_64 = vector.broadcast %jit3A : f32 to vector<64x128xf32>
      %max3A_65 = arith.maximumf %max3A_64, %get3A_63 : vector<64x128xf32>
      %div3A = arith.divf %get3A_60, %max3A_65 : vector<64x128xf32>
      %get3A_66 = arith.constant 0 : index
      %get3A_67 = arith.constant 0 : index
      %get3A_68 = vector.load %arg6[%get3A_66, %get3A_67] : memref<128x128xf32, #tpu.memory_space<vmem>>, vector<128x128xf32>
      %dot_general3A_69 = arith.constant dense<0.000000e+00> : vector<64x128xf32>
      %dot_general3A_70 = tpu.matmul %div3A, %get3A_68, %dot_general3A_69 {dimension_numbers = #tpu.dot_dimension_numbers<[1], [0], [0], [1], [0, 0, 1, 1], [], []>, transpose_lhs_hint = false} : vector<64x128xf32>, vector<128x128xf32>, vector<64x128xf32> -> vector<64x128xf32>
      %get3A_71 = arith.constant 0 : index
      %get3A_72 = arith.constant 0 : index
      %get3A_73 = vector.load %arg7[%get3A_71, %get3A_72] : memref<1x128xf32, #tpu.memory_space<vmem>>, vector<1x128xf32>
      %add3A_74 = vector.broadcast %get3A_73 : vector<1x128xf32> to vector<64x128xf32>
      %add3A_75 = arith.addf %dot_general3A_70, %add3A_74 : vector<64x128xf32>
      %swap3A_76 = arith.constant 0 : index
      %swap3A_77 = arith.constant 0 : index
      %swap3A_78 = vector.load %arg8[%swap3A_76, %swap3A_77] : memref<64x128xf32, #tpu.memory_space<vmem>>, vector<64x128xf32>
      tpu.vector_store %arg8[%swap3A_76, %swap3A_77], %add3A_75 {strides = array<i32>} : memref<64x128xf32, #tpu.memory_space<vmem>>, vector<64x128xf32>,
    } else {
    }
    return
  }
  func.func @transform_0(%arg0: i32) -> (i32, i32) {
    %c0_i32 = arith.constant 0 : i32
    %c0_i32_0 = arith.constant 0 : i32
    return %arg0, %c0_i32 : i32, i32
  }
  func.func @transform_1(%arg0: i32) -> (i32, i32, i32) {
    %c0_i32 = arith.constant 0 : i32
    %c0_i32_0 = arith.constant 0 : i32
    %c0_i32_1 = arith.constant 0 : i32
    return %c0_i32, %arg0, %c0_i32_0 : i32, i32, i32
  }
  func.func @transform_2(%arg0: i32) -> (i32, i32) {
    %c0_i32 = arith.constant 0 : i32
    %c0_i32_0 = arith.constant 0 : i32
    %c0_i32_1 = arith.constant 0 : i32
    return %c0_i32, %c0_i32_0 : i32, i32
  }
  func.func @transform_3(%arg0: i32) -> (i32, i32) {
    %c0_i32 = arith.constant 0 : i32
    %c0_i32_0 = arith.constant 0 : i32
    %c0_i32_1 = arith.constant 0 : i32
    return %c0_i32, %c0_i32_0 : i32, i32
  }
  func.func @transform_4(%arg0: i32) -> (i32, i32, i32) {
    %c0_i32 = arith.constant 0 : i32
    %c0_i32_0 = arith.constant 0 : i32
    %c0_i32_1 = arith.constant 0 : i32
    return %arg0, %c0_i32, %c0_i32_0 : i32, i32, i32
  }
  func.func @transform_5(%arg0: i32) -> (i32, i32) {
    %c0_i32 = arith.constant 0 : i32
    %c0_i32_0 = arith.constant 0 : i32
    %c0_i32_1 = arith.constant 0 : i32
    return %c0_i32, %c0_i32_0 : i32, i32
  }
  func.func @transform_6(%arg0: i32) -> (i32, i32) {
    %c0_i32 = arith.constant 0 : i32
    %c0_i32_0 = arith.constant 0 : i32
    %c0_i32_1 = arith.constant 0 : i32
    return %c0_i32, %c0_i32_0 : i32, i32
  }
  func.func @transform_7(%arg0: i32) -> (i32, i32) {
    %c0_i32 = arith.constant 0 : i32
    %c0_i32_0 = arith.constant 0 : i32
    %c0_i32_1 = arith.constant 0 : i32
    return %c0_i32, %c0_i32_0 : i32, i32
  }
}

module attributes {stable_mosaic.version = 14 : i64} {
  func.func @_tc_layer_body(%arg0: i32, %arg1: memref<1024x128xf32, #tpu.memory_space<vmem>>, %arg2: memref<2x1024x128xf32, #tpu.memory_space<vmem>>, %arg3: memref<128x128xf32, #tpu.memory_space<vmem>>, %arg4: memref<1x128xf32, #tpu.memory_space<vmem>>, %arg5: memref<1024x128xf32, #tpu.memory_space<vmem>>) attributes {dimension_semantics = [#tpu.dimension_semantics<arbitrary>], iteration_bounds = array<i64: 10>, scalar_prefetch = 0 : i64, scratch_operands = 0 : i64, tpu.core_type = #tpu.core_type<tc>, window_params = [{transform_indices = @transform_0, window_bounds = array<i64: 1024, 128>}, {transform_indices = @transform_1, window_bounds = array<i64: 2, 1024, 128>}, {pipeline_mode = #tpu.pipeline_mode<synchronous>, transform_indices = @transform_2, window_bounds = array<i64: 128, 128>}, {pipeline_mode = #tpu.pipeline_mode<synchronous>, transform_indices = @transform_3, window_bounds = array<i64: 1, 128>}, {transform_indices = @transform_4, window_bounds = array<i64: 1024, 128>}]} {
    %get3A = arith.constant 0 : index
    %get3A_0 = arith.constant 0 : index
    %get3A_1 = vector.load %arg1[%get3A, %get3A_0] : memref<1024x128xf32, #tpu.memory_space<vmem>>, vector<1024x128xf32>
    %get3A_2 = arith.constant 0 : index
    %get3A_3 = arith.constant 0 : index
    %get3A_4 = arith.constant 0 : index
    %get3A_5 = vector.load %arg2[%get3A_2, %get3A_3, %get3A_4] : memref<2x1024x128xf32, #tpu.memory_space<vmem>>, vector<1x1024x128xf32>
    %get3A_6 = vector.shape_cast %get3A_5 : vector<1x1024x128xf32> to vector<1024x128xf32>
    %add3A = arith.addf %get3A_1, %get3A_6 : vector<1024x128xf32>
    %get3A_7 = arith.constant 1 : index
    %get3A_8 = arith.constant 0 : index
    %get3A_9 = arith.constant 0 : index
    %get3A_10 = vector.load %arg2[%get3A_7, %get3A_8, %get3A_9] : memref<2x1024x128xf32, #tpu.memory_space<vmem>>, vector<1x1024x128xf32>
    %get3A_11 = vector.shape_cast %get3A_10 : vector<1x1024x128xf32> to vector<1024x128xf32>
    %add3A_12 = arith.addf %add3A, %get3A_11 : vector<1024x128xf32>
    %get3A_13 = arith.constant 0 : index
    %get3A_14 = arith.constant 0 : index
    %get3A_15 = vector.load %arg3[%get3A_13, %get3A_14] : memref<128x128xf32, #tpu.memory_space<vmem>>, vector<128x128xf32>
    %dot_general3A = arith.constant dense<0.000000e+00> : vector<1024x128xf32>
    %dot_general3A_16 = tpu.matmul %add3A_12, %get3A_15, %dot_general3A {dimension_numbers = #tpu.dot_dimension_numbers<[1], [0], [0], [1], [0, 0, 1, 1], [], []>, transpose_lhs_hint = false} : vector<1024x128xf32>, vector<128x128xf32>, vector<1024x128xf32> -> vector<1024x128xf32>
    %get3A_17 = arith.constant 0 : index
    %get3A_18 = arith.constant 0 : index
    %get3A_19 = vector.load %arg4[%get3A_17, %get3A_18] : memref<1x128xf32, #tpu.memory_space<vmem>>, vector<1x128xf32>
    %add3A_20 = vector.broadcast %get3A_19 : vector<1x128xf32> to vector<1024x128xf32>
    %add3A_21 = arith.addf %dot_general3A_16, %add3A_20 : vector<1024x128xf32>
    %max3A = arith.constant 0.000000e+00 : f32
    %max3A_22 = vector.broadcast %max3A : f32 to vector<1024x128xf32>
    %max3A_23 = arith.maximumf %add3A_21, %max3A_22 : vector<1024x128xf32>
    %swap3A = arith.constant 0 : index
    %swap3A_24 = arith.constant 0 : index
    %swap3A_25 = vector.load %arg5[%swap3A, %swap3A_24] : memref<1024x128xf32, #tpu.memory_space<vmem>>, vector<1024x128xf32>
    tpu.vector_store %arg5[%swap3A, %swap3A_24], %max3A_23 {strides = array<i32>} : memref<1024x128xf32, #tpu.memory_space<vmem>>, vector<1024x128xf32>,
    return
  }
  func.func @transform_0(%arg0: i32) -> (i32, i32) {
    %c0_i32 = arith.constant 0 : i32
    %c0_i32_0 = arith.constant 0 : i32
    return %arg0, %c0_i32 : i32, i32
  }
  func.func @transform_1(%arg0: i32) -> (i32, i32, i32) {
    %c0_i32 = arith.constant 0 : i32
    %c0_i32_0 = arith.constant 0 : i32
    %c0_i32_1 = arith.constant 0 : i32
    return %c0_i32, %arg0, %c0_i32_0 : i32, i32, i32
  }
  func.func @transform_2(%arg0: i32) -> (i32, i32) {
    %c0_i32 = arith.constant 0 : i32
    %c0_i32_0 = arith.constant 0 : i32
    %c0_i32_1 = arith.constant 0 : i32
    return %c0_i32, %c0_i32_0 : i32, i32
  }
  func.func @transform_3(%arg0: i32) -> (i32, i32) {
    %c0_i32 = arith.constant 0 : i32
    %c0_i32_0 = arith.constant 0 : i32
    %c0_i32_1 = arith.constant 0 : i32
    return %c0_i32, %c0_i32_0 : i32, i32
  }
  func.func @transform_4(%arg0: i32) -> (i32, i32) {
    %c0_i32 = arith.constant 0 : i32
    %c0_i32_0 = arith.constant 0 : i32
    return %arg0, %c0_i32 : i32, i32
  }
}

</mosaic_0001>

<sc_bundles>
// kernel: kernel.11.cloned.1.call-start
scs
__scs_entry_jumppad:
0x0: {  	(pc) =	sbr.rel $0x88, $3  }
0x1: {  	(tag) =	ssettag $0x0;
	lr =	simm.s32 $0x1  }
0x2: {  	[smem:$0x3F96] =	sst lr;
	_ =	strace $0xD0000000  }
0x3: {  	_ = 	snop  }
0x4: {  	_ = 	snop  }
0x5: {  	_ = 	snop  }
0x6: {  	_ = 	snop  }
0x7: {  	_ = 	snop  }
__scs_overlays_trampoline_lowered:
0x8: {  	[smem:$0x3FA5] =	sst s0  }
0x9: {  	[smem:$0x3FA6] =	sst s1  }
0xa: {  	[smem:$0x3FA7] =	sst s2  }
0xb: {  	[smem:$0x3FA8] =	sst s3  }
0xc: {  	[smem:$0x3FA9] =	sst s4  }
0xd: {  	[smem:$0x3FAA] =	sst s5  }
0xe: {  	[smem:$0x3FAB] =	sst s6  }
0xf: {  	[smem:$0x3FAC] =	sst s7  }
0x10: {  	[smem:$0x3FAD] =	sst s8  }
0x11: {  	[smem:$0x3FAE] =	sst s9;
	s0 =	simm.s32 @!p0 $0x0  }
0x12: {  	s1 =	sld [smem:$0x3F94];
	s0 =	simm.s32 @p0 $0x1  }
0x13: {  	[smem:$0x3FAF] =	sst s0;
	s0 =	simm.s32 @!p1 $0x0  }
0x14: {  	s2 =	sld [smem:$0x3F93];
	s0 =	simm.s32 @p1 $0x1  }
0x15: {  	[smem:$0x3FB0] =	sst s0;
	s0 =	simm.s32 @!p2 $0x0  }
0x16: {  	s3 =	sld [smem:$0x3FDB];
	s0 =	simm.s32 @p2 $0x1  }
0x17: {  	s4 =	simm.s32 $0x1BF5;
	[smem:$0x3FB2] =	sst s0  }
0x18: {  	s0 =	sld [smem:$0x3F95];
	_ =	swait.ge [sflag:s4], $0x0  }
0x19: {  	s7 =	sld [smem:$0x3F96]  }
0x1a: {  	s8 =	sadd.s32 $0xFFFFE003, lr  }
0x1b: {  	s9 =	sadd.s32 $0xFFFFFEF7, lr;
	s5 =	simm.s32 $0xFFFFFFFF;
	p2 =	slt.u32 s8, $0xFFFFF086  }
0x1c: {  	p1 =	slt.u32 s9, $0xF7A;
	s5 =	simm.s32 @!p2 $0x0  }
0x1d: {  	s5 =	simm.s32 @p1 $0x1;
	p0 =	seq.s32 s7, s2  }
0x1e: {  	s7 =	smul.u32 @!p0 $0xF7A, s2;
	p2 =	seq.s32 @!p0 s5, $0x0  }
0x1f: {  	s9 =	smul.u32 $0xF7A, s1;
	s8 =	simm.s32 @!p0 $0x1BF5;
	p2 =	por !p2, p0  }
0x20: {  	[sflag:s8] =	ssyncset.s32 @!p0 $0xFFFFF086;
	s6 =	sadd.s32 @!p0 s3, s7;
	s7 =	simm.s32 @!p0 $0x108  }
0x21: {  	s3 =	sadd.s32 s3, s9;
	s6 =	sadd.s32 @!p0 $0x88, s6;
	s7 =	simm.s32 @p2 $0x1082  }
0x22: {  	[simem:s7], [sflag:s8] =	dma.local @!p0 [hbm:s6], $0xF7A  }
0x23: {  	s9 =	sor.u32 $0xD0000000, s2;
	s6 =	simm.s32 $0x108;
	_ =	swait.ge @!p0 [sflag:s8], $0x0  }
0x24: {  	s3 =	sadd.s32 $0x88, s3;
	s6 =	simm.s32 @!p1 $0x1082;
	[sflag:s4] =	ssyncset.s32 $0xFFFFF086  }
0x25: {  	[simem:s6], [sflag:s4] =	dma.local [hbm:s3], $0xF7A  }
0x26: {  	[smem:$0x3F96] =	sst s1;
	(tag) =	ssettag s2;
	_ =	strace s9  }
0x27: {  	s1 =	sld [smem:$0x3FA6]  }
0x28: {  	s2 =	sld [smem:$0x3FA7]  }
0x29: {  	s4 =	sld [smem:$0x3FA9]  }
0x2a: {  	p0 =	seq.s32 s5, $0x0;
	s5 =	sld [smem:$0x3FAA]  }
0x2b: {  	s6 =	sld [smem:$0x3FAB]  }
0x2c: {  	s7 =	sld [smem:$0x3FAC]  }
0x2d: {  	s3 =	simm.s32 $0x108;
	s8 =	sld [smem:$0x3FAD]  }
0x2e: {  	s3 =	simm.s32 @!p0 $0x1082;
	s9 =	sld [smem:$0x3FAE]  }
0x2f: {  	lr =	sadd.s32 s0, s3;
	s0 =	sld [smem:$0x3FA5]  }
0x30: {  	s3 =	sld [smem:$0x3FA8]  }
0x31: {  	[smem:$0x3FB1] =	sst s10  }
0x32: {  	s10 =	sld [smem:$0x3FAF];
	_ =	sdelay $0x3  }
0x33: {  	p0 =	seq.s32 s10, $0x1;
	s10 =	sld [smem:$0x3FB1];
	_ =	sdelay $0x3  }
0x34: {  	[smem:$0x3FB1] =	sst s10  }
0x35: {  	s10 =	sld [smem:$0x3FB0];
	_ =	sdelay $0x3  }
0x36: {  	p1 =	seq.s32 s10, $0x1;
	s10 =	sld [smem:$0x3FB1];
	_ =	sdelay $0x3  }
0x37: {  	[smem:$0x3FB1] =	sst s10  }
0x38: {  	s10 =	sld [smem:$0x3FB2]  }
0x39: {  	_ = 	snop;
	(pc) =	sbr.ind lr, $3  }
0x3a: {  	_ = 	snop  }
0x3b: {  	_ = 	snop  }
0x3c: {  	p2 =	seq.s32 s10, $0x1;
	s10 =	sld [smem:$0x3FB1]  }
0x3d: {  	_ =	shalt  }
0x3e: {  	_ =	shalt  }
0x3f: {  	_ =	shalt  }
0x40: {  	_ =	shalt  }
0x41: {  	_ =	shalt  }
0x42: {  	_ =	shalt  }
0x43: {  	_ =	shalt  }
0x44: {  	_ =	shalt  }
0x45: {  	_ =	shalt  }
0x46: {  	_ =	shalt  }
0x47: {  	_ =	shalt  }
0x48: {  	_ =	shalt  }
0x49: {  	_ =	shalt  }
0x4a: {  	_ =	shalt  }
0x4b: {  	_ =	shalt  }
0x4c: {  	_ =	shalt  }
0x4d: {  	_ =	shalt  }
0x4e: {  	_ =	shalt  }
0x4f: {  	_ =	shalt  }
0x50: {  	_ =	shalt  }
0x51: {  	_ =	shalt  }
0x52: {  	_ =	shalt  }
0x53: {  	_ =	shalt  }
0x54: {  	_ =	shalt  }
0x55: {  	_ =	shalt  }
0x56: {  	_ =	shalt  }
0x57: {  	_ =	shalt  }
0x58: {  	_ =	shalt  }
0x59: {  	_ =	shalt  }
0x5a: {  	_ =	shalt  }
0x5b: {  	_ =	shalt  }
0x5c: {  	_ =	shalt  }
0x5d: {  	_ =	shalt  }
0x5e: {  	_ =	shalt  }
0x5f: {  	_ =	shalt  }
0x60: {  	_ =	shalt  }
0x61: {  	_ =	shalt  }
0x62: {  	_ =	shalt  }
0x63: {  	_ =	shalt  }
0x64: {  	_ =	shalt  }
0x65: {  	_ =	shalt  }
0x66: {  	_ =	shalt  }
0x67: {  	_ =	shalt  }
0x68: {  	_ =	shalt  }
0x69: {  	_ =	shalt  }
0x6a: {  	_ =	shalt  }
0x6b: {  	_ =	shalt  }
0x6c: {  	_ =	shalt  }
0x6d: {  	_ =	shalt  }
0x6e: {  	_ =	shalt  }
0x6f: {  	_ =	shalt  }
0x70: {  	_ =	shalt  }
0x71: {  	_ =	shalt  }
0x72: {  	_ =	shalt  }
0x73: {  	_ =	shalt  }
0x74: {  	_ =	shalt  }
0x75: {  	_ =	shalt  }
0x76: {  	_ =	shalt  }
0x77: {  	_ =	shalt  }
0x78: {  	_ =	shalt  }
0x79: {  	_ =	shalt  }
0x7a: {  	_ =	shalt  }
0x7b: {  	_ =	shalt  }
0x7c: {  	_ =	shalt  }
0x7d: {  	_ =	shalt  }
0x7e: {  	_ =	shalt  }
0x7f: {  	_ =	shalt  }
0x80: {  	_ =	shalt  }
0x81: {  	_ =	shalt  }
0x82: {  	_ =	shalt  }
0x83: {  	_ =	shalt  }
0x84: {  	_ =	shalt  }
0x85: {  	_ =	shalt  }
0x86: {  	_ =	shalt  }
0x87: {  	_ =	shalt  }
.Lfunc_end0:
.L_simem_size_0:
called_computation.1_lowered:
.L_overlay_start_0:
0x88: {  	s2 =	sld [smem:$0x3FD9]  }
0x89: {  	s3 =	sld [smem:$0x3FFE];
	_ =	sdelay $0x1  }
0x8a: {  	s1 =	srdreg.scid  }
0x8b: {  	s0 =	sand.u32 $0x1, s1  }
0x8c: {  	s16 =	sshll.u32 s0, $0xA;
	s2 =	sadd.s32 s3, s2  }
0x8d: {  	s2 =	sadd.s32 s2, s16  }
0x8e: {  	[smem:$0x3FBD] =	sst s2  }
0x8f: {  	_ = 	snop  }
0x90: {  	(tm) =	ssettm $0x1  }
0x91: {  	s17 =	sld [smem:$0x3FFB];
	_ =	sdelay $0x3  }
0x92: {  	_ =	strace s17  }
0x93: {  	s2 =	sld [smem:$0x3FFC];
	_ =	sdelay $0x3  }
0x94: {  	_ =	strace s2  }
0x95: {  	s2 =	sld [smem:$0x3FFD];
	_ =	sdelay $0x3  }
0x96: {  	_ =	strace s2  }
0x97: {  	_ =	strace $0x8FFFFFFF  }
0x98: {  	s18 =	sld [smem:$0x3FDB];
	_ =	sdelay $0x1  }
0x99: {  	s19 =	simm.s32 $_scs_section_size  }
0x9a: {  	s4 =	simm.s32 $_size__tile_overlayer_lowered;
	s5 =	simm.s32 $_tile_overlayer_lowered  }
0x9b: {  	s22 =	simm.s32 $0x1BFF;
	s21 =	sshll.u32 s5, $0x1;
	s2 =	sadd.s32 s19, s18  }
0x9c: {  	s6 =	simm.s32 $0x0;
	s20 =	sshll.u32 s4, $0x1;
	s4 =	sadd.s32 s21, s2  }
0x9d: {  	[timem:s6], [sflag:s22] =	dma.local [hbm:s4], s20  }
0x9e: {  	_ =	swait.ge [sflag:s22], s20  }
0x9f: {  	s3 =	ssub.s32 $0x0, s20;
	[sflag:s22] =	ssyncset.done $0x0  }
0xa0: {  	[sflag:s22] =	ssyncadd.s32 s3;
	_ =	sdelay $0x1  }
0xa1: {  	s23 =	simm.s32 $0x1B8B  }
0xa2: {  	_ =	swait.ge [sflag:s23], $0x1  }
0xa3: {  	[sflag:s23] =	ssyncset.done $0x0  }
0xa4: {  	s25 =	simm.s32 $0x1B8E;
	s24 =	sld [smem:$0x3FFE];
	[sflag:s23] =	ssyncadd.s32 $0xFFFFFFFF  }
0xa5: {  	s26 =	simm.s32 $execute0_lowered;
	[smem:$0x3FD2] =	sst s25  }
0xa6: {  	s4 =	sshll.u32 s26, $0x1;
	_ =	strace $0x80000049;
	[dreg:$0x1] =	wrdreg $0xFFFFFFFF  }
0xa7: {  	s28 =	simm.s32 $_size_execute0_lowered;
	s2 =	sadd.s32 s2, s4;
	[dreg:$0x0] =	wrdreg $0x0  }
0xa8: {  	s4 =	sshll.u32 s28, $0x1;
	[dreg:$0x2] =	wrdreg s2  }
0xa9: {  	[dreg:$0x3] =	wrdreg s4  }
0xaa: {  	[dreg:$0x4] =	wrdreg $0xC0  }
0xab: {  	_ =	task [dreg:s6], $0x5FFFF  }
0xac: {  	[dreg:$0x1] =	wrdreg $0xFFFFFFFF  }
0xad: {  	[dreg:$0x0] =	wrdreg $0x60  }
0xae: {  	[dreg:$0x2] =	wrdreg s24  }
0xaf: {  	[dreg:$0x3] =	wrdreg $0xA8000  }
0xb0: {  	[dreg:$0x4] =	wrdreg $0x9  }
0xb1: {  	_ =	task.clear_ibuf [dreg:s6], $0x5FFFF;
	_ =	strace $0x90000049  }
0xb2: {  	s29 =	simm.s32 $0x9;
	_ =	strace $0x8000004B  }
0xb3: {  	_ =	swait.ge [sflag:s29], $0x1  }
0xb4: {  	[sflag:s29] =	ssyncadd.s32 $0xFFFFFFFF  }
0xb5: {  	_ =	strace $0x9000004B  }
0xb6: {  	_ =	sfence  }
0xb7: {  	s30 =	sld [smem:$0x0];
	_ =	sdelay $0x2  }
0xb8: {  	s31 =	sshll.u32 s1, $0xD;
	s1 =	sshrl.u32 s1, $0x2  }
0xb9: {  	s3 =	sand.u32 $0x4000, s31;
	s1 =	sadd.s32 s1, s30  }
0xba: {  	s0 =	sor.u32 s3, s0;
	s1 =	sshll.u32 s1, $0x11  }
0xbb: {  	s0 =	sor.u32 s1, s0  }
0xbc: {  	s0 =	sadd.s32 $0x8F2B, s0  }
0xbd: {  	[sflag:s0] =	ssyncadd.remote.s32 $0x1  }
0xbe: {  	_ =	sfence.sel $0xFFFF  }
0xbf: {  	[dreg:$0x0] =	wrdreg $0xFFFFFFFF;
	(pc) =	sbr.abs _section_cstart, $3  }
0xc0: {  	[dreg:$0x1] =	wrdreg $0xFFFFFFFF  }
0xc1: {  	_ =	task.clear_ibuf [dreg:s6], $0x2FFFF;
	_ =	strace $0x9FFFFFFF  }
0xc2: {  	(tm) =	ssettm $0x7FFFFFFF  }
0xc3: {  	_ =	shalt  }
tec
execute0_lowered:
.L_overlay_start_1:
0x0: {  	(tag) =	ssettag $0x1  }
0x1: {  	s6 =	rddreg [dreg:$0x0]  }
0x2: {  	s1 =	rddreg [dreg:$0x1];
	s2 =	srdreg.scid;
	s3 =	simm.s32 $0x0  }
0x3: {  	s0 =	stileid.u32;
	s18 =	simm.s32 $0x3;
	s19 =	simm.s32 $0x1400  }
0x4: {  	s20 =	simm.s32 $0x80;
	s21 =	simm.s32 $0x6800;
	s22 =	simm.s32 $0x1  }
0x5: {  	s23 =	simm.s32 $0x2;
	s24 =	simm.s32 $0x1380;
	s25 =	simm.s32 $0x2700  }
0x6: {  	s28 =	simm.s32 $0x0;
	s7 =	sand.u32 $0x1, s2;
	s5 =	smul.u32 $0x14000, s0  }
0x7: {  	[smem:$0x7FF] =	sst s3;
	s13 =	sadd.s32 $0x2E00, s6;
	s9 =	smul.u32 $0x50000, s0  }
0x8: {  	s14 =	sadd.s32 $0xCE00, s6;
	s4 =	smul.u32 $0x140000, s7;
	s26 =	sshll.u32 s7, $0x4  }
0x9: {  	_ =	strace $0x8000004A;
	s7 =	ssub.s32 $0x2, s7;
	s29 =	sor.u32 s0, s26  }
0xa: {  	s30 =	sshrl.u32 s9, $0x2;
	s31 =	sshrl.u32 s7, $0x1;
	s26 =	simm.s32 $0x2780  }
0xb: {  	s5 =	sadd.s32 s5, s4;
	s4 =	sadd.s32 $0x16E00, s6;
	s11 =	smul.u32 $0x2800, s29  }
0xc: {  	s16 =	ssub.s32 s7, s31;
	s8 =	sshrl.u32 s5, $0x3;
	s5 =	sadd.s32 $0x3EE00, s6  }
0xd: {  	s16 =	smax.u32 s16, $0x1;
	s15 =	sadd.s32 s8, s6;
	s6 =	sadd.s32 s30, s1  }
0xe: {  	s17 =	sshrl.u32 s11, $0x3;
	s7 =	sadd.s32 $0x4000, s6;
	s8 =	sadd.s32 $0x8000, s6  }
0xf: {  	s9 =	sadd.s32 $0xC000, s6;
	s10 =	sadd.s32 $0x10000, s6;
	s11 =	sadd.s32 s13, s17  }
0x10: {  	s12 =	sadd.s32 s14, s17;
	s17 =	sadd.s32 $0x280, s17;
	s15 =	sadd.s32 $0x3F600, s15  }
0x11: {  	s13 =	sadd.s32 s13, s17;
	s14 =	sadd.s32 s14, s17;
	s17 =	simm.s32 $0x2800  }
.LBB2_1:
0x12: {  	[tilespmem:s17], [sflag:$0x3] =	stream.linear.gather [hbm4b:s5+s3], $0x4000, $0x38;
	[tilespmem:$0x1E800] =	vst v63  }
0x13: {  	_ =	swait.ge [sflag:s18], $0x4000  }
0x14: {  	[sflag:s18] =	ssyncset.done $0x0  }
0x15: {  	[sflag:s18] =	ssyncadd.s32 $0xFFFFC000  }
0x16: {  	[spmem:s6] =	stream.linear.scatter [tilespmem:s17], [sflag:$0x3], $0x4000, $0x38;
	[tilespmem:$0x1E800] =	vst v63  }
0x17: {  	_ =	swait.ge [sflag:s18], $0x4000  }
0x18: {  	[sflag:s18] =	ssyncset.done $0x0  }
0x19: {  	[sflag:s18] =	ssyncadd.s32 $0xFFFFC000  }
0x1a: {  	[spmem:s7] =	stream.linear.scatter [tilespmem:s17], [sflag:$0x3], $0x4000, $0x38;
	[tilespmem:$0x1E800] =	vst v63  }
0x1b: {  	_ =	swait.ge [sflag:s18], $0x4000  }
0x1c: {  	[sflag:s18] =	ssyncset.done $0x0  }
0x1d: {  	[sflag:s18] =	ssyncadd.s32 $0xFFFFC000  }
0x1e: {  	[spmem:s8] =	stream.linear.scatter [tilespmem:s17], [sflag:$0x3], $0x4000, $0x38;
	[tilespmem:$0x1E800] =	vst v63  }
0x1f: {  	_ =	swait.ge [sflag:s18], $0x4000  }
0x20: {  	[sflag:s18] =	ssyncset.done $0x0  }
0x21: {  	[sflag:s18] =	ssyncadd.s32 $0xFFFFC000  }
0x22: {  	[spmem:s9] =	stream.linear.scatter [tilespmem:s17], [sflag:$0x3], $0x4000, $0x38;
	[tilespmem:$0x1E800] =	vst v63  }
0x23: {  	_ =	swait.ge [sflag:s18], $0x4000  }
0x24: {  	[sflag:s18] =	ssyncset.done $0x0  }
0x25: {  	[sflag:s18] =	ssyncadd.s32 $0xFFFFC000  }
0x26: {  	[spmem:s10] =	stream.linear.scatter [tilespmem:s17], [sflag:$0x3], $0x4000, $0x38;
	[tilespmem:$0x1E800] =	vst v63  }
0x27: {  	_ =	swait.ge [sflag:s18], $0x4000  }
0x28: {  	[sflag:s18] =	ssyncset.done $0x0  }
0x29: {  	[sflag:s18] =	ssyncadd.s32 $0xFFFFC000  }
0x2a: {  	[bflag:$0x0] =	sbarrier.arrive $0xFFFF  }
0x2b: {  	[tilespmem:s3], [sflag:$0x3] =	stream.linear.gather [hbm4b:s11+s3], $0x1400, $0x38;
	[tilespmem:$0x1E800] =	vst v63  }
0x2c: {  	_ =	swait.ge [sflag:s18], $0x1400  }
0x2d: {  	[sflag:s18] =	ssyncset.done $0x0  }
0x2e: {  	[sflag:s18] =	ssyncadd.s32 $0xFFFFEC00  }
0x2f: {  	[tilespmem:s19], [sflag:$0x3] =	stream.linear.gather [hbm4b:s12+s3], $0x1400, $0x38;
	[tilespmem:$0x1E800] =	vst v63  }
0x30: {  	_ =	swait.ge [sflag:s18], $0x1400  }
0x31: {  	[sflag:s18] =	ssyncset.done $0x0  }
0x32: {  	[sflag:s18] =	ssyncadd.s32 $0xFFFFEC00  }
0x33: {  	[tilespmem:s17], [sflag:$0x1] =	stream.indirect.gather [hbm4b:s4+s20], $0x80, s3, s20, $0xb8;
	[tilespmem:$0x1E800] =	vst v63  }
0x34: {  	s29 =	simm.s32 $0x80  }
0x35: {  	[tilespmem:s21], [sflag:$0x2] =	stream.indirect.gather [hbm4b:s4+s20], $0x80, s29, s20, $0xb8;
	[tilespmem:$0x1E800] =	vst v63  }
0x36: {  	_ =	swait.ge [sflag:s22], $0x4000  }
0x37: {  	[sflag:s22] =	ssyncset.done $0x0  }
0x38: {  	s29 =	simm.s32 $0x1400;
	[sflag:s22] =	ssyncadd.s32 $0xFFFFC000  }
0x39: {  	[spmem:s1] =	stream.indirect.scatter.add.f32 [tilespmem:s17], [sflag:$0x3], $0x80, s29, s20, $0xb8;
	[tilespmem:$0x1E800] =	vst v63  }
0x3a: {  	_ =	swait.ge [sflag:s18], $0x4000  }
0x3b: {  	[sflag:s18] =	ssyncset.done $0x0  }
0x3c: {  	s29 =	simm.s32 $0x100;
	[sflag:s18] =	ssyncadd.s32 $0xFFFFC000  }
0x3d: {  	[tilespmem:s17], [sflag:$0x1] =	stream.indirect.gather [hbm4b:s4+s20], $0x80, s29, s20, $0xb8;
	[tilespmem:$0x1E800] =	vst v63  }
0x3e: {  	_ =	swait.ge [sflag:s23], $0x4000  }
0x3f: {  	[sflag:s23] =	ssyncset.done $0x0  }
0x40: {  	s29 =	simm.s32 $0x1480;
	[sflag:s23] =	ssyncadd.s32 $0xFFFFC000  }
0x41: {  	[spmem:s1] =	stream.indirect.scatter.add.f32 [tilespmem:s21], [sflag:$0x3], $0x80, s29, s20, $0xb8;
	[tilespmem:$0x1E800] =	vst v63  }
0x42: {  	_ =	swait.ge [sflag:s18], $0x4000  }
0x43: {  	s30 =	simm.s32 $0x800;
	s29 =	simm.s32 $0x100;
	[sflag:s18] =	ssyncset.done $0x0  }
.LBB2_2:
0x44: {  	s31 =	sadd.s32 $0x80, s29  }
0x45: {  	[sflag:s18] =	ssyncadd.s32 $0xFFFFC000;
	s0 =	smov.u32 s30;
	s2 =	sadd.s32 $0x400, s30  }
0x46: {  	[tilespmem:s21], [sflag:$0x2] =	stream.indirect.gather [hbm4b:s4+s20], $0x80, s31, s20, $0xb8;
	[tilespmem:$0x1E800] =	vst v63  }
0x47: {  	p0 =	sne.s32 s30, $0x4800;
	_ =	swait.ge [sflag:s22], $0x4000  }
0x48: {  	[sflag:s22] =	ssyncset.done $0x0  }
0x49: {  	s30 =	sadd.s32 $0x1400, s29;
	[sflag:s22] =	ssyncadd.s32 $0xFFFFC000  }
0x4a: {  	[spmem:s1] =	stream.indirect.scatter.add.f32 [tilespmem:s17], [sflag:$0x3], $0x80, s30, s20, $0xb8;
	[tilespmem:$0x1E800] =	vst v63  }
0x4b: {  	_ =	swait.ge [sflag:s18], $0x4000  }
0x4c: {  	[sflag:s18] =	ssyncset.done $0x0  }
0x4d: {  	s30 =	sadd.s32 $0x100, s29;
	[sflag:s18] =	ssyncadd.s32 $0xFFFFC000  }
0x4e: {  	[tilespmem:s17], [sflag:$0x1] =	stream.indirect.gather [hbm4b:s4+s20], $0x80, s30, s20, $0xb8;
	[tilespmem:$0x1E800] =	vst v63  }
0x4f: {  	_ =	swait.ge [sflag:s23], $0x4000  }
.Ltmp0:
0x50: {  	[sflag:s23] =	ssyncset.done $0x0;
	(pc) =	sbr.rel @p0 .LBB2_2-.Ltmp0, $4  }
0x51: {  	s29 =	sadd.s32 $0x1480, s29;
	[sflag:s23] =	ssyncadd.s32 $0xFFFFC000  }
0x52: {  	[spmem:s1] =	stream.indirect.scatter.add.f32 [tilespmem:s21], [sflag:$0x3], $0x80, s29, s20, $0xb8;
	[tilespmem:$0x1E800] =	vst v63  }
0x53: {  	_ =	swait.ge [sflag:s18], $0x4000  }
0x54: {  	s30 =	smov.u32 s2;
	s29 =	sshra.s32 s0, $0x2;
	[sflag:s18] =	ssyncset.done $0x0  }
0x55: {  	s0 =	sadd.s32 $0x80, s29;
	[sflag:s18] =	ssyncadd.s32 $0xFFFFC000  }
0x56: {  	[tilespmem:s21], [sflag:$0x2] =	stream.indirect.gather [hbm4b:s4+s20], $0x80, s0, s20, $0xb8;
	[tilespmem:$0x1E800] =	vst v63  }
0x57: {  	_ =	swait.ge [sflag:s22], $0x4000  }
0x58: {  	[sflag:s22] =	ssyncset.done $0x0  }
0x59: {  	s2 =	sadd.s32 $0x1400, s29;
	[sflag:s22] =	ssyncadd.s32 $0xFFFFC000  }
0x5a: {  	[spmem:s1] =	stream.indirect.scatter.add.f32 [tilespmem:s17], [sflag:$0x3], $0x80, s2, s20, $0xb8;
	[tilespmem:$0x1E800] =	vst v63  }
0x5b: {  	_ =	swait.ge [sflag:s18], $0x4000  }
0x5c: {  	[sflag:s18] =	ssyncset.done $0x0  }
0x5d: {  	s31 =	sadd.s32 $0x100, s29;
	[sflag:s18] =	ssyncadd.s32 $0xFFFFC000  }
0x5e: {  	[tilespmem:s17], [sflag:$0x1] =	stream.indirect.gather [hbm4b:s4+s20], $0x80, s31, s20, $0xb8;
	[tilespmem:$0x1E800] =	vst v63  }
0x5f: {  	_ =	swait.ge [sflag:s23], $0x4000  }
0x60: {  	[sflag:s23] =	ssyncset.done $0x0  }
0x61: {  	s2 =	sadd.s32 $0x1480, s29;
	[sflag:s23] =	ssyncadd.s32 $0xFFFFC000  }
0x62: {  	[spmem:s1] =	stream.indirect.scatter.add.f32 [tilespmem:s21], [sflag:$0x3], $0x80, s2, s20, $0xb8;
	[tilespmem:$0x1E800] =	vst v63  }
0x63: {  	_ =	swait.ge [sflag:s18], $0x4000  }
0x64: {  	[sflag:s18] =	ssyncset.done $0x0  }
0x65: {  	[sflag:s18] =	ssyncadd.s32 $0xFFFFC000  }
0x66: {  	[tilespmem:s21], [sflag:$0x2] =	stream.indirect.gather [hbm4b:s4+s20], $0x80, s24, s20, $0xb8;
	[tilespmem:$0x1E800] =	vst v63  }
0x67: {  	_ =	swait.ge [sflag:s22], $0x4000  }
0x68: {  	[sflag:s22] =	ssyncset.done $0x0  }
0x69: {  	[sflag:s22] =	ssyncadd.s32 $0xFFFFC000  }
0x6a: {  	[spmem:s1] =	stream.indirect.scatter.add.f32 [tilespmem:s17], [sflag:$0x3], $0x80, s25, s20, $0xb8;
	[tilespmem:$0x1E800] =	vst v63  }
0x6b: {  	_ =	swait.ge [sflag:s18], $0x4000  }
0x6c: {  	[sflag:s18] =	ssyncset.done $0x0  }
0x6d: {  	[sflag:s18] =	ssyncadd.s32 $0xFFFFC000  }
0x6e: {  	_ =	swait.ge [sflag:s23], $0x4000  }
0x6f: {  	[sflag:s23] =	ssyncset.done $0x0  }
0x70: {  	[sflag:s23] =	ssyncadd.s32 $0xFFFFC000  }
0x71: {  	[spmem:s1] =	stream.indirect.scatter.add.f32 [tilespmem:s21], [sflag:$0x3], $0x80, s26, s20, $0xb8;
	[tilespmem:$0x1E800] =	vst v63  }
0x72: {  	_ =	swait.ge [sflag:s18], $0x4000  }
0x73: {  	[sflag:s18] =	ssyncset.done $0x0  }
0x74: {  	s31 =	simm.s32 $0x0;
	[sflag:s18] =	ssyncadd.s32 $0xFFFFC000  }
0x75: {  	[tilespmem:s31], [sflag:$0x3] =	stream.linear.gather [hbm4b:s13+s31], $0x1400, $0x38;
	[tilespmem:$0x1E800] =	vst v63  }
0x76: {  	_ =	swait.ge [sflag:s18], $0x1400  }
0x77: {  	[sflag:s18] =	ssyncset.done $0x0  }
0x78: {  	[sflag:s18] =	ssyncadd.s32 $0xFFFFEC00  }
0x79: {  	[tilespmem:s19], [sflag:$0x3] =	stream.linear.gather [hbm4b:s14+s31], $0x1400, $0x38;
	[tilespmem:$0x1E800] =	vst v63  }
0x7a: {  	_ =	swait.ge [sflag:s18], $0x1400  }
0x7b: {  	[sflag:s18] =	ssyncset.done $0x0  }
0x7c: {  	[sflag:s18] =	ssyncadd.s32 $0xFFFFEC00  }
0x7d: {  	[tilespmem:s17], [sflag:$0x1] =	stream.indirect.gather [hbm4b:s4+s20], $0x80, s31, s20, $0xb8;
	[tilespmem:$0x1E800] =	vst v63  }
0x7e: {  	s2 =	simm.s32 $0x80  }
0x7f: {  	[tilespmem:s21], [sflag:$0x2] =	stream.indirect.gather [hbm4b:s4+s20], $0x80, s2, s20, $0xb8;
	[tilespmem:$0x1E800] =	vst v63  }
0x80: {  	_ =	swait.ge [sflag:s22], $0x4000  }
0x81: {  	[sflag:s22] =	ssyncset.done $0x0  }
0x82: {  	s31 =	simm.s32 $0x1400;
	[sflag:s22] =	ssyncadd.s32 $0xFFFFC000  }
0x83: {  	[spmem:s1] =	stream.indirect.scatter.add.f32 [tilespmem:s17], [sflag:$0x3], $0x80, s31, s20, $0xb8;
	[tilespmem:$0x1E800] =	vst v63  }
0x84: {  	_ =	swait.ge [sflag:s18], $0x4000  }
0x85: {  	[sflag:s18] =	ssyncset.done $0x0  }
0x86: {  	s2 =	simm.s32 $0x100;
	[sflag:s18] =	ssyncadd.s32 $0xFFFFC000  }
0x87: {  	[tilespmem:s17], [sflag:$0x1] =	stream.indirect.gather [hbm4b:s4+s20], $0x80, s2, s20, $0xb8;
	[tilespmem:$0x1E800] =	vst v63  }
0x88: {  	_ =	swait.ge [sflag:s23], $0x4000  }
0x89: {  	[sflag:s23] =	ssyncset.done $0x0  }
0x8a: {  	s31 =	simm.s32 $0x1480;
	[sflag:s23] =	ssyncadd.s32 $0xFFFFC000  }
0x8b: {  	[spmem:s1] =	stream.indirect.scatter.add.f32 [tilespmem:s21], [sflag:$0x3], $0x80, s31, s20, $0xb8;
	[tilespmem:$0x1E800] =	vst v63  }
0x8c: {  	_ =	swait.ge [sflag:s18], $0x4000  }
0x8d: {  	s30 =	simm.s32 $0x800;
	s29 =	simm.s32 $0x100;
	[sflag:s18] =	ssyncset.done $0x0  }
.LBB2_4:
0x8e: {  	s0 =	sadd.s32 $0x80, s29  }
0x8f: {  	[sflag:s18] =	ssyncadd.s32 $0xFFFFC000;
	s2 =	smov.u32 s30;
	s31 =	sadd.s32 $0x400, s30  }
0x90: {  	[tilespmem:s21], [sflag:$0x2] =	stream.indirect.gather [hbm4b:s4+s20], $0x80, s0, s20, $0xb8;
	[tilespmem:$0x1E800] =	vst v63  }
0x91: {  	p0 =	sne.s32 s30, $0x4800;
	_ =	swait.ge [sflag:s22], $0x4000  }
0x92: {  	[sflag:s22] =	ssyncset.done $0x0  }
0x93: {  	s0 =	sadd.s32 $0x1400, s29;
	[sflag:s22] =	ssyncadd.s32 $0xFFFFC000  }
0x94: {  	[spmem:s1] =	stream.indirect.scatter.add.f32 [tilespmem:s17], [sflag:$0x3], $0x80, s0, s20, $0xb8;
	[tilespmem:$0x1E800] =	vst v63  }
0x95: {  	_ =	swait.ge [sflag:s18], $0x4000  }
0x96: {  	[sflag:s18] =	ssyncset.done $0x0  }
0x97: {  	s0 =	sadd.s32 $0x100, s29;
	[sflag:s18] =	ssyncadd.s32 $0xFFFFC000  }
0x98: {  	[tilespmem:s17], [sflag:$0x1] =	stream.indirect.gather [hbm4b:s4+s20], $0x80, s0, s20, $0xb8;
	[tilespmem:$0x1E800] =	vst v63  }
0x99: {  	_ =	swait.ge [sflag:s23], $0x4000  }
.Ltmp1:
0x9a: {  	[sflag:s23] =	ssyncset.done $0x0;
	(pc) =	sbr.rel @p0 .LBB2_4-.Ltmp1, $4  }
0x9b: {  	s0 =	sadd.s32 $0x1480, s29;
	[sflag:s23] =	ssyncadd.s32 $0xFFFFC000  }
0x9c: {  	[spmem:s1] =	stream.indirect.scatter.add.f32 [tilespmem:s21], [sflag:$0x3], $0x80, s0, s20, $0xb8;
	[tilespmem:$0x1E800] =	vst v63  }
0x9d: {  	_ =	swait.ge [sflag:s18], $0x4000  }
0x9e: {  	s30 =	smov.u32 s31;
	s29 =	sshra.s32 s2, $0x2;
	[sflag:s18] =	ssyncset.done $0x0  }
0x9f: {  	s0 =	sadd.s32 $0x80, s29;
	[sflag:s18] =	ssyncadd.s32 $0xFFFFC000  }
0xa0: {  	[tilespmem:s21], [sflag:$0x2] =	stream.indirect.gather [hbm4b:s4+s20], $0x80, s0, s20, $0xb8;
	[tilespmem:$0x1E800] =	vst v63  }
0xa1: {  	_ =	swait.ge [sflag:s22], $0x4000  }
0xa2: {  	[sflag:s22] =	ssyncset.done $0x0  }
0xa3: {  	s31 =	sadd.s32 $0x1400, s29;
	[sflag:s22] =	ssyncadd.s32 $0xFFFFC000  }
0xa4: {  	[spmem:s1] =	stream.indirect.scatter.add.f32 [tilespmem:s17], [sflag:$0x3], $0x80, s31, s20, $0xb8;
	[tilespmem:$0x1E800] =	vst v63  }
0xa5: {  	_ =	swait.ge [sflag:s18], $0x4000  }
0xa6: {  	[sflag:s18] =	ssyncset.done $0x0  }
0xa7: {  	s2 =	sadd.s32 $0x100, s29;
	[sflag:s18] =	ssyncadd.s32 $0xFFFFC000  }
0xa8: {  	[tilespmem:s17], [sflag:$0x1] =	stream.indirect.gather [hbm4b:s4+s20], $0x80, s2, s20, $0xb8;
	[tilespmem:$0x1E800] =	vst v63  }
0xa9: {  	_ =	swait.ge [sflag:s23], $0x4000  }
0xaa: {  	[sflag:s23] =	ssyncset.done $0x0  }
0xab: {  	s30 =	sadd.s32 $0x1480, s29;
	[sflag:s23] =	ssyncadd.s32 $0xFFFFC000  }
0xac: {  	[spmem:s1] =	stream.indirect.scatter.add.f32 [tilespmem:s21], [sflag:$0x3], $0x80, s30, s20, $0xb8;
	[tilespmem:$0x1E800] =	vst v63  }
0xad: {  	_ =	swait.ge [sflag:s18], $0x4000  }
0xae: {  	[sflag:s18] =	ssyncset.done $0x0  }
0xaf: {  	[sflag:s18] =	ssyncadd.s32 $0xFFFFC000  }
0xb0: {  	[tilespmem:s21], [sflag:$0x2] =	stream.indirect.gather [hbm4b:s4+s20], $0x80, s24, s20, $0xb8;
	[tilespmem:$0x1E800] =	vst v63  }
0xb1: {  	_ =	swait.ge [sflag:s22], $0x4000  }
0xb2: {  	[sflag:s22] =	ssyncset.done $0x0  }
0xb3: {  	[sflag:s22] =	ssyncadd.s32 $0xFFFFC000  }
0xb4: {  	[spmem:s1] =	stream.indirect.scatter.add.f32 [tilespmem:s17], [sflag:$0x3], $0x80, s25, s20, $0xb8;
	[tilespmem:$0x1E800] =	vst v63  }
0xb5: {  	_ =	swait.ge [sflag:s18], $0x4000  }
0xb6: {  	[sflag:s18] =	ssyncset.done $0x0  }
0xb7: {  	[sflag:s18] =	ssyncadd.s32 $0xFFFFC000  }
0xb8: {  	_ =	swait.ge [sflag:s23], $0x4000  }
0xb9: {  	[sflag:s23] =	ssyncset.done $0x0  }
0xba: {  	[sflag:s23] =	ssyncadd.s32 $0xFFFFC000  }
0xbb: {  	[spmem:s1] =	stream.indirect.scatter.add.f32 [tilespmem:s21], [sflag:$0x3], $0x80, s26, s20, $0xb8;
	[tilespmem:$0x1E800] =	vst v63  }
0xbc: {  	s31 =	stileid.u32;
	_ =	swait.ge [sflag:s18], $0x4000  }
0xbd: {  	s28 =	sadd.s32 $0x1, s28;
	s0 =	sshll.u32 s31, $0x6;
	[sflag:s18] =	ssyncset.done $0x0  }
0xbe: {  	p0 =	sne.s32 s28, s16;
	s0 =	sor.u32 $0x1C03, s0;
	[sflag:s18] =	ssyncadd.s32 $0xFFFFC000  }
.Ltmp2:
0xbf: {  	s2 =	sshrl.u32 s6, $0x3;
	[bflag:$0x0] =	sbarrier.arrive $0xFFFF;
	(pc) =	sbr.rel @p0 .LBB2_1-.Ltmp2, $4  }
0xc0: {  	[hbm:s15], [sflag:s0] =	dma.local [spmem:s2], $0x2800  }
0xc1: {  	_ =	swait.ge [sflag:s18], $0x2800  }
0xc2: {  	[sflag:s18] =	ssyncset.done $0x0  }
0xc3: {  	[sflag:s18] =	ssyncadd.s32 $0xFFFFD800  }
0xc4: {  	_ =	sfence.sel $0x180000  }
0xc5: {  	[bflag:$0x0] =	sbarrier.arrive $0xFFFF  }
0xc6: {  	_ =	strace $0x9000004A  }
0xc7: {  	s0 =	stileid.u32;
	[bflag:$0x2] =	sbarrier.arrive $0xFFFF  }
0xc8: {  	p0 =	sne.s32 s0, $0x0;
	s0 =	rddreg [dreg:$0x2]  }
0xc9: {  	s0 =	sadd.s32 @!p0 $0x100000, s0  }
0xca: {  	[sflag:s0] =	ssyncadd.tile.s32 @!p0 $0x1;
	_ =	shalt  }
.Lfunc_end2:
_tile_overlayer_lowered:
.L_overlay_start_2:
0xcb: {  	(tag) =	ssettag $0x2  }
0xcc: {  	s0 =	rddreg [dreg:$0x0];
	s2 =	stileid.u32  }
0xcd: {  	s1 =	rddreg [dreg:$0x1];
	p0 =	sne.s32 s2, $0x0  }
0xce: {  	s3 =	rddreg [dreg:$0x2];
	[bflag:$0x3] =	sbarrier.arrive $0xFFFF;
	s2 =	simm.s32 @!p0 $0x1C03  }
0xcf: {  	[timem:s3], [sflag:s2] =	dma.local @!p0 [hbm:s0], s1  }
0xd0: {  	s0 =	simm.s32 @!p0 $0x3  }
0xd1: {  	_ =	swait.ge @!p0 [sflag:s0], s1  }
0xd2: {  	s1 =	ssub.s32 @!p0 $0x0, s1;
	[sflag:s0] =	ssyncset.done @!p0 $0x0  }
0xd3: {  	[sflag:s0] =	ssyncadd.s32 @!p0 s1  }
0xd4: {  	[bflag:$0x3] =	sbarrier.arrive $0xFFFF  }
0xd5: {  	_ =	shalt  }

// kernel: kernel.14.cloned.1.call-start
scs
__scs_entry_jumppad:
0x0: {  	(pc) =	sbr.rel $0x88, $3  }
0x1: {  	(tag) =	ssettag $0x0;
	lr =	simm.s32 $0x1  }
0x2: {  	[smem:$0x3F96] =	sst lr;
	_ =	strace $0xD0000000  }
0x3: {  	_ = 	snop  }
0x4: {  	_ = 	snop  }
0x5: {  	_ = 	snop  }
0x6: {  	_ = 	snop  }
0x7: {  	_ = 	snop  }
__scs_overlays_trampoline_lowered:
0x8: {  	[smem:$0x3FA5] =	sst s0  }
0x9: {  	[smem:$0x3FA6] =	sst s1  }
0xa: {  	[smem:$0x3FA7] =	sst s2  }
0xb: {  	[smem:$0x3FA8] =	sst s3  }
0xc: {  	[smem:$0x3FA9] =	sst s4  }
0xd: {  	[smem:$0x3FAA] =	sst s5  }
0xe: {  	[smem:$0x3FAB] =	sst s6  }
0xf: {  	[smem:$0x3FAC] =	sst s7  }
0x10: {  	[smem:$0x3FAD] =	sst s8  }
0x11: {  	[smem:$0x3FAE] =	sst s9;
	s0 =	simm.s32 @!p0 $0x0  }
0x12: {  	s1 =	sld [smem:$0x3F94];
	s0 =	simm.s32 @p0 $0x1  }
0x13: {  	[smem:$0x3FAF] =	sst s0;
	s0 =	simm.s32 @!p1 $0x0  }
0x14: {  	s2 =	sld [smem:$0x3F93];
	s0 =	simm.s32 @p1 $0x1  }
0x15: {  	[smem:$0x3FB0] =	sst s0;
	s0 =	simm.s32 @!p2 $0x0  }
0x16: {  	s3 =	sld [smem:$0x3FDB];
	s0 =	simm.s32 @p2 $0x1  }
0x17: {  	s4 =	simm.s32 $0x1BF5;
	[smem:$0x3FB2] =	sst s0  }
0x18: {  	s0 =	sld [smem:$0x3F95];
	_ =	swait.ge [sflag:s4], $0x0  }
0x19: {  	s7 =	sld [smem:$0x3F96]  }
0x1a: {  	s8 =	sadd.s32 $0xFFFFE003, lr  }
0x1b: {  	s9 =	sadd.s32 $0xFFFFFEF7, lr;
	s5 =	simm.s32 $0xFFFFFFFF;
	p2 =	slt.u32 s8, $0xFFFFF086  }
0x1c: {  	p1 =	slt.u32 s9, $0xF7A;
	s5 =	simm.s32 @!p2 $0x0  }
0x1d: {  	s5 =	simm.s32 @p1 $0x1;
	p0 =	seq.s32 s7, s2  }
0x1e: {  	s7 =	smul.u32 @!p0 $0xF7A, s2;
	p2 =	seq.s32 @!p0 s5, $0x0  }
0x1f: {  	s9 =	smul.u32 $0xF7A, s1;
	s8 =	simm.s32 @!p0 $0x1BF5;
	p2 =	por !p2, p0  }
0x20: {  	[sflag:s8] =	ssyncset.s32 @!p0 $0xFFFFF086;
	s6 =	sadd.s32 @!p0 s3, s7;
	s7 =	simm.s32 @!p0 $0x108  }
0x21: {  	s3 =	sadd.s32 s3, s9;
	s6 =	sadd.s32 @!p0 $0x88, s6;
	s7 =	simm.s32 @p2 $0x1082  }
0x22: {  	[simem:s7], [sflag:s8] =	dma.local @!p0 [hbm:s6], $0xF7A  }
0x23: {  	s9 =	sor.u32 $0xD0000000, s2;
	s6 =	simm.s32 $0x108;
	_ =	swait.ge @!p0 [sflag:s8], $0x0  }
0x24: {  	s3 =	sadd.s32 $0x88, s3;
	s6 =	simm.s32 @!p1 $0x1082;
	[sflag:s4] =	ssyncset.s32 $0xFFFFF086  }
0x25: {  	[simem:s6], [sflag:s4] =	dma.local [hbm:s3], $0xF7A  }
0x26: {  	[smem:$0x3F96] =	sst s1;
	(tag) =	ssettag s2;
	_ =	strace s9  }
0x27: {  	s1 =	sld [smem:$0x3FA6]  }
0x28: {  	s2 =	sld [smem:$0x3FA7]  }
0x29: {  	s4 =	sld [smem:$0x3FA9]  }
0x2a: {  	p0 =	seq.s32 s5, $0x0;
	s5 =	sld [smem:$0x3FAA]  }
0x2b: {  	s6 =	sld [smem:$0x3FAB]  }
0x2c: {  	s7 =	sld [smem:$0x3FAC]  }
0x2d: {  	s3 =	simm.s32 $0x108;
	s8 =	sld [smem:$0x3FAD]  }
0x2e: {  	s3 =	simm.s32 @!p0 $0x1082;
	s9 =	sld [smem:$0x3FAE]  }
0x2f: {  	lr =	sadd.s32 s0, s3;
	s0 =	sld [smem:$0x3FA5]  }
0x30: {  	s3 =	sld [smem:$0x3FA8]  }
0x31: {  	[smem:$0x3FB1] =	sst s10  }
0x32: {  	s10 =	sld [smem:$0x3FAF];
	_ =	sdelay $0x3  }
0x33: {  	p0 =	seq.s32 s10, $0x1;
	s10 =	sld [smem:$0x3FB1];
	_ =	sdelay $0x3  }
0x34: {  	[smem:$0x3FB1] =	sst s10  }
0x35: {  	s10 =	sld [smem:$0x3FB0];
	_ =	sdelay $0x3  }
0x36: {  	p1 =	seq.s32 s10, $0x1;
	s10 =	sld [smem:$0x3FB1];
	_ =	sdelay $0x3  }
0x37: {  	[smem:$0x3FB1] =	sst s10  }
0x38: {  	s10 =	sld [smem:$0x3FB2]  }
0x39: {  	_ = 	snop;
	(pc) =	sbr.ind lr, $3  }
0x3a: {  	_ = 	snop  }
0x3b: {  	_ = 	snop  }
0x3c: {  	p2 =	seq.s32 s10, $0x1;
	s10 =	sld [smem:$0x3FB1]  }
0x3d: {  	_ =	shalt  }
0x3e: {  	_ =	shalt  }
0x3f: {  	_ =	shalt  }
0x40: {  	_ =	shalt  }
0x41: {  	_ =	shalt  }
0x42: {  	_ =	shalt  }
0x43: {  	_ =	shalt  }
0x44: {  	_ =	shalt  }
0x45: {  	_ =	shalt  }
0x46: {  	_ =	shalt  }
0x47: {  	_ =	shalt  }
0x48: {  	_ =	shalt  }
0x49: {  	_ =	shalt  }
0x4a: {  	_ =	shalt  }
0x4b: {  	_ =	shalt  }
0x4c: {  	_ =	shalt  }
0x4d: {  	_ =	shalt  }
0x4e: {  	_ =	shalt  }
0x4f: {  	_ =	shalt  }
0x50: {  	_ =	shalt  }
0x51: {  	_ =	shalt  }
0x52: {  	_ =	shalt  }
0x53: {  	_ =	shalt  }
0x54: {  	_ =	shalt  }
0x55: {  	_ =	shalt  }
0x56: {  	_ =	shalt  }
0x57: {  	_ =	shalt  }
0x58: {  	_ =	shalt  }
0x59: {  	_ =	shalt  }
0x5a: {  	_ =	shalt  }
0x5b: {  	_ =	shalt  }
0x5c: {  	_ =	shalt  }
0x5d: {  	_ =	shalt  }
0x5e: {  	_ =	shalt  }
0x5f: {  	_ =	shalt  }
0x60: {  	_ =	shalt  }
0x61: {  	_ =	shalt  }
0x62: {  	_ =	shalt  }
0x63: {  	_ =	shalt  }
0x64: {  	_ =	shalt  }
0x65: {  	_ =	shalt  }
0x66: {  	_ =	shalt  }
0x67: {  	_ =	shalt  }
0x68: {  	_ =	shalt  }
0x69: {  	_ =	shalt  }
0x6a: {  	_ =	shalt  }
0x6b: {  	_ =	shalt  }
0x6c: {  	_ =	shalt  }
0x6d: {  	_ =	shalt  }
0x6e: {  	_ =	shalt  }
0x6f: {  	_ =	shalt  }
0x70: {  	_ =	shalt  }
0x71: {  	_ =	shalt  }
0x72: {  	_ =	shalt  }
0x73: {  	_ =	shalt  }
0x74: {  	_ =	shalt  }
0x75: {  	_ =	shalt  }
0x76: {  	_ =	shalt  }
0x77: {  	_ =	shalt  }
0x78: {  	_ =	shalt  }
0x79: {  	_ =	shalt  }
0x7a: {  	_ =	shalt  }
0x7b: {  	_ =	shalt  }
0x7c: {  	_ =	shalt  }
0x7d: {  	_ =	shalt  }
0x7e: {  	_ =	shalt  }
0x7f: {  	_ =	shalt  }
0x80: {  	_ =	shalt  }
0x81: {  	_ =	shalt  }
0x82: {  	_ =	shalt  }
0x83: {  	_ =	shalt  }
0x84: {  	_ =	shalt  }
0x85: {  	_ =	shalt  }
0x86: {  	_ =	shalt  }
0x87: {  	_ =	shalt  }
.Lfunc_end0:
.L_simem_size_0:
called_computation.2_lowered:
.L_overlay_start_0:
0x88: {  	s2 =	sld [smem:$0x3FD9]  }
0x89: {  	s3 =	sld [smem:$0x3FFE];
	_ =	sdelay $0x1  }
0x8a: {  	s1 =	srdreg.scid  }
0x8b: {  	s0 =	sand.u32 $0x1, s1  }
0x8c: {  	s16 =	sshll.u32 s0, $0xA;
	s2 =	sadd.s32 s3, s2  }
0x8d: {  	s2 =	sadd.s32 s2, s16  }
0x8e: {  	[smem:$0x3FBD] =	sst s2  }
0x8f: {  	_ = 	snop  }
0x90: {  	(tm) =	ssettm $0x1  }
0x91: {  	s17 =	sld [smem:$0x3FFB];
	_ =	sdelay $0x3  }
0x92: {  	_ =	strace s17  }
0x93: {  	s2 =	sld [smem:$0x3FFC];
	_ =	sdelay $0x3  }
0x94: {  	_ =	strace s2  }
0x95: {  	s2 =	sld [smem:$0x3FFD];
	_ =	sdelay $0x3  }
0x96: {  	_ =	strace s2  }
0x97: {  	_ =	strace $0x8FFFFFFF  }
0x98: {  	s18 =	sld [smem:$0x3FDB];
	_ =	sdelay $0x1  }
0x99: {  	s19 =	simm.s32 $_scs_section_size  }
0x9a: {  	s4 =	simm.s32 $_size__tile_overlayer_lowered;
	s5 =	simm.s32 $_tile_overlayer_lowered  }
0x9b: {  	s22 =	simm.s32 $0x1BFF;
	s21 =	sshll.u32 s5, $0x1;
	s2 =	sadd.s32 s19, s18  }
0x9c: {  	s6 =	simm.s32 $0x0;
	s20 =	sshll.u32 s4, $0x1;
	s4 =	sadd.s32 s21, s2  }
0x9d: {  	[timem:s6], [sflag:s22] =	dma.local [hbm:s4], s20  }
0x9e: {  	_ =	swait.ge [sflag:s22], s20  }
0x9f: {  	s3 =	ssub.s32 $0x0, s20;
	[sflag:s22] =	ssyncset.done $0x0  }
0xa0: {  	[sflag:s22] =	ssyncadd.s32 s3;
	_ =	sdelay $0x1  }
0xa1: {  	s23 =	simm.s32 $0x1B8B  }
0xa2: {  	_ =	swait.ge [sflag:s23], $0x1  }
0xa3: {  	[sflag:s23] =	ssyncset.done $0x0  }
0xa4: {  	s25 =	simm.s32 $0x1B8E;
	s24 =	sld [smem:$0x3FFE];
	[sflag:s23] =	ssyncadd.s32 $0xFFFFFFFF  }
0xa5: {  	s26 =	simm.s32 $execute0_lowered;
	[smem:$0x3FD2] =	sst s25  }
0xa6: {  	s4 =	sshll.u32 s26, $0x1;
	_ =	strace $0x8000004C;
	[dreg:$0x1] =	wrdreg $0xFFFFFFFF  }
0xa7: {  	s28 =	simm.s32 $_size_execute0_lowered;
	s2 =	sadd.s32 s2, s4;
	[dreg:$0x0] =	wrdreg $0x0  }
0xa8: {  	s4 =	sshll.u32 s28, $0x1;
	[dreg:$0x2] =	wrdreg s2  }
0xa9: {  	[dreg:$0x3] =	wrdreg s4  }
0xaa: {  	[dreg:$0x4] =	wrdreg $0xC0  }
0xab: {  	_ =	task [dreg:s6], $0x5FFFF  }
0xac: {  	[dreg:$0x1] =	wrdreg $0xFFFFFFFF  }
0xad: {  	[dreg:$0x0] =	wrdreg $0x60  }
0xae: {  	[dreg:$0x2] =	wrdreg s24  }
0xaf: {  	[dreg:$0x3] =	wrdreg $0xA8000  }
0xb0: {  	[dreg:$0x4] =	wrdreg $0x9  }
0xb1: {  	_ =	task.clear_ibuf [dreg:s6], $0x5FFFF;
	_ =	strace $0x9000004C  }
0xb2: {  	s29 =	simm.s32 $0x9;
	_ =	strace $0x8000004E  }
0xb3: {  	_ =	swait.ge [sflag:s29], $0x1  }
0xb4: {  	[sflag:s29] =	ssyncadd.s32 $0xFFFFFFFF  }
0xb5: {  	_ =	strace $0x9000004E  }
0xb6: {  	_ =	sfence  }
0xb7: {  	s30 =	sld [smem:$0x0];
	_ =	sdelay $0x2  }
0xb8: {  	s31 =	sshll.u32 s1, $0xD;
	s1 =	sshrl.u32 s1, $0x2  }
0xb9: {  	s3 =	sand.u32 $0x4000, s31;
	s1 =	sadd.s32 s1, s30  }
0xba: {  	s0 =	sor.u32 s3, s0;
	s1 =	sshll.u32 s1, $0x11  }
0xbb: {  	s0 =	sor.u32 s1, s0  }
0xbc: {  	s0 =	sadd.s32 $0x8F2B, s0  }
0xbd: {  	[sflag:s0] =	ssyncadd.remote.s32 $0x1  }
0xbe: {  	_ =	sfence.sel $0xFFFF  }
0xbf: {  	[dreg:$0x0] =	wrdreg $0xFFFFFFFF;
	(pc) =	sbr.abs _section_cstart, $3  }
0xc0: {  	[dreg:$0x1] =	wrdreg $0xFFFFFFFF  }
0xc1: {  	_ =	task.clear_ibuf [dreg:s6], $0x2FFFF;
	_ =	strace $0x9FFFFFFF  }
0xc2: {  	(tm) =	ssettm $0x7FFFFFFF  }
0xc3: {  	_ =	shalt  }
tec
execute0_lowered:
.L_overlay_start_1:
0x0: {  	(tag) =	ssettag $0x1  }
0x1: {  	s6 =	rddreg [dreg:$0x0]  }
0x2: {  	s1 =	rddreg [dreg:$0x1];
	s2 =	srdreg.scid;
	s3 =	simm.s32 $0x0  }
0x3: {  	s0 =	stileid.u32;
	s18 =	simm.s32 $0x3;
	s19 =	simm.s32 $0x1400  }
0x4: {  	s20 =	simm.s32 $0x80;
	s21 =	simm.s32 $0x6800;
	s22 =	simm.s32 $0x1  }
0x5: {  	s23 =	simm.s32 $0x2;
	s24 =	simm.s32 $0x1380;
	s25 =	simm.s32 $0x2700  }
0x6: {  	s28 =	simm.s32 $0x0;
	s7 =	sand.u32 $0x1, s2;
	s5 =	smul.u32 $0x14000, s0  }
0x7: {  	[smem:$0x7FF] =	sst s3;
	s13 =	sadd.s32 $0x2E00, s6;
	s9 =	smul.u32 $0x50000, s0  }
0x8: {  	s14 =	sadd.s32 $0xCE00, s6;
	s4 =	smul.u32 $0x140000, s7;
	s26 =	sshll.u32 s7, $0x4  }
0x9: {  	_ =	strace $0x8000004D;
	s7 =	ssub.s32 $0x2, s7;
	s29 =	sor.u32 s0, s26  }
0xa: {  	s30 =	sshrl.u32 s9, $0x2;
	s31 =	sshrl.u32 s7, $0x1;
	s26 =	simm.s32 $0x2780  }
0xb: {  	s5 =	sadd.s32 s5, s4;
	s4 =	sadd.s32 $0x16E00, s6;
	s11 =	smul.u32 $0x2800, s29  }
0xc: {  	s16 =	ssub.s32 s7, s31;
	s8 =	sshrl.u32 s5, $0x3;
	s5 =	sadd.s32 $0x3EE00, s6  }
0xd: {  	s16 =	smax.u32 s16, $0x1;
	s15 =	sadd.s32 s8, s6;
	s6 =	sadd.s32 s30, s1  }
0xe: {  	s17 =	sshrl.u32 s11, $0x3;
	s7 =	sadd.s32 $0x4000, s6;
	s8 =	sadd.s32 $0x8000, s6  }
0xf: {  	s9 =	sadd.s32 $0xC000, s6;
	s10 =	sadd.s32 $0x10000, s6;
	s11 =	sadd.s32 s13, s17  }
0x10: {  	s12 =	sadd.s32 s14, s17;
	s17 =	sadd.s32 $0x280, s17;
	s15 =	sadd.s32 $0x3F600, s15  }
0x11: {  	s13 =	sadd.s32 s13, s17;
	s14 =	sadd.s32 s14, s17;
	s17 =	simm.s32 $0x2800  }
.LBB2_1:
0x12: {  	[tilespmem:s17], [sflag:$0x3] =	stream.linear.gather [hbm4b:s5+s3], $0x4000, $0x38;
	[tilespmem:$0x1E800] =	vst v63  }
0x13: {  	_ =	swait.ge [sflag:s18], $0x4000  }
0x14: {  	[sflag:s18] =	ssyncset.done $0x0  }
0x15: {  	[sflag:s18] =	ssyncadd.s32 $0xFFFFC000  }
0x16: {  	[spmem:s6] =	stream.linear.scatter [tilespmem:s17], [sflag:$0x3], $0x4000, $0x38;
	[tilespmem:$0x1E800] =	vst v63  }
0x17: {  	_ =	swait.ge [sflag:s18], $0x4000  }
0x18: {  	[sflag:s18] =	ssyncset.done $0x0  }
0x19: {  	[sflag:s18] =	ssyncadd.s32 $0xFFFFC000  }
0x1a: {  	[spmem:s7] =	stream.linear.scatter [tilespmem:s17], [sflag:$0x3], $0x4000, $0x38;
	[tilespmem:$0x1E800] =	vst v63  }
0x1b: {  	_ =	swait.ge [sflag:s18], $0x4000  }
0x1c: {  	[sflag:s18] =	ssyncset.done $0x0  }
0x1d: {  	[sflag:s18] =	ssyncadd.s32 $0xFFFFC000  }
0x1e: {  	[spmem:s8] =	stream.linear.scatter [tilespmem:s17], [sflag:$0x3], $0x4000, $0x38;
	[tilespmem:$0x1E800] =	vst v63  }
0x1f: {  	_ =	swait.ge [sflag:s18], $0x4000  }
0x20: {  	[sflag:s18] =	ssyncset.done $0x0  }
0x21: {  	[sflag:s18] =	ssyncadd.s32 $0xFFFFC000  }
0x22: {  	[spmem:s9] =	stream.linear.scatter [tilespmem:s17], [sflag:$0x3], $0x4000, $0x38;
	[tilespmem:$0x1E800] =	vst v63  }
0x23: {  	_ =	swait.ge [sflag:s18], $0x4000  }
0x24: {  	[sflag:s18] =	ssyncset.done $0x0  }
0x25: {  	[sflag:s18] =	ssyncadd.s32 $0xFFFFC000  }
0x26: {  	[spmem:s10] =	stream.linear.scatter [tilespmem:s17], [sflag:$0x3], $0x4000, $0x38;
	[tilespmem:$0x1E800] =	vst v63  }
0x27: {  	_ =	swait.ge [sflag:s18], $0x4000  }
0x28: {  	[sflag:s18] =	ssyncset.done $0x0  }
0x29: {  	[sflag:s18] =	ssyncadd.s32 $0xFFFFC000  }
0x2a: {  	[bflag:$0x0] =	sbarrier.arrive $0xFFFF  }
0x2b: {  	[tilespmem:s3], [sflag:$0x3] =	stream.linear.gather [hbm4b:s11+s3], $0x1400, $0x38;
	[tilespmem:$0x1E800] =	vst v63  }
0x2c: {  	_ =	swait.ge [sflag:s18], $0x1400  }
0x2d: {  	[sflag:s18] =	ssyncset.done $0x0  }
0x2e: {  	[sflag:s18] =	ssyncadd.s32 $0xFFFFEC00  }
0x2f: {  	[tilespmem:s19], [sflag:$0x3] =	stream.linear.gather [hbm4b:s12+s3], $0x1400, $0x38;
	[tilespmem:$0x1E800] =	vst v63  }
0x30: {  	_ =	swait.ge [sflag:s18], $0x1400  }
0x31: {  	[sflag:s18] =	ssyncset.done $0x0  }
0x32: {  	[sflag:s18] =	ssyncadd.s32 $0xFFFFEC00  }
0x33: {  	[tilespmem:s17], [sflag:$0x1] =	stream.indirect.gather [hbm4b:s4+s20], $0x80, s3, s20, $0xb8;
	[tilespmem:$0x1E800] =	vst v63  }
0x34: {  	s29 =	simm.s32 $0x80  }
0x35: {  	[tilespmem:s21], [sflag:$0x2] =	stream.indirect.gather [hbm4b:s4+s20], $0x80, s29, s20, $0xb8;
	[tilespmem:$0x1E800] =	vst v63  }
0x36: {  	_ =	swait.ge [sflag:s22], $0x4000  }
0x37: {  	[sflag:s22] =	ssyncset.done $0x0  }
0x38: {  	s29 =	simm.s32 $0x1400;
	[sflag:s22] =	ssyncadd.s32 $0xFFFFC000  }
0x39: {  	[spmem:s1] =	stream.indirect.scatter.add.f32 [tilespmem:s17], [sflag:$0x3], $0x80, s29, s20, $0xb8;
	[tilespmem:$0x1E800] =	vst v63  }
0x3a: {  	_ =	swait.ge [sflag:s18], $0x4000  }
0x3b: {  	[sflag:s18] =	ssyncset.done $0x0  }
0x3c: {  	s29 =	simm.s32 $0x100;
	[sflag:s18] =	ssyncadd.s32 $0xFFFFC000  }
0x3d: {  	[tilespmem:s17], [sflag:$0x1] =	stream.indirect.gather [hbm4b:s4+s20], $0x80, s29, s20, $0xb8;
	[tilespmem:$0x1E800] =	vst v63  }
0x3e: {  	_ =	swait.ge [sflag:s23], $0x4000  }
0x3f: {  	[sflag:s23] =	ssyncset.done $0x0  }
0x40: {  	s29 =	simm.s32 $0x1480;
	[sflag:s23] =	ssyncadd.s32 $0xFFFFC000  }
0x41: {  	[spmem:s1] =	stream.indirect.scatter.add.f32 [tilespmem:s21], [sflag:$0x3], $0x80, s29, s20, $0xb8;
	[tilespmem:$0x1E800] =	vst v63  }
0x42: {  	_ =	swait.ge [sflag:s18], $0x4000  }
0x43: {  	s30 =	simm.s32 $0x800;
	s29 =	simm.s32 $0x100;
	[sflag:s18] =	ssyncset.done $0x0  }
.LBB2_2:
0x44: {  	s31 =	sadd.s32 $0x80, s29  }
0x45: {  	[sflag:s18] =	ssyncadd.s32 $0xFFFFC000;
	s0 =	smov.u32 s30;
	s2 =	sadd.s32 $0x400, s30  }
0x46: {  	[tilespmem:s21], [sflag:$0x2] =	stream.indirect.gather [hbm4b:s4+s20], $0x80, s31, s20, $0xb8;
	[tilespmem:$0x1E800] =	vst v63  }
0x47: {  	p0 =	sne.s32 s30, $0x4800;
	_ =	swait.ge [sflag:s22], $0x4000  }
0x48: {  	[sflag:s22] =	ssyncset.done $0x0  }
0x49: {  	s30 =	sadd.s32 $0x1400, s29;
	[sflag:s22] =	ssyncadd.s32 $0xFFFFC000  }
0x4a: {  	[spmem:s1] =	stream.indirect.scatter.add.f32 [tilespmem:s17], [sflag:$0x3], $0x80, s30, s20, $0xb8;
	[tilespmem:$0x1E800] =	vst v63  }
0x4b: {  	_ =	swait.ge [sflag:s18], $0x4000  }
0x4c: {  	[sflag:s18] =	ssyncset.done $0x0  }
0x4d: {  	s30 =	sadd.s32 $0x100, s29;
	[sflag:s18] =	ssyncadd.s32 $0xFFFFC000  }
0x4e: {  	[tilespmem:s17], [sflag:$0x1] =	stream.indirect.gather [hbm4b:s4+s20], $0x80, s30, s20, $0xb8;
	[tilespmem:$0x1E800] =	vst v63  }
0x4f: {  	_ =	swait.ge [sflag:s23], $0x4000  }
.Ltmp0:
0x50: {  	[sflag:s23] =	ssyncset.done $0x0;
	(pc) =	sbr.rel @p0 .LBB2_2-.Ltmp0, $4  }
0x51: {  	s29 =	sadd.s32 $0x1480, s29;
	[sflag:s23] =	ssyncadd.s32 $0xFFFFC000  }
0x52: {  	[spmem:s1] =	stream.indirect.scatter.add.f32 [tilespmem:s21], [sflag:$0x3], $0x80, s29, s20, $0xb8;
	[tilespmem:$0x1E800] =	vst v63  }
0x53: {  	_ =	swait.ge [sflag:s18], $0x4000  }
0x54: {  	s30 =	smov.u32 s2;
	s29 =	sshra.s32 s0, $0x2;
	[sflag:s18] =	ssyncset.done $0x0  }
0x55: {  	s0 =	sadd.s32 $0x80, s29;
	[sflag:s18] =	ssyncadd.s32 $0xFFFFC000  }
0x56: {  	[tilespmem:s21], [sflag:$0x2] =	stream.indirect.gather [hbm4b:s4+s20], $0x80, s0, s20, $0xb8;
	[tilespmem:$0x1E800] =	vst v63  }
0x57: {  	_ =	swait.ge [sflag:s22], $0x4000  }
0x58: {  	[sflag:s22] =	ssyncset.done $0x0  }
0x59: {  	s2 =	sadd.s32 $0x1400, s29;
	[sflag:s22] =	ssyncadd.s32 $0xFFFFC000  }
0x5a: {  	[spmem:s1] =	stream.indirect.scatter.add.f32 [tilespmem:s17], [sflag:$0x3], $0x80, s2, s20, $0xb8;
	[tilespmem:$0x1E800] =	vst v63  }
0x5b: {  	_ =	swait.ge [sflag:s18], $0x4000  }
0x5c: {  	[sflag:s18] =	ssyncset.done $0x0  }
0x5d: {  	s31 =	sadd.s32 $0x100, s29;
	[sflag:s18] =	ssyncadd.s32 $0xFFFFC000  }
0x5e: {  	[tilespmem:s17], [sflag:$0x1] =	stream.indirect.gather [hbm4b:s4+s20], $0x80, s31, s20, $0xb8;
	[tilespmem:$0x1E800] =	vst v63  }
0x5f: {  	_ =	swait.ge [sflag:s23], $0x4000  }
0x60: {  	[sflag:s23] =	ssyncset.done $0x0  }
0x61: {  	s2 =	sadd.s32 $0x1480, s29;
	[sflag:s23] =	ssyncadd.s32 $0xFFFFC000  }
0x62: {  	[spmem:s1] =	stream.indirect.scatter.add.f32 [tilespmem:s21], [sflag:$0x3], $0x80, s2, s20, $0xb8;
	[tilespmem:$0x1E800] =	vst v63  }
0x63: {  	_ =	swait.ge [sflag:s18], $0x4000  }
0x64: {  	[sflag:s18] =	ssyncset.done $0x0  }
0x65: {  	[sflag:s18] =	ssyncadd.s32 $0xFFFFC000  }
0x66: {  	[tilespmem:s21], [sflag:$0x2] =	stream.indirect.gather [hbm4b:s4+s20], $0x80, s24, s20, $0xb8;
	[tilespmem:$0x1E800] =	vst v63  }
0x67: {  	_ =	swait.ge [sflag:s22], $0x4000  }
0x68: {  	[sflag:s22] =	ssyncset.done $0x0  }
0x69: {  	[sflag:s22] =	ssyncadd.s32 $0xFFFFC000  }
0x6a: {  	[spmem:s1] =	stream.indirect.scatter.add.f32 [tilespmem:s17], [sflag:$0x3], $0x80, s25, s20, $0xb8;
	[tilespmem:$0x1E800] =	vst v63  }
0x6b: {  	_ =	swait.ge [sflag:s18], $0x4000  }
0x6c: {  	[sflag:s18] =	ssyncset.done $0x0  }
0x6d: {  	[sflag:s18] =	ssyncadd.s32 $0xFFFFC000  }
0x6e: {  	_ =	swait.ge [sflag:s23], $0x4000  }
0x6f: {  	[sflag:s23] =	ssyncset.done $0x0  }
0x70: {  	[sflag:s23] =	ssyncadd.s32 $0xFFFFC000  }
0x71: {  	[spmem:s1] =	stream.indirect.scatter.add.f32 [tilespmem:s21], [sflag:$0x3], $0x80, s26, s20, $0xb8;
	[tilespmem:$0x1E800] =	vst v63  }
0x72: {  	_ =	swait.ge [sflag:s18], $0x4000  }
0x73: {  	[sflag:s18] =	ssyncset.done $0x0  }
0x74: {  	s31 =	simm.s32 $0x0;
	[sflag:s18] =	ssyncadd.s32 $0xFFFFC000  }
0x75: {  	[tilespmem:s31], [sflag:$0x3] =	stream.linear.gather [hbm4b:s13+s31], $0x1400, $0x38;
	[tilespmem:$0x1E800] =	vst v63  }
0x76: {  	_ =	swait.ge [sflag:s18], $0x1400  }
0x77: {  	[sflag:s18] =	ssyncset.done $0x0  }
0x78: {  	[sflag:s18] =	ssyncadd.s32 $0xFFFFEC00  }
0x79: {  	[tilespmem:s19], [sflag:$0x3] =	stream.linear.gather [hbm4b:s14+s31], $0x1400, $0x38;
	[tilespmem:$0x1E800] =	vst v63  }
0x7a: {  	_ =	swait.ge [sflag:s18], $0x1400  }
0x7b: {  	[sflag:s18] =	ssyncset.done $0x0  }
0x7c: {  	[sflag:s18] =	ssyncadd.s32 $0xFFFFEC00  }
0x7d: {  	[tilespmem:s17], [sflag:$0x1] =	stream.indirect.gather [hbm4b:s4+s20], $0x80, s31, s20, $0xb8;
	[tilespmem:$0x1E800] =	vst v63  }
0x7e: {  	s2 =	simm.s32 $0x80  }
0x7f: {  	[tilespmem:s21], [sflag:$0x2] =	stream.indirect.gather [hbm4b:s4+s20], $0x80, s2, s20, $0xb8;
	[tilespmem:$0x1E800] =	vst v63  }
0x80: {  	_ =	swait.ge [sflag:s22], $0x4000  }
0x81: {  	[sflag:s22] =	ssyncset.done $0x0  }
0x82: {  	s31 =	simm.s32 $0x1400;
	[sflag:s22] =	ssyncadd.s32 $0xFFFFC000  }
0x83: {  	[spmem:s1] =	stream.indirect.scatter.add.f32 [tilespmem:s17], [sflag:$0x3], $0x80, s31, s20, $0xb8;
	[tilespmem:$0x1E800] =	vst v63  }
0x84: {  	_ =	swait.ge [sflag:s18], $0x4000  }
0x85: {  	[sflag:s18] =	ssyncset.done $0x0  }
0x86: {  	s2 =	simm.s32 $0x100;
	[sflag:s18] =	ssyncadd.s32 $0xFFFFC000  }
0x87: {  	[tilespmem:s17], [sflag:$0x1] =	stream.indirect.gather [hbm4b:s4+s20], $0x80, s2, s20, $0xb8;
	[tilespmem:$0x1E800] =	vst v63  }
0x88: {  	_ =	swait.ge [sflag:s23], $0x4000  }
0x89: {  	[sflag:s23] =	ssyncset.done $0x0  }
0x8a: {  	s31 =	simm.s32 $0x1480;
	[sflag:s23] =	ssyncadd.s32 $0xFFFFC000  }
0x8b: {  	[spmem:s1] =	stream.indirect.scatter.add.f32 [tilespmem:s21], [sflag:$0x3], $0x80, s31, s20, $0xb8;
	[tilespmem:$0x1E800] =	vst v63  }
0x8c: {  	_ =	swait.ge [sflag:s18], $0x4000  }
0x8d: {  	s30 =	simm.s32 $0x800;
	s29 =	simm.s32 $0x100;
	[sflag:s18] =	ssyncset.done $0x0  }
.LBB2_4:
0x8e: {  	s0 =	sadd.s32 $0x80, s29  }
0x8f: {  	[sflag:s18] =	ssyncadd.s32 $0xFFFFC000;
	s2 =	smov.u32 s30;
	s31 =	sadd.s32 $0x400, s30  }
0x90: {  	[tilespmem:s21], [sflag:$0x2] =	stream.indirect.gather [hbm4b:s4+s20], $0x80, s0, s20, $0xb8;
	[tilespmem:$0x1E800] =	vst v63  }
0x91: {  	p0 =	sne.s32 s30, $0x4800;
	_ =	swait.ge [sflag:s22], $0x4000  }
0x92: {  	[sflag:s22] =	ssyncset.done $0x0  }
0x93: {  	s0 =	sadd.s32 $0x1400, s29;
	[sflag:s22] =	ssyncadd.s32 $0xFFFFC000  }
0x94: {  	[spmem:s1] =	stream.indirect.scatter.add.f32 [tilespmem:s17], [sflag:$0x3], $0x80, s0, s20, $0xb8;
	[tilespmem:$0x1E800] =	vst v63  }
0x95: {  	_ =	swait.ge [sflag:s18], $0x4000  }
0x96: {  	[sflag:s18] =	ssyncset.done $0x0  }
0x97: {  	s0 =	sadd.s32 $0x100, s29;
	[sflag:s18] =	ssyncadd.s32 $0xFFFFC000  }
0x98: {  	[tilespmem:s17], [sflag:$0x1] =	stream.indirect.gather [hbm4b:s4+s20], $0x80, s0, s20, $0xb8;
	[tilespmem:$0x1E800] =	vst v63  }
0x99: {  	_ =	swait.ge [sflag:s23], $0x4000  }
.Ltmp1:
0x9a: {  	[sflag:s23] =	ssyncset.done $0x0;
	(pc) =	sbr.rel @p0 .LBB2_4-.Ltmp1, $4  }
0x9b: {  	s0 =	sadd.s32 $0x1480, s29;
	[sflag:s23] =	ssyncadd.s32 $0xFFFFC000  }
0x9c: {  	[spmem:s1] =	stream.indirect.scatter.add.f32 [tilespmem:s21], [sflag:$0x3], $0x80, s0, s20, $0xb8;
	[tilespmem:$0x1E800] =	vst v63  }
0x9d: {  	_ =	swait.ge [sflag:s18], $0x4000  }
0x9e: {  	s30 =	smov.u32 s31;
	s29 =	sshra.s32 s2, $0x2;
	[sflag:s18] =	ssyncset.done $0x0  }
0x9f: {  	s0 =	sadd.s32 $0x80, s29;
	[sflag:s18] =	ssyncadd.s32 $0xFFFFC000  }
0xa0: {  	[tilespmem:s21], [sflag:$0x2] =	stream.indirect.gather [hbm4b:s4+s20], $0x80, s0, s20, $0xb8;
	[tilespmem:$0x1E800] =	vst v63  }
0xa1: {  	_ =	swait.ge [sflag:s22], $0x4000  }
0xa2: {  	[sflag:s22] =	ssyncset.done $0x0  }
0xa3: {  	s31 =	sadd.s32 $0x1400, s29;
	[sflag:s22] =	ssyncadd.s32 $0xFFFFC000  }
0xa4: {  	[spmem:s1] =	stream.indirect.scatter.add.f32 [tilespmem:s17], [sflag:$0x3], $0x80, s31, s20, $0xb8;
	[tilespmem:$0x1E800] =	vst v63  }
0xa5: {  	_ =	swait.ge [sflag:s18], $0x4000  }
0xa6: {  	[sflag:s18] =	ssyncset.done $0x0  }
0xa7: {  	s2 =	sadd.s32 $0x100, s29;
	[sflag:s18] =	ssyncadd.s32 $0xFFFFC000  }
0xa8: {  	[tilespmem:s17], [sflag:$0x1] =	stream.indirect.gather [hbm4b:s4+s20], $0x80, s2, s20, $0xb8;
	[tilespmem:$0x1E800] =	vst v63  }
0xa9: {  	_ =	swait.ge [sflag:s23], $0x4000  }
0xaa: {  	[sflag:s23] =	ssyncset.done $0x0  }
0xab: {  	s30 =	sadd.s32 $0x1480, s29;
	[sflag:s23] =	ssyncadd.s32 $0xFFFFC000  }
0xac: {  	[spmem:s1] =	stream.indirect.scatter.add.f32 [tilespmem:s21], [sflag:$0x3], $0x80, s30, s20, $0xb8;
	[tilespmem:$0x1E800] =	vst v63  }
0xad: {  	_ =	swait.ge [sflag:s18], $0x4000  }
0xae: {  	[sflag:s18] =	ssyncset.done $0x0  }
0xaf: {  	[sflag:s18] =	ssyncadd.s32 $0xFFFFC000  }
0xb0: {  	[tilespmem:s21], [sflag:$0x2] =	stream.indirect.gather [hbm4b:s4+s20], $0x80, s24, s20, $0xb8;
	[tilespmem:$0x1E800] =	vst v63  }
0xb1: {  	_ =	swait.ge [sflag:s22], $0x4000  }
0xb2: {  	[sflag:s22] =	ssyncset.done $0x0  }
0xb3: {  	[sflag:s22] =	ssyncadd.s32 $0xFFFFC000  }
0xb4: {  	[spmem:s1] =	stream.indirect.scatter.add.f32 [tilespmem:s17], [sflag:$0x3], $0x80, s25, s20, $0xb8;
	[tilespmem:$0x1E800] =	vst v63  }
0xb5: {  	_ =	swait.ge [sflag:s18], $0x4000  }
0xb6: {  	[sflag:s18] =	ssyncset.done $0x0  }
0xb7: {  	[sflag:s18] =	ssyncadd.s32 $0xFFFFC000  }
0xb8: {  	_ =	swait.ge [sflag:s23], $0x4000  }
0xb9: {  	[sflag:s23] =	ssyncset.done $0x0  }
0xba: {  	[sflag:s23] =	ssyncadd.s32 $0xFFFFC000  }
0xbb: {  	[spmem:s1] =	stream.indirect.scatter.add.f32 [tilespmem:s21], [sflag:$0x3], $0x80, s26, s20, $0xb8;
	[tilespmem:$0x1E800] =	vst v63  }
0xbc: {  	s31 =	stileid.u32;
	_ =	swait.ge [sflag:s18], $0x4000  }
0xbd: {  	s28 =	sadd.s32 $0x1, s28;
	s0 =	sshll.u32 s31, $0x6;
	[sflag:s18] =	ssyncset.done $0x0  }
0xbe: {  	p0 =	sne.s32 s28, s16;
	s0 =	sor.u32 $0x1C03, s0;
	[sflag:s18] =	ssyncadd.s32 $0xFFFFC000  }
.Ltmp2:
0xbf: {  	s2 =	sshrl.u32 s6, $0x3;
	[bflag:$0x0] =	sbarrier.arrive $0xFFFF;
	(pc) =	sbr.rel @p0 .LBB2_1-.Ltmp2, $4  }
0xc0: {  	[hbm:s15], [sflag:s0] =	dma.local [spmem:s2], $0x2800  }
0xc1: {  	_ =	swait.ge [sflag:s18], $0x2800  }
0xc2: {  	[sflag:s18] =	ssyncset.done $0x0  }
0xc3: {  	[sflag:s18] =	ssyncadd.s32 $0xFFFFD800  }
0xc4: {  	_ =	sfence.sel $0x180000  }
0xc5: {  	[bflag:$0x0] =	sbarrier.arrive $0xFFFF  }
0xc6: {  	_ =	strace $0x9000004D  }
0xc7: {  	s0 =	stileid.u32;
	[bflag:$0x2] =	sbarrier.arrive $0xFFFF  }
0xc8: {  	p0 =	sne.s32 s0, $0x0;
	s0 =	rddreg [dreg:$0x2]  }
0xc9: {  	s0 =	sadd.s32 @!p0 $0x100000, s0  }
0xca: {  	[sflag:s0] =	ssyncadd.tile.s32 @!p0 $0x1;
	_ =	shalt  }
.Lfunc_end2:
_tile_overlayer_lowered:
.L_overlay_start_2:
0xcb: {  	(tag) =	ssettag $0x2  }
0xcc: {  	s0 =	rddreg [dreg:$0x0];
	s2 =	stileid.u32  }
0xcd: {  	s1 =	rddreg [dreg:$0x1];
	p0 =	sne.s32 s2, $0x0  }
0xce: {  	s3 =	rddreg [dreg:$0x2];
	[bflag:$0x3] =	sbarrier.arrive $0xFFFF;
	s2 =	simm.s32 @!p0 $0x1C03  }
0xcf: {  	[timem:s3], [sflag:s2] =	dma.local @!p0 [hbm:s0], s1  }
0xd0: {  	s0 =	simm.s32 @!p0 $0x3  }
0xd1: {  	_ =	swait.ge @!p0 [sflag:s0], s1  }
0xd2: {  	s1 =	ssub.s32 @!p0 $0x0, s1;
	[sflag:s0] =	ssyncset.done @!p0 $0x0  }
0xd3: {  	[sflag:s0] =	ssyncadd.s32 @!p0 s1  }
0xd4: {  	[bflag:$0x3] =	sbarrier.arrive $0xFFFF  }
0xd5: {  	_ =	shalt  }

// kernel: kernel.8.cloned.1.call-start
scs
__scs_entry_jumppad:
0x0: {  	(pc) =	sbr.rel $0x88, $3  }
0x1: {  	(tag) =	ssettag $0x0;
	lr =	simm.s32 $0x1  }
0x2: {  	[smem:$0x3F96] =	sst lr;
	_ =	strace $0xD0000000  }
0x3: {  	_ = 	snop  }
0x4: {  	_ = 	snop  }
0x5: {  	_ = 	snop  }
0x6: {  	_ = 	snop  }
0x7: {  	_ = 	snop  }
__scs_overlays_trampoline_lowered:
0x8: {  	[smem:$0x3FA5] =	sst s0  }
0x9: {  	[smem:$0x3FA6] =	sst s1  }
0xa: {  	[smem:$0x3FA7] =	sst s2  }
0xb: {  	[smem:$0x3FA8] =	sst s3  }
0xc: {  	[smem:$0x3FA9] =	sst s4  }
0xd: {  	[smem:$0x3FAA] =	sst s5  }
0xe: {  	[smem:$0x3FAB] =	sst s6  }
0xf: {  	[smem:$0x3FAC] =	sst s7  }
0x10: {  	[smem:$0x3FAD] =	sst s8  }
0x11: {  	[smem:$0x3FAE] =	sst s9;
	s0 =	simm.s32 @!p0 $0x0  }
0x12: {  	s1 =	sld [smem:$0x3F94];
	s0 =	simm.s32 @p0 $0x1  }
0x13: {  	[smem:$0x3FAF] =	sst s0;
	s0 =	simm.s32 @!p1 $0x0  }
0x14: {  	s2 =	sld [smem:$0x3F93];
	s0 =	simm.s32 @p1 $0x1  }
0x15: {  	[smem:$0x3FB0] =	sst s0;
	s0 =	simm.s32 @!p2 $0x0  }
0x16: {  	s3 =	sld [smem:$0x3FDB];
	s0 =	simm.s32 @p2 $0x1  }
0x17: {  	s4 =	simm.s32 $0x1BF5;
	[smem:$0x3FB2] =	sst s0  }
0x18: {  	s0 =	sld [smem:$0x3F95];
	_ =	swait.ge [sflag:s4], $0x0  }
0x19: {  	s7 =	sld [smem:$0x3F96]  }
0x1a: {  	s8 =	sadd.s32 $0xFFFFE003, lr  }
0x1b: {  	s9 =	sadd.s32 $0xFFFFFEF7, lr;
	s5 =	simm.s32 $0xFFFFFFFF;
	p2 =	slt.u32 s8, $0xFFFFF086  }
0x1c: {  	p1 =	slt.u32 s9, $0xF7A;
	s5 =	simm.s32 @!p2 $0x0  }
0x1d: {  	s5 =	simm.s32 @p1 $0x1;
	p0 =	seq.s32 s7, s2  }
0x1e: {  	s7 =	smul.u32 @!p0 $0xF7A, s2;
	p2 =	seq.s32 @!p0 s5, $0x0  }
0x1f: {  	s9 =	smul.u32 $0xF7A, s1;
	s8 =	simm.s32 @!p0 $0x1BF5;
	p2 =	por !p2, p0  }
0x20: {  	[sflag:s8] =	ssyncset.s32 @!p0 $0xFFFFF086;
	s6 =	sadd.s32 @!p0 s3, s7;
	s7 =	simm.s32 @!p0 $0x108  }
0x21: {  	s3 =	sadd.s32 s3, s9;
	s6 =	sadd.s32 @!p0 $0x88, s6;
	s7 =	simm.s32 @p2 $0x1082  }
0x22: {  	[simem:s7], [sflag:s8] =	dma.local @!p0 [hbm:s6], $0xF7A  }
0x23: {  	s9 =	sor.u32 $0xD0000000, s2;
	s6 =	simm.s32 $0x108;
	_ =	swait.ge @!p0 [sflag:s8], $0x0  }
0x24: {  	s3 =	sadd.s32 $0x88, s3;
	s6 =	simm.s32 @!p1 $0x1082;
	[sflag:s4] =	ssyncset.s32 $0xFFFFF086  }
0x25: {  	[simem:s6], [sflag:s4] =	dma.local [hbm:s3], $0xF7A  }
0x26: {  	[smem:$0x3F96] =	sst s1;
	(tag) =	ssettag s2;
	_ =	strace s9  }
0x27: {  	s1 =	sld [smem:$0x3FA6]  }
0x28: {  	s2 =	sld [smem:$0x3FA7]  }
0x29: {  	s4 =	sld [smem:$0x3FA9]  }
0x2a: {  	p0 =	seq.s32 s5, $0x0;
	s5 =	sld [smem:$0x3FAA]  }
0x2b: {  	s6 =	sld [smem:$0x3FAB]  }
0x2c: {  	s7 =	sld [smem:$0x3FAC]  }
0x2d: {  	s3 =	simm.s32 $0x108;
	s8 =	sld [smem:$0x3FAD]  }
0x2e: {  	s3 =	simm.s32 @!p0 $0x1082;
	s9 =	sld [smem:$0x3FAE]  }
0x2f: {  	lr =	sadd.s32 s0, s3;
	s0 =	sld [smem:$0x3FA5]  }
0x30: {  	s3 =	sld [smem:$0x3FA8]  }
0x31: {  	[smem:$0x3FB1] =	sst s10  }
0x32: {  	s10 =	sld [smem:$0x3FAF];
	_ =	sdelay $0x3  }
0x33: {  	p0 =	seq.s32 s10, $0x1;
	s10 =	sld [smem:$0x3FB1];
	_ =	sdelay $0x3  }
0x34: {  	[smem:$0x3FB1] =	sst s10  }
0x35: {  	s10 =	sld [smem:$0x3FB0];
	_ =	sdelay $0x3  }
0x36: {  	p1 =	seq.s32 s10, $0x1;
	s10 =	sld [smem:$0x3FB1];
	_ =	sdelay $0x3  }
0x37: {  	[smem:$0x3FB1] =	sst s10  }
0x38: {  	s10 =	sld [smem:$0x3FB2]  }
0x39: {  	_ = 	snop;
	(pc) =	sbr.ind lr, $3  }
0x3a: {  	_ = 	snop  }
0x3b: {  	_ = 	snop  }
0x3c: {  	p2 =	seq.s32 s10, $0x1;
	s10 =	sld [smem:$0x3FB1]  }
0x3d: {  	_ =	shalt  }
0x3e: {  	_ =	shalt  }
0x3f: {  	_ =	shalt  }
0x40: {  	_ =	shalt  }
0x41: {  	_ =	shalt  }
0x42: {  	_ =	shalt  }
0x43: {  	_ =	shalt  }
0x44: {  	_ =	shalt  }
0x45: {  	_ =	shalt  }
0x46: {  	_ =	shalt  }
0x47: {  	_ =	shalt  }
0x48: {  	_ =	shalt  }
0x49: {  	_ =	shalt  }
0x4a: {  	_ =	shalt  }
0x4b: {  	_ =	shalt  }
0x4c: {  	_ =	shalt  }
0x4d: {  	_ =	shalt  }
0x4e: {  	_ =	shalt  }
0x4f: {  	_ =	shalt  }
0x50: {  	_ =	shalt  }
0x51: {  	_ =	shalt  }
0x52: {  	_ =	shalt  }
0x53: {  	_ =	shalt  }
0x54: {  	_ =	shalt  }
0x55: {  	_ =	shalt  }
0x56: {  	_ =	shalt  }
0x57: {  	_ =	shalt  }
0x58: {  	_ =	shalt  }
0x59: {  	_ =	shalt  }
0x5a: {  	_ =	shalt  }
0x5b: {  	_ =	shalt  }
0x5c: {  	_ =	shalt  }
0x5d: {  	_ =	shalt  }
0x5e: {  	_ =	shalt  }
0x5f: {  	_ =	shalt  }
0x60: {  	_ =	shalt  }
0x61: {  	_ =	shalt  }
0x62: {  	_ =	shalt  }
0x63: {  	_ =	shalt  }
0x64: {  	_ =	shalt  }
0x65: {  	_ =	shalt  }
0x66: {  	_ =	shalt  }
0x67: {  	_ =	shalt  }
0x68: {  	_ =	shalt  }
0x69: {  	_ =	shalt  }
0x6a: {  	_ =	shalt  }
0x6b: {  	_ =	shalt  }
0x6c: {  	_ =	shalt  }
0x6d: {  	_ =	shalt  }
0x6e: {  	_ =	shalt  }
0x6f: {  	_ =	shalt  }
0x70: {  	_ =	shalt  }
0x71: {  	_ =	shalt  }
0x72: {  	_ =	shalt  }
0x73: {  	_ =	shalt  }
0x74: {  	_ =	shalt  }
0x75: {  	_ =	shalt  }
0x76: {  	_ =	shalt  }
0x77: {  	_ =	shalt  }
0x78: {  	_ =	shalt  }
0x79: {  	_ =	shalt  }
0x7a: {  	_ =	shalt  }
0x7b: {  	_ =	shalt  }
0x7c: {  	_ =	shalt  }
0x7d: {  	_ =	shalt  }
0x7e: {  	_ =	shalt  }
0x7f: {  	_ =	shalt  }
0x80: {  	_ =	shalt  }
0x81: {  	_ =	shalt  }
0x82: {  	_ =	shalt  }
0x83: {  	_ =	shalt  }
0x84: {  	_ =	shalt  }
0x85: {  	_ =	shalt  }
0x86: {  	_ =	shalt  }
0x87: {  	_ =	shalt  }
.Lfunc_end0:
.L_simem_size_0:
called_computation_lowered:
.L_overlay_start_0:
0x88: {  	s2 =	sld [smem:$0x3FD9]  }
0x89: {  	s3 =	sld [smem:$0x3FFE];
	_ =	sdelay $0x1  }
0x8a: {  	s1 =	srdreg.scid  }
0x8b: {  	s0 =	sand.u32 $0x1, s1  }
0x8c: {  	s16 =	sshll.u32 s0, $0xA;
	s2 =	sadd.s32 s3, s2  }
0x8d: {  	s2 =	sadd.s32 s2, s16  }
0x8e: {  	[smem:$0x3FBD] =	sst s2  }
0x8f: {  	_ = 	snop  }
0x90: {  	(tm) =	ssettm $0x1  }
0x91: {  	s17 =	sld [smem:$0x3FFB];
	_ =	sdelay $0x3  }
0x92: {  	_ =	strace s17  }
0x93: {  	s2 =	sld [smem:$0x3FFC];
	_ =	sdelay $0x3  }
0x94: {  	_ =	strace s2  }
0x95: {  	s2 =	sld [smem:$0x3FFD];
	_ =	sdelay $0x3  }
0x96: {  	_ =	strace s2  }
0x97: {  	_ =	strace $0x8FFFFFFF  }
0x98: {  	s18 =	sld [smem:$0x3FDB];
	_ =	sdelay $0x1  }
0x99: {  	s19 =	simm.s32 $_scs_section_size  }
0x9a: {  	s4 =	simm.s32 $_size__tile_overlayer_lowered;
	s5 =	simm.s32 $_tile_overlayer_lowered  }
0x9b: {  	s22 =	simm.s32 $0x1BFF;
	s21 =	sshll.u32 s5, $0x1;
	s2 =	sadd.s32 s19, s18  }
0x9c: {  	s6 =	simm.s32 $0x0;
	s20 =	sshll.u32 s4, $0x1;
	s4 =	sadd.s32 s21, s2  }
0x9d: {  	[timem:s6], [sflag:s22] =	dma.local [hbm:s4], s20  }
0x9e: {  	_ =	swait.ge [sflag:s22], s20  }
0x9f: {  	s3 =	ssub.s32 $0x0, s20;
	[sflag:s22] =	ssyncset.done $0x0  }
0xa0: {  	[sflag:s22] =	ssyncadd.s32 s3;
	_ =	sdelay $0x1  }
0xa1: {  	s23 =	simm.s32 $0x1B8B  }
0xa2: {  	_ =	swait.ge [sflag:s23], $0x1  }
0xa3: {  	[sflag:s23] =	ssyncset.done $0x0  }
0xa4: {  	s25 =	simm.s32 $0x1B8E;
	s24 =	sld [smem:$0x3FFE];
	[sflag:s23] =	ssyncadd.s32 $0xFFFFFFFF  }
0xa5: {  	s26 =	simm.s32 $execute0_lowered;
	[smem:$0x3FD2] =	sst s25  }
0xa6: {  	s4 =	sshll.u32 s26, $0x1;
	_ =	strace $0x80000046;
	[dreg:$0x1] =	wrdreg $0xFFFFFFFF  }
0xa7: {  	s28 =	simm.s32 $_size_execute0_lowered;
	s2 =	sadd.s32 s2, s4;
	[dreg:$0x0] =	wrdreg $0x0  }
0xa8: {  	s4 =	sshll.u32 s28, $0x1;
	[dreg:$0x2] =	wrdreg s2  }
0xa9: {  	[dreg:$0x3] =	wrdreg s4  }
0xaa: {  	[dreg:$0x4] =	wrdreg $0xC0  }
0xab: {  	_ =	task [dreg:s6], $0x5FFFF  }
0xac: {  	[dreg:$0x1] =	wrdreg $0xFFFFFFFF  }
0xad: {  	[dreg:$0x0] =	wrdreg $0x60  }
0xae: {  	[dreg:$0x2] =	wrdreg s24  }
0xaf: {  	[dreg:$0x3] =	wrdreg $0xA8000  }
0xb0: {  	[dreg:$0x4] =	wrdreg $0x9  }
0xb1: {  	_ =	task.clear_ibuf [dreg:s6], $0x5FFFF;
	_ =	strace $0x90000046  }
0xb2: {  	s29 =	simm.s32 $0x9;
	_ =	strace $0x80000048  }
0xb3: {  	_ =	swait.ge [sflag:s29], $0x1  }
0xb4: {  	[sflag:s29] =	ssyncadd.s32 $0xFFFFFFFF  }
0xb5: {  	_ =	strace $0x90000048  }
0xb6: {  	_ =	sfence  }
0xb7: {  	s30 =	sld [smem:$0x0];
	_ =	sdelay $0x2  }
0xb8: {  	s31 =	sshll.u32 s1, $0xD;
	s1 =	sshrl.u32 s1, $0x2  }
0xb9: {  	s3 =	sand.u32 $0x4000, s31;
	s1 =	sadd.s32 s1, s30  }
0xba: {  	s0 =	sor.u32 s3, s0;
	s1 =	sshll.u32 s1, $0x11  }
0xbb: {  	s0 =	sor.u32 s1, s0  }
0xbc: {  	s0 =	sadd.s32 $0x8F2B, s0  }
0xbd: {  	[sflag:s0] =	ssyncadd.remote.s32 $0x1  }
0xbe: {  	_ =	sfence.sel $0xFFFF  }
0xbf: {  	[dreg:$0x0] =	wrdreg $0xFFFFFFFF;
	(pc) =	sbr.abs _section_cstart, $3  }
0xc0: {  	[dreg:$0x1] =	wrdreg $0xFFFFFFFF  }
0xc1: {  	_ =	task.clear_ibuf [dreg:s6], $0x2FFFF;
	_ =	strace $0x9FFFFFFF  }
0xc2: {  	(tm) =	ssettm $0x7FFFFFFF  }
0xc3: {  	_ =	shalt  }
tec
execute0_lowered:
.L_overlay_start_1:
0x0: {  	(tag) =	ssettag $0x1  }
0x1: {  	s6 =	rddreg [dreg:$0x0]  }
0x2: {  	s1 =	rddreg [dreg:$0x1];
	s2 =	srdreg.scid;
	s3 =	simm.s32 $0x0  }
0x3: {  	s0 =	stileid.u32;
	s18 =	simm.s32 $0x3;
	s19 =	simm.s32 $0x1400  }
0x4: {  	s20 =	simm.s32 $0x80;
	s21 =	simm.s32 $0x6800;
	s22 =	simm.s32 $0x1  }
0x5: {  	s23 =	simm.s32 $0x2;
	s24 =	simm.s32 $0x1380;
	s25 =	simm.s32 $0x2700  }
0x6: {  	s28 =	simm.s32 $0x0;
	s7 =	sand.u32 $0x1, s2;
	s5 =	smul.u32 $0x14000, s0  }
0x7: {  	[smem:$0x7FF] =	sst s3;
	s13 =	sadd.s32 $0x2E00, s6;
	s9 =	smul.u32 $0x50000, s0  }
0x8: {  	s14 =	sadd.s32 $0xCE00, s6;
	s4 =	smul.u32 $0x140000, s7;
	s26 =	sshll.u32 s7, $0x4  }
0x9: {  	_ =	strace $0x80000047;
	s7 =	ssub.s32 $0x2, s7;
	s29 =	sor.u32 s0, s26  }
0xa: {  	s30 =	sshrl.u32 s9, $0x2;
	s31 =	sshrl.u32 s7, $0x1;
	s26 =	simm.s32 $0x2780  }
0xb: {  	s5 =	sadd.s32 s5, s4;
	s4 =	sadd.s32 $0x16E00, s6;
	s11 =	smul.u32 $0x2800, s29  }
0xc: {  	s16 =	ssub.s32 s7, s31;
	s8 =	sshrl.u32 s5, $0x3;
	s5 =	sadd.s32 $0x3EE00, s6  }
0xd: {  	s16 =	smax.u32 s16, $0x1;
	s15 =	sadd.s32 s8, s6;
	s6 =	sadd.s32 s30, s1  }
0xe: {  	s17 =	sshrl.u32 s11, $0x3;
	s7 =	sadd.s32 $0x4000, s6;
	s8 =	sadd.s32 $0x8000, s6  }
0xf: {  	s9 =	sadd.s32 $0xC000, s6;
	s10 =	sadd.s32 $0x10000, s6;
	s11 =	sadd.s32 s13, s17  }
0x10: {  	s12 =	sadd.s32 s14, s17;
	s17 =	sadd.s32 $0x280, s17;
	s15 =	sadd.s32 $0x3F600, s15  }
0x11: {  	s13 =	sadd.s32 s13, s17;
	s14 =	sadd.s32 s14, s17;
	s17 =	simm.s32 $0x2800  }
.LBB2_1:
0x12: {  	[tilespmem:s17], [sflag:$0x3] =	stream.linear.gather [hbm4b:s5+s3], $0x4000, $0x38;
	[tilespmem:$0x1E800] =	vst v63  }
0x13: {  	_ =	swait.ge [sflag:s18], $0x4000  }
0x14: {  	[sflag:s18] =	ssyncset.done $0x0  }
0x15: {  	[sflag:s18] =	ssyncadd.s32 $0xFFFFC000  }
0x16: {  	[spmem:s6] =	stream.linear.scatter [tilespmem:s17], [sflag:$0x3], $0x4000, $0x38;
	[tilespmem:$0x1E800] =	vst v63  }
0x17: {  	_ =	swait.ge [sflag:s18], $0x4000  }
0x18: {  	[sflag:s18] =	ssyncset.done $0x0  }
0x19: {  	[sflag:s18] =	ssyncadd.s32 $0xFFFFC000  }
0x1a: {  	[spmem:s7] =	stream.linear.scatter [tilespmem:s17], [sflag:$0x3], $0x4000, $0x38;
	[tilespmem:$0x1E800] =	vst v63  }
0x1b: {  	_ =	swait.ge [sflag:s18], $0x4000  }
0x1c: {  	[sflag:s18] =	ssyncset.done $0x0  }
0x1d: {  	[sflag:s18] =	ssyncadd.s32 $0xFFFFC000  }
0x1e: {  	[spmem:s8] =	stream.linear.scatter [tilespmem:s17], [sflag:$0x3], $0x4000, $0x38;
	[tilespmem:$0x1E800] =	vst v63  }
0x1f: {  	_ =	swait.ge [sflag:s18], $0x4000  }
0x20: {  	[sflag:s18] =	ssyncset.done $0x0  }
0x21: {  	[sflag:s18] =	ssyncadd.s32 $0xFFFFC000  }
0x22: {  	[spmem:s9] =	stream.linear.scatter [tilespmem:s17], [sflag:$0x3], $0x4000, $0x38;
	[tilespmem:$0x1E800] =	vst v63  }
0x23: {  	_ =	swait.ge [sflag:s18], $0x4000  }
0x24: {  	[sflag:s18] =	ssyncset.done $0x0  }
0x25: {  	[sflag:s18] =	ssyncadd.s32 $0xFFFFC000  }
0x26: {  	[spmem:s10] =	stream.linear.scatter [tilespmem:s17], [sflag:$0x3], $0x4000, $0x38;
	[tilespmem:$0x1E800] =	vst v63  }
0x27: {  	_ =	swait.ge [sflag:s18], $0x4000  }
0x28: {  	[sflag:s18] =	ssyncset.done $0x0  }
0x29: {  	[sflag:s18] =	ssyncadd.s32 $0xFFFFC000  }
0x2a: {  	[bflag:$0x0] =	sbarrier.arrive $0xFFFF  }
0x2b: {  	[tilespmem:s3], [sflag:$0x3] =	stream.linear.gather [hbm4b:s11+s3], $0x1400, $0x38;
	[tilespmem:$0x1E800] =	vst v63  }
0x2c: {  	_ =	swait.ge [sflag:s18], $0x1400  }
0x2d: {  	[sflag:s18] =	ssyncset.done $0x0  }
0x2e: {  	[sflag:s18] =	ssyncadd.s32 $0xFFFFEC00  }
0x2f: {  	[tilespmem:s19], [sflag:$0x3] =	stream.linear.gather [hbm4b:s12+s3], $0x1400, $0x38;
	[tilespmem:$0x1E800] =	vst v63  }
0x30: {  	_ =	swait.ge [sflag:s18], $0x1400  }
0x31: {  	[sflag:s18] =	ssyncset.done $0x0  }
0x32: {  	[sflag:s18] =	ssyncadd.s32 $0xFFFFEC00  }
0x33: {  	[tilespmem:s17], [sflag:$0x1] =	stream.indirect.gather [hbm4b:s4+s20], $0x80, s3, s20, $0xb8;
	[tilespmem:$0x1E800] =	vst v63  }
0x34: {  	s29 =	simm.s32 $0x80  }
0x35: {  	[tilespmem:s21], [sflag:$0x2] =	stream.indirect.gather [hbm4b:s4+s20], $0x80, s29, s20, $0xb8;
	[tilespmem:$0x1E800] =	vst v63  }
0x36: {  	_ =	swait.ge [sflag:s22], $0x4000  }
0x37: {  	[sflag:s22] =	ssyncset.done $0x0  }
0x38: {  	s29 =	simm.s32 $0x1400;
	[sflag:s22] =	ssyncadd.s32 $0xFFFFC000  }
0x39: {  	[spmem:s1] =	stream.indirect.scatter.add.f32 [tilespmem:s17], [sflag:$0x3], $0x80, s29, s20, $0xb8;
	[tilespmem:$0x1E800] =	vst v63  }
0x3a: {  	_ =	swait.ge [sflag:s18], $0x4000  }
0x3b: {  	[sflag:s18] =	ssyncset.done $0x0  }
0x3c: {  	s29 =	simm.s32 $0x100;
	[sflag:s18] =	ssyncadd.s32 $0xFFFFC000  }
0x3d: {  	[tilespmem:s17], [sflag:$0x1] =	stream.indirect.gather [hbm4b:s4+s20], $0x80, s29, s20, $0xb8;
	[tilespmem:$0x1E800] =	vst v63  }
0x3e: {  	_ =	swait.ge [sflag:s23], $0x4000  }
0x3f: {  	[sflag:s23] =	ssyncset.done $0x0  }
0x40: {  	s29 =	simm.s32 $0x1480;
	[sflag:s23] =	ssyncadd.s32 $0xFFFFC000  }
0x41: {  	[spmem:s1] =	stream.indirect.scatter.add.f32 [tilespmem:s21], [sflag:$0x3], $0x80, s29, s20, $0xb8;
	[tilespmem:$0x1E800] =	vst v63  }
0x42: {  	_ =	swait.ge [sflag:s18], $0x4000  }
0x43: {  	s30 =	simm.s32 $0x800;
	s29 =	simm.s32 $0x100;
	[sflag:s18] =	ssyncset.done $0x0  }
.LBB2_2:
0x44: {  	s31 =	sadd.s32 $0x80, s29  }
0x45: {  	[sflag:s18] =	ssyncadd.s32 $0xFFFFC000;
	s0 =	smov.u32 s30;
	s2 =	sadd.s32 $0x400, s30  }
0x46: {  	[tilespmem:s21], [sflag:$0x2] =	stream.indirect.gather [hbm4b:s4+s20], $0x80, s31, s20, $0xb8;
	[tilespmem:$0x1E800] =	vst v63  }
0x47: {  	p0 =	sne.s32 s30, $0x4800;
	_ =	swait.ge [sflag:s22], $0x4000  }
0x48: {  	[sflag:s22] =	ssyncset.done $0x0  }
0x49: {  	s30 =	sadd.s32 $0x1400, s29;
	[sflag:s22] =	ssyncadd.s32 $0xFFFFC000  }
0x4a: {  	[spmem:s1] =	stream.indirect.scatter.add.f32 [tilespmem:s17], [sflag:$0x3], $0x80, s30, s20, $0xb8;
	[tilespmem:$0x1E800] =	vst v63  }
0x4b: {  	_ =	swait.ge [sflag:s18], $0x4000  }
0x4c: {  	[sflag:s18] =	ssyncset.done $0x0  }
0x4d: {  	s30 =	sadd.s32 $0x100, s29;
	[sflag:s18] =	ssyncadd.s32 $0xFFFFC000  }
0x4e: {  	[tilespmem:s17], [sflag:$0x1] =	stream.indirect.gather [hbm4b:s4+s20], $0x80, s30, s20, $0xb8;
	[tilespmem:$0x1E800] =	vst v63  }
0x4f: {  	_ =	swait.ge [sflag:s23], $0x4000  }
.Ltmp0:
0x50: {  	[sflag:s23] =	ssyncset.done $0x0;
	(pc) =	sbr.rel @p0 .LBB2_2-.Ltmp0, $4  }
0x51: {  	s29 =	sadd.s32 $0x1480, s29;
	[sflag:s23] =	ssyncadd.s32 $0xFFFFC000  }
0x52: {  	[spmem:s1] =	stream.indirect.scatter.add.f32 [tilespmem:s21], [sflag:$0x3], $0x80, s29, s20, $0xb8;
	[tilespmem:$0x1E800] =	vst v63  }
0x53: {  	_ =	swait.ge [sflag:s18], $0x4000  }
0x54: {  	s30 =	smov.u32 s2;
	s29 =	sshra.s32 s0, $0x2;
	[sflag:s18] =	ssyncset.done $0x0  }
0x55: {  	s0 =	sadd.s32 $0x80, s29;
	[sflag:s18] =	ssyncadd.s32 $0xFFFFC000  }
0x56: {  	[tilespmem:s21], [sflag:$0x2] =	stream.indirect.gather [hbm4b:s4+s20], $0x80, s0, s20, $0xb8;
	[tilespmem:$0x1E800] =	vst v63  }
0x57: {  	_ =	swait.ge [sflag:s22], $0x4000  }
0x58: {  	[sflag:s22] =	ssyncset.done $0x0  }
0x59: {  	s2 =	sadd.s32 $0x1400, s29;
	[sflag:s22] =	ssyncadd.s32 $0xFFFFC000  }
0x5a: {  	[spmem:s1] =	stream.indirect.scatter.add.f32 [tilespmem:s17], [sflag:$0x3], $0x80, s2, s20, $0xb8;
	[tilespmem:$0x1E800] =	vst v63  }
0x5b: {  	_ =	swait.ge [sflag:s18], $0x4000  }
0x5c: {  	[sflag:s18] =	ssyncset.done $0x0  }
0x5d: {  	s31 =	sadd.s32 $0x100, s29;
	[sflag:s18] =	ssyncadd.s32 $0xFFFFC000  }
0x5e: {  	[tilespmem:s17], [sflag:$0x1] =	stream.indirect.gather [hbm4b:s4+s20], $0x80, s31, s20, $0xb8;
	[tilespmem:$0x1E800] =	vst v63  }
0x5f: {  	_ =	swait.ge [sflag:s23], $0x4000  }
0x60: {  	[sflag:s23] =	ssyncset.done $0x0  }
0x61: {  	s2 =	sadd.s32 $0x1480, s29;
	[sflag:s23] =	ssyncadd.s32 $0xFFFFC000  }
0x62: {  	[spmem:s1] =	stream.indirect.scatter.add.f32 [tilespmem:s21], [sflag:$0x3], $0x80, s2, s20, $0xb8;
	[tilespmem:$0x1E800] =	vst v63  }
0x63: {  	_ =	swait.ge [sflag:s18], $0x4000  }
0x64: {  	[sflag:s18] =	ssyncset.done $0x0  }
0x65: {  	[sflag:s18] =	ssyncadd.s32 $0xFFFFC000  }
0x66: {  	[tilespmem:s21], [sflag:$0x2] =	stream.indirect.gather [hbm4b:s4+s20], $0x80, s24, s20, $0xb8;
	[tilespmem:$0x1E800] =	vst v63  }
0x67: {  	_ =	swait.ge [sflag:s22], $0x4000  }
0x68: {  	[sflag:s22] =	ssyncset.done $0x0  }
0x69: {  	[sflag:s22] =	ssyncadd.s32 $0xFFFFC000  }
0x6a: {  	[spmem:s1] =	stream.indirect.scatter.add.f32 [tilespmem:s17], [sflag:$0x3], $0x80, s25, s20, $0xb8;
	[tilespmem:$0x1E800] =	vst v63  }
0x6b: {  	_ =	swait.ge [sflag:s18], $0x4000  }
0x6c: {  	[sflag:s18] =	ssyncset.done $0x0  }
0x6d: {  	[sflag:s18] =	ssyncadd.s32 $0xFFFFC000  }
0x6e: {  	_ =	swait.ge [sflag:s23], $0x4000  }
0x6f: {  	[sflag:s23] =	ssyncset.done $0x0  }
0x70: {  	[sflag:s23] =	ssyncadd.s32 $0xFFFFC000  }
0x71: {  	[spmem:s1] =	stream.indirect.scatter.add.f32 [tilespmem:s21], [sflag:$0x3], $0x80, s26, s20, $0xb8;
	[tilespmem:$0x1E800] =	vst v63  }
0x72: {  	_ =	swait.ge [sflag:s18], $0x4000  }
0x73: {  	[sflag:s18] =	ssyncset.done $0x0  }
0x74: {  	s31 =	simm.s32 $0x0;
	[sflag:s18] =	ssyncadd.s32 $0xFFFFC000  }
0x75: {  	[tilespmem:s31], [sflag:$0x3] =	stream.linear.gather [hbm4b:s13+s31], $0x1400, $0x38;
	[tilespmem:$0x1E800] =	vst v63  }
0x76: {  	_ =	swait.ge [sflag:s18], $0x1400  }
0x77: {  	[sflag:s18] =	ssyncset.done $0x0  }
0x78: {  	[sflag:s18] =	ssyncadd.s32 $0xFFFFEC00  }
0x79: {  	[tilespmem:s19], [sflag:$0x3] =	stream.linear.gather [hbm4b:s14+s31], $0x1400, $0x38;
	[tilespmem:$0x1E800] =	vst v63  }
0x7a: {  	_ =	swait.ge [sflag:s18], $0x1400  }
0x7b: {  	[sflag:s18] =	ssyncset.done $0x0  }
0x7c: {  	[sflag:s18] =	ssyncadd.s32 $0xFFFFEC00  }
0x7d: {  	[tilespmem:s17], [sflag:$0x1] =	stream.indirect.gather [hbm4b:s4+s20], $0x80, s31, s20, $0xb8;
	[tilespmem:$0x1E800] =	vst v63  }
0x7e: {  	s2 =	simm.s32 $0x80  }
0x7f: {  	[tilespmem:s21], [sflag:$0x2] =	stream.indirect.gather [hbm4b:s4+s20], $0x80, s2, s20, $0xb8;
	[tilespmem:$0x1E800] =	vst v63  }
0x80: {  	_ =	swait.ge [sflag:s22], $0x4000  }
0x81: {  	[sflag:s22] =	ssyncset.done $0x0  }
0x82: {  	s31 =	simm.s32 $0x1400;
	[sflag:s22] =	ssyncadd.s32 $0xFFFFC000  }
0x83: {  	[spmem:s1] =	stream.indirect.scatter.add.f32 [tilespmem:s17], [sflag:$0x3], $0x80, s31, s20, $0xb8;
	[tilespmem:$0x1E800] =	vst v63  }
0x84: {  	_ =	swait.ge [sflag:s18], $0x4000  }
0x85: {  	[sflag:s18] =	ssyncset.done $0x0  }
0x86: {  	s2 =	simm.s32 $0x100;
	[sflag:s18] =	ssyncadd.s32 $0xFFFFC000  }
0x87: {  	[tilespmem:s17], [sflag:$0x1] =	stream.indirect.gather [hbm4b:s4+s20], $0x80, s2, s20, $0xb8;
	[tilespmem:$0x1E800] =	vst v63  }
0x88: {  	_ =	swait.ge [sflag:s23], $0x4000  }
0x89: {  	[sflag:s23] =	ssyncset.done $0x0  }
0x8a: {  	s31 =	simm.s32 $0x1480;
	[sflag:s23] =	ssyncadd.s32 $0xFFFFC000  }
0x8b: {  	[spmem:s1] =	stream.indirect.scatter.add.f32 [tilespmem:s21], [sflag:$0x3], $0x80, s31, s20, $0xb8;
	[tilespmem:$0x1E800] =	vst v63  }
0x8c: {  	_ =	swait.ge [sflag:s18], $0x4000  }
0x8d: {  	s30 =	simm.s32 $0x800;
	s29 =	simm.s32 $0x100;
	[sflag:s18] =	ssyncset.done $0x0  }
.LBB2_4:
0x8e: {  	s0 =	sadd.s32 $0x80, s29  }
0x8f: {  	[sflag:s18] =	ssyncadd.s32 $0xFFFFC000;
	s2 =	smov.u32 s30;
	s31 =	sadd.s32 $0x400, s30  }
0x90: {  	[tilespmem:s21], [sflag:$0x2] =	stream.indirect.gather [hbm4b:s4+s20], $0x80, s0, s20, $0xb8;
	[tilespmem:$0x1E800] =	vst v63  }
0x91: {  	p0 =	sne.s32 s30, $0x4800;
	_ =	swait.ge [sflag:s22], $0x4000  }
0x92: {  	[sflag:s22] =	ssyncset.done $0x0  }
0x93: {  	s0 =	sadd.s32 $0x1400, s29;
	[sflag:s22] =	ssyncadd.s32 $0xFFFFC000  }
0x94: {  	[spmem:s1] =	stream.indirect.scatter.add.f32 [tilespmem:s17], [sflag:$0x3], $0x80, s0, s20, $0xb8;
	[tilespmem:$0x1E800] =	vst v63  }
0x95: {  	_ =	swait.ge [sflag:s18], $0x4000  }
0x96: {  	[sflag:s18] =	ssyncset.done $0x0  }
0x97: {  	s0 =	sadd.s32 $0x100, s29;
	[sflag:s18] =	ssyncadd.s32 $0xFFFFC000  }
0x98: {  	[tilespmem:s17], [sflag:$0x1] =	stream.indirect.gather [hbm4b:s4+s20], $0x80, s0, s20, $0xb8;
	[tilespmem:$0x1E800] =	vst v63  }
0x99: {  	_ =	swait.ge [sflag:s23], $0x4000  }
.Ltmp1:
0x9a: {  	[sflag:s23] =	ssyncset.done $0x0;
	(pc) =	sbr.rel @p0 .LBB2_4-.Ltmp1, $4  }
0x9b: {  	s0 =	sadd.s32 $0x1480, s29;
	[sflag:s23] =	ssyncadd.s32 $0xFFFFC000  }
0x9c: {  	[spmem:s1] =	stream.indirect.scatter.add.f32 [tilespmem:s21], [sflag:$0x3], $0x80, s0, s20, $0xb8;
	[tilespmem:$0x1E800] =	vst v63  }
0x9d: {  	_ =	swait.ge [sflag:s18], $0x4000  }
0x9e: {  	s30 =	smov.u32 s31;
	s29 =	sshra.s32 s2, $0x2;
	[sflag:s18] =	ssyncset.done $0x0  }
0x9f: {  	s0 =	sadd.s32 $0x80, s29;
	[sflag:s18] =	ssyncadd.s32 $0xFFFFC000  }
0xa0: {  	[tilespmem:s21], [sflag:$0x2] =	stream.indirect.gather [hbm4b:s4+s20], $0x80, s0, s20, $0xb8;
	[tilespmem:$0x1E800] =	vst v63  }
0xa1: {  	_ =	swait.ge [sflag:s22], $0x4000  }
0xa2: {  	[sflag:s22] =	ssyncset.done $0x0  }
0xa3: {  	s31 =	sadd.s32 $0x1400, s29;
	[sflag:s22] =	ssyncadd.s32 $0xFFFFC000  }
0xa4: {  	[spmem:s1] =	stream.indirect.scatter.add.f32 [tilespmem:s17], [sflag:$0x3], $0x80, s31, s20, $0xb8;
	[tilespmem:$0x1E800] =	vst v63  }
0xa5: {  	_ =	swait.ge [sflag:s18], $0x4000  }
0xa6: {  	[sflag:s18] =	ssyncset.done $0x0  }
0xa7: {  	s2 =	sadd.s32 $0x100, s29;
	[sflag:s18] =	ssyncadd.s32 $0xFFFFC000  }
0xa8: {  	[tilespmem:s17], [sflag:$0x1] =	stream.indirect.gather [hbm4b:s4+s20], $0x80, s2, s20, $0xb8;
	[tilespmem:$0x1E800] =	vst v63  }
0xa9: {  	_ =	swait.ge [sflag:s23], $0x4000  }
0xaa: {  	[sflag:s23] =	ssyncset.done $0x0  }
0xab: {  	s30 =	sadd.s32 $0x1480, s29;
	[sflag:s23] =	ssyncadd.s32 $0xFFFFC000  }
0xac: {  	[spmem:s1] =	stream.indirect.scatter.add.f32 [tilespmem:s21], [sflag:$0x3], $0x80, s30, s20, $0xb8;
	[tilespmem:$0x1E800] =	vst v63  }
0xad: {  	_ =	swait.ge [sflag:s18], $0x4000  }
0xae: {  	[sflag:s18] =	ssyncset.done $0x0  }
0xaf: {  	[sflag:s18] =	ssyncadd.s32 $0xFFFFC000  }
0xb0: {  	[tilespmem:s21], [sflag:$0x2] =	stream.indirect.gather [hbm4b:s4+s20], $0x80, s24, s20, $0xb8;
	[tilespmem:$0x1E800] =	vst v63  }
0xb1: {  	_ =	swait.ge [sflag:s22], $0x4000  }
0xb2: {  	[sflag:s22] =	ssyncset.done $0x0  }
0xb3: {  	[sflag:s22] =	ssyncadd.s32 $0xFFFFC000  }
0xb4: {  	[spmem:s1] =	stream.indirect.scatter.add.f32 [tilespmem:s17], [sflag:$0x3], $0x80, s25, s20, $0xb8;
	[tilespmem:$0x1E800] =	vst v63  }
0xb5: {  	_ =	swait.ge [sflag:s18], $0x4000  }
0xb6: {  	[sflag:s18] =	ssyncset.done $0x0  }
0xb7: {  	[sflag:s18] =	ssyncadd.s32 $0xFFFFC000  }
0xb8: {  	_ =	swait.ge [sflag:s23], $0x4000  }
0xb9: {  	[sflag:s23] =	ssyncset.done $0x0  }
0xba: {  	[sflag:s23] =	ssyncadd.s32 $0xFFFFC000  }
0xbb: {  	[spmem:s1] =	stream.indirect.scatter.add.f32 [tilespmem:s21], [sflag:$0x3], $0x80, s26, s20, $0xb8;
	[tilespmem:$0x1E800] =	vst v63  }
0xbc: {  	s31 =	stileid.u32;
	_ =	swait.ge [sflag:s18], $0x4000  }
0xbd: {  	s28 =	sadd.s32 $0x1, s28;
	s0 =	sshll.u32 s31, $0x6;
	[sflag:s18] =	ssyncset.done $0x0  }
0xbe: {  	p0 =	sne.s32 s28, s16;
	s0 =	sor.u32 $0x1C03, s0;
	[sflag:s18] =	ssyncadd.s32 $0xFFFFC000  }
.Ltmp2:
0xbf: {  	s2 =	sshrl.u32 s6, $0x3;
	[bflag:$0x0] =	sbarrier.arrive $0xFFFF;
	(pc) =	sbr.rel @p0 .LBB2_1-.Ltmp2, $4  }
0xc0: {  	[hbm:s15], [sflag:s0] =	dma.local [spmem:s2], $0x2800  }
0xc1: {  	_ =	swait.ge [sflag:s18], $0x2800  }
0xc2: {  	[sflag:s18] =	ssyncset.done $0x0  }
0xc3: {  	[sflag:s18] =	ssyncadd.s32 $0xFFFFD800  }
0xc4: {  	_ =	sfence.sel $0x180000  }
0xc5: {  	[bflag:$0x0] =	sbarrier.arrive $0xFFFF  }
0xc6: {  	_ =	strace $0x90000047  }
0xc7: {  	s0 =	stileid.u32;
	[bflag:$0x2] =	sbarrier.arrive $0xFFFF  }
0xc8: {  	p0 =	sne.s32 s0, $0x0;
	s0 =	rddreg [dreg:$0x2]  }
0xc9: {  	s0 =	sadd.s32 @!p0 $0x100000, s0  }
0xca: {  	[sflag:s0] =	ssyncadd.tile.s32 @!p0 $0x1;
	_ =	shalt  }
.Lfunc_end2:
_tile_overlayer_lowered:
.L_overlay_start_2:
0xcb: {  	(tag) =	ssettag $0x2  }
0xcc: {  	s0 =	rddreg [dreg:$0x0];
	s2 =	stileid.u32  }
0xcd: {  	s1 =	rddreg [dreg:$0x1];
	p0 =	sne.s32 s2, $0x0  }
0xce: {  	s3 =	rddreg [dreg:$0x2];
	[bflag:$0x3] =	sbarrier.arrive $0xFFFF;
	s2 =	simm.s32 @!p0 $0x1C03  }
0xcf: {  	[timem:s3], [sflag:s2] =	dma.local @!p0 [hbm:s0], s1  }
0xd0: {  	s0 =	simm.s32 @!p0 $0x3  }
0xd1: {  	_ =	swait.ge @!p0 [sflag:s0], s1  }
0xd2: {  	s1 =	ssub.s32 @!p0 $0x0, s1;
	[sflag:s0] =	ssyncset.done @!p0 $0x0  }
0xd3: {  	[sflag:s0] =	ssyncadd.s32 @!p0 s1  }
0xd4: {  	[bflag:$0x3] =	sbarrier.arrive $0xFFFF  }
0xd5: {  	_ =	shalt  }

</sc_bundles>
